<compile_context>
chip_gen: v7x
topology: tpu7x:2x2x1
jax: 0.10.2.dev20260603
libtpu: 0.0.44.dev20260713+nightly
codegen_flags: <defaults>
</compile_context>

<pallas_src>
import jax
import jax.numpy as jnp
from jax import lax
from jax.experimental import pallas as pl
from jax.experimental.pallas import tpu as pltpu
from jax.experimental.pallas import tpu_sc as plsc

_NW = 32
_RC = 61
_CHUNKS = 8
_WR = _RC * _CHUNKS
_N = 2_000_000
_R = _N // 128
_TROW = _NW * _WR
_TAILR = _R - _TROW
_TBL = 64


def _sc_body(x_hbm, z_hbm, t_hbm, out_hbm, tbl_v,
             zb0, zb1, xb0, xb1, ob0, ob1, zbt, xbt,
             sz0, sz1, sx0, sx1, so0, so1, st, stz, stx):
    wid = lax.axis_index("s") * 2 + lax.axis_index("c")
    dt = pltpu.async_copy(t_hbm, tbl_v.at[pl.ds(0, 54)], st)
    dtz = pltpu.async_copy(z_hbm.at[pl.ds(_TROW * 128, _TAILR * 128)],
                           zbt, stz)
    dtx = pltpu.async_copy(x_hbm.at[pl.ds(_TROW, _TAILR)], xbt, stx)
    zb, xb, ob = (zb0, zb1), (xb0, xb1), (ob0, ob1)
    sz, sx, so = (sz0, sz1), (sx0, sx1), (so0, so1)
    row0 = wid * _WR

    def start_in(c, b):
        r = row0 + c * _RC
        dz = pltpu.async_copy(z_hbm.at[pl.ds(r * 128, _RC * 128)],
                              zb[b], sz[b])
        dx = pltpu.async_copy(x_hbm.at[pl.ds(r, _RC)], xb[b], sx[b])
        return dz, dx

    def compute(zv, xv, ov, rows):
        @plsc.parallel_loop(0, rows, 1)
        def _compute(r):
            for l in range(8):
                s = l * 16
                idx = zv[pl.ds(r * 128 + s, 16)]
                sh = plsc.load_gather(tbl_v, [idx])
                ov[r, 0, pl.ds(s, 16)] = xv[r, 0, pl.ds(s, 16)] + sh

    in_d = {0: start_in(0, 0)}
    out_d = {}
    dt.wait()
    for c in range(_CHUNKS):
        cur = c & 1
        if c + 1 < _CHUNKS:
            in_d[c + 1] = start_in(c + 1, cur ^ 1)
        dz, dx = in_d.pop(c)
        dz.wait()
        dx.wait()
        if c >= 2:
            out_d.pop(c - 2).wait()
        compute(zb[cur], xb[cur], ob[cur], _RC)
        out_d[c] = pltpu.async_copy(
            ob[cur], out_hbm.at[pl.ds(row0 + c * _RC, _RC)], so[cur])

    for c in sorted(out_d):
        out_d[c].wait()
    dtz.wait()
    dtx.wait()

    @pl.when(wid == 0)
    def _tail():
        compute(zbt, xbt, ob0, _TAILR)
        pltpu.sync_copy(ob0.at[pl.ds(0, _TAILR)],
                        out_hbm.at[pl.ds(_TROW, _TAILR)])


def kernel(inputs, z, shift_table):
    n = inputs.shape[0]
    x3 = inputs.reshape(_R, 1, 128)
    zi = z.astype(jnp.int32)
    tbl = shift_table.reshape(-1)
    mesh = plsc.VectorSubcoreMesh(core_axis_name="c", subcore_axis_name="s")
    out = pl.kernel(
        _sc_body,
        out_type=jax.ShapeDtypeStruct((_R, 1, 128), jnp.float32),
        mesh=mesh,
        compiler_params=pltpu.CompilerParams(needs_layout_passes=False),
        scratch_types=[
            pltpu.VMEM((_TBL,), jnp.float32),
            pltpu.VMEM((_RC * 128,), jnp.int32),
            pltpu.VMEM((_RC * 128,), jnp.int32),
            pltpu.VMEM((_RC, 1, 128), jnp.float32),
            pltpu.VMEM((_RC, 1, 128), jnp.float32),
            pltpu.VMEM((_RC, 1, 128), jnp.float32),
            pltpu.VMEM((_RC, 1, 128), jnp.float32),
            pltpu.VMEM((_TAILR * 128,), jnp.int32),
            pltpu.VMEM((_TAILR, 1, 128), jnp.float32),
            pltpu.SemaphoreType.DMA,
            pltpu.SemaphoreType.DMA,
            pltpu.SemaphoreType.DMA,
            pltpu.SemaphoreType.DMA,
            pltpu.SemaphoreType.DMA,
            pltpu.SemaphoreType.DMA,
            pltpu.SemaphoreType.DMA,
            pltpu.SemaphoreType.DMA,
            pltpu.SemaphoreType.DMA,
        ],
    )(x3, zi, tbl)
    return out.reshape(n, 1)

# --- scband reference (transcript-rebuilt; emitter-appended) ---
"""Pipeline reference for scband-scale-shift-75874892251855 (READ-ONLY COPY).

The authoritative reference and input builder live on the scoring server;
editing this copy changes nothing except your own understanding.
"""

import jax, jax.numpy as jnp
import numpy as np

Z_ATOMS = np.array([1, 6, 7, 8, 9, 15, 16, 17, 35, 53], dtype=np.int64)
SHIFT_VALS = np.array([-0.5, 1.25, -2.3, 0.75, 3.1, -1.6, 0.4, 2.2, -0.9, 1.8], dtype=np.float32)
Z_MAX = int(Z_ATOMS.max())
N = 2000000


def setup_inputs(seed: int = 0) -> dict:
    key = jax.random.key(seed)
    k1, k2 = jax.random.split(key)
    inputs = jax.random.normal(k1, (N, 1), dtype=jnp.float32)
    z = jax.random.randint(k2, (N,), 0, Z_MAX + 1, dtype=jnp.int64)
    # Build the pretrained shift embedding table exactly as the torch __init__ does:
    # shift_dense = zeros(z_max + 1); shift_dense[z_atoms] = shift; table = shift_dense.reshape(-1, 1)
    shift_dense = jnp.zeros((Z_MAX + 1,), dtype=jnp.float32).at[jnp.asarray(Z_ATOMS)].set(jnp.asarray(SHIFT_VALS))
    shift_table = shift_dense.reshape(-1, 1)
    return {"inputs": inputs, "z": z, "shift_table": shift_table}


def reference(inputs, z, shift_table):
    # outputs = inputs + self.shift(z)  -> embedding gather then elementwise add
    shift = jnp.take(shift_table, z, axis=0)  # [N, 1]
    return inputs + shift

if __name__ == "__main__":
    import jax
    _d = setup_inputs()
    print(jax.jit(kernel)(*tuple(_d.values())))

</pallas_src>

<mosaic_0001>
#map = affine_map<(d0, d1) -> (0, 0, 0)>
#map1 = affine_map<(d0, d1) -> (0)>
module attributes {stable_mosaic.version = 14 : i64} {
  func.func @_sc_body(%arg0: i32, %arg1: i32, %arg2: memref<15625x1x128xf32, #tpu.memory_space<hbm>>, %arg3: memref<2000000xi32, #tpu.memory_space<hbm>>, %arg4: memref<54xf32, #tpu.memory_space<hbm>>, %arg5: memref<15625x1x128xf32, #tpu.memory_space<hbm>>, %arg6: memref<64xf32, #tpu.memory_space<vmem>>, %arg7: memref<7808xi32, #tpu.memory_space<vmem>>, %arg8: memref<7808xi32, #tpu.memory_space<vmem>>, %arg9: memref<61x1x128xf32, #tpu.memory_space<vmem>>, %arg10: memref<61x1x128xf32, #tpu.memory_space<vmem>>, %arg11: memref<61x1x128xf32, #tpu.memory_space<vmem>>, %arg12: memref<61x1x128xf32, #tpu.memory_space<vmem>>, %arg13: memref<1152xi32, #tpu.memory_space<vmem>>, %arg14: memref<9x1x128xf32, #tpu.memory_space<vmem>>, %arg15: memref<!tpu.dma_semaphore, #tpu.memory_space<semaphore_mem>>, %arg16: memref<!tpu.dma_semaphore, #tpu.memory_space<semaphore_mem>>, %arg17: memref<!tpu.dma_semaphore, #tpu.memory_space<semaphore_mem>>, %arg18: memref<!tpu.dma_semaphore, #tpu.memory_space<semaphore_mem>>, %arg19: memref<!tpu.dma_semaphore, #tpu.memory_space<semaphore_mem>>, %arg20: memref<!tpu.dma_semaphore, #tpu.memory_space<semaphore_mem>>, %arg21: memref<!tpu.dma_semaphore, #tpu.memory_space<semaphore_mem>>, %arg22: memref<!tpu.dma_semaphore, #tpu.memory_space<semaphore_mem>>, %arg23: memref<!tpu.dma_semaphore, #tpu.memory_space<semaphore_mem>>) attributes {dimension_semantics = [#tpu.dimension_semantics<core_parallel>, #tpu.dimension_semantics<subcore_parallel>], iteration_bounds = array<i64: 2, 16>, scalar_prefetch = 0 : i64, scratch_operands = 18 : i64, tpu.core_type = #tpu.core_type<sc_vector_subcore>, window_params = [{transform_indices = #map}, {transform_indices = #map1}, {transform_indices = #map1}, {transform_indices = #map}]} {
    %mul3A = arith.constant 2 : i32
    %mul3A_0 = arith.muli %arg1, %mul3A : i32
    %add3A = arith.addi %mul3A_0, %arg0 : i32
    %dma_start3A = arith.constant 0 : i32
    %dma_start3A_1 = tpu.memref_slice %arg6[%dma_start3A] : memref<64xf32, #tpu.memory_space<vmem>> -> memref<54xf32, #tpu.memory_space<vmem>>
    %dma_start3A_2 = arith.constant 0 : i32
    %dma_start3A_3 = tpu.memref_slice %arg6[%dma_start3A_2] : memref<64xf32, #tpu.memory_space<vmem>> -> memref<54xf32, #tpu.memory_space<vmem>>
    tpu.enqueue_dma source(%arg4 : memref<54xf32, #tpu.memory_space<hbm>>) target(%dma_start3A_3 : memref<54xf32, #tpu.memory_space<vmem>>) target_semaphore(%arg21 : memref<!tpu.dma_semaphore, #tpu.memory_space<semaphore_mem>>)
    %dma_start3A_4 = arith.constant 1998848 : i32
    %dma_start3A_5 = tpu.memref_slice %arg3[%dma_start3A_4] : memref<2000000xi32, #tpu.memory_space<hbm>> -> memref<1152xi32, #tpu.memory_space<hbm>>
    %dma_start3A_6 = arith.constant 1998848 : i32
    %dma_start3A_7 = tpu.memref_slice %arg3[%dma_start3A_6] : memref<2000000xi32, #tpu.memory_space<hbm>> -> memref<1152xi32, #tpu.memory_space<hbm>>
    tpu.enqueue_dma source(%dma_start3A_7 : memref<1152xi32, #tpu.memory_space<hbm>>) target(%arg13 : memref<1152xi32, #tpu.memory_space<vmem>>) target_semaphore(%arg22 : memref<!tpu.dma_semaphore, #tpu.memory_space<semaphore_mem>>)
    %dma_start3A_8 = arith.constant 15616 : i32
    %dma_start3A_9 = arith.constant 0 : i32
    %dma_start3A_10 = arith.constant 0 : i32
    %dma_start3A_11 = tpu.memref_slice %arg2[%dma_start3A_8, %dma_start3A_9, %dma_start3A_10] : memref<15625x1x128xf32, #tpu.memory_space<hbm>> -> memref<9x1x128xf32, #tpu.memory_space<hbm>>
    %dma_start3A_12 = arith.constant 15616 : i32
    %dma_start3A_13 = arith.constant 0 : i32
    %dma_start3A_14 = arith.constant 0 : i32
    %dma_start3A_15 = tpu.memref_slice %arg2[%dma_start3A_12, %dma_start3A_13, %dma_start3A_14] : memref<15625x1x128xf32, #tpu.memory_space<hbm>> -> memref<9x1x128xf32, #tpu.memory_space<hbm>>
    tpu.enqueue_dma source(%dma_start3A_15 : memref<9x1x128xf32, #tpu.memory_space<hbm>>) target(%arg14 : memref<9x1x128xf32, #tpu.memory_space<vmem>>) target_semaphore(%arg23 : memref<!tpu.dma_semaphore, #tpu.memory_space<semaphore_mem>>)
    %mul3A_16 = arith.constant 488 : i32
    %mul3A_17 = arith.muli %add3A, %mul3A_16 : i32
    %add3A_18 = arith.constant 0 : i32
    %add3A_19 = arith.addi %mul3A_17, %add3A_18 : i32
    %mul3A_20 = arith.constant 128 : i32
    %mul3A_21 = arith.muli %add3A_19, %mul3A_20 : i32
    %dma_start3A_22 = tpu.memref_slice %arg3[%mul3A_21] : memref<2000000xi32, #tpu.memory_space<hbm>> -> memref<7808xi32, #tpu.memory_space<hbm>>
    %dma_start3A_23 = tpu.memref_slice %arg3[%mul3A_21] : memref<2000000xi32, #tpu.memory_space<hbm>> -> memref<7808xi32, #tpu.memory_space<hbm>>
    tpu.enqueue_dma source(%dma_start3A_23 : memref<7808xi32, #tpu.memory_space<hbm>>) target(%arg7 : memref<7808xi32, #tpu.memory_space<vmem>>) target_semaphore(%arg15 : memref<!tpu.dma_semaphore, #tpu.memory_space<semaphore_mem>>)
    %dma_start3A_24 = arith.constant 0 : i32
    %dma_start3A_25 = arith.constant 0 : i32
    %dma_start3A_26 = tpu.memref_slice %arg2[%add3A_19, %dma_start3A_24, %dma_start3A_25] : memref<15625x1x128xf32, #tpu.memory_space<hbm>> -> memref<61x1x128xf32, #tpu.memory_space<hbm>>
    %dma_start3A_27 = arith.constant 0 : i32
    %dma_start3A_28 = arith.constant 0 : i32
    %dma_start3A_29 = tpu.memref_slice %arg2[%add3A_19, %dma_start3A_27, %dma_start3A_28] : memref<15625x1x128xf32, #tpu.memory_space<hbm>> -> memref<61x1x128xf32, #tpu.memory_space<hbm>>
    tpu.enqueue_dma source(%dma_start3A_29 : memref<61x1x128xf32, #tpu.memory_space<hbm>>) target(%arg9 : memref<61x1x128xf32, #tpu.memory_space<vmem>>) target_semaphore(%arg17 : memref<!tpu.dma_semaphore, #tpu.memory_space<semaphore_mem>>)
    %dma_wait3A = arith.constant 0 : i32
    %dma_wait3A_30 = tpu.memref_slice %arg6[%dma_wait3A] : memref<64xf32, #tpu.memory_space<vmem>> -> memref<54xf32, #tpu.memory_space<vmem>>
    %dma_wait3A_31 = arith.constant 0 : i32
    %dma_wait3A_32 = tpu.memref_slice %arg6[%dma_wait3A_31] : memref<64xf32, #tpu.memory_space<vmem>> -> memref<54xf32, #tpu.memory_space<vmem>>
    tpu.wait_dma2 semaphore(%arg21 : memref<!tpu.dma_semaphore, #tpu.memory_space<semaphore_mem>>) src(%arg4 : memref<54xf32, #tpu.memory_space<hbm>>) dst(%dma_wait3A_32 : memref<54xf32, #tpu.memory_space<vmem>>)
    %add3A_33 = arith.constant 61 : i32
    %add3A_34 = arith.addi %mul3A_17, %add3A_33 : i32
    %mul3A_35 = arith.constant 128 : i32
    %mul3A_36 = arith.muli %add3A_34, %mul3A_35 : i32
    %dma_start3A_37 = tpu.memref_slice %arg3[%mul3A_36] : memref<2000000xi32, #tpu.memory_space<hbm>> -> memref<7808xi32, #tpu.memory_space<hbm>>
    %dma_start3A_38 = tpu.memref_slice %arg3[%mul3A_36] : memref<2000000xi32, #tpu.memory_space<hbm>> -> memref<7808xi32, #tpu.memory_space<hbm>>
    tpu.enqueue_dma source(%dma_start3A_38 : memref<7808xi32, #tpu.memory_space<hbm>>) target(%arg8 : memref<7808xi32, #tpu.memory_space<vmem>>) target_semaphore(%arg16 : memref<!tpu.dma_semaphore, #tpu.memory_space<semaphore_mem>>)
    %dma_start3A_39 = arith.constant 0 : i32
    %dma_start3A_40 = arith.constant 0 : i32
    %dma_start3A_41 = tpu.memref_slice %arg2[%add3A_34, %dma_start3A_39, %dma_start3A_40] : memref<15625x1x128xf32, #tpu.memory_space<hbm>> -> memref<61x1x128xf32, #tpu.memory_space<hbm>>
    %dma_start3A_42 = arith.constant 0 : i32
    %dma_start3A_43 = arith.constant 0 : i32
    %dma_start3A_44 = tpu.memref_slice %arg2[%add3A_34, %dma_start3A_42, %dma_start3A_43] : memref<15625x1x128xf32, #tpu.memory_space<hbm>> -> memref<61x1x128xf32, #tpu.memory_space<hbm>>
    tpu.enqueue_dma source(%dma_start3A_44 : memref<61x1x128xf32, #tpu.memory_space<hbm>>) target(%arg10 : memref<61x1x128xf32, #tpu.memory_space<vmem>>) target_semaphore(%arg18 : memref<!tpu.dma_semaphore, #tpu.memory_space<semaphore_mem>>)
    %dma_wait3A_45 = tpu.memref_slice %arg3[%mul3A_21] : memref<2000000xi32, #tpu.memory_space<hbm>> -> memref<7808xi32, #tpu.memory_space<hbm>>
    %dma_wait3A_46 = tpu.memref_slice %arg3[%mul3A_21] : memref<2000000xi32, #tpu.memory_space<hbm>> -> memref<7808xi32, #tpu.memory_space<hbm>>
    tpu.wait_dma2 semaphore(%arg15 : memref<!tpu.dma_semaphore, #tpu.memory_space<semaphore_mem>>) src(%dma_wait3A_46 : memref<7808xi32, #tpu.memory_space<hbm>>) dst(%arg7 : memref<7808xi32, #tpu.memory_space<vmem>>)
    %dma_wait3A_47 = arith.constant 0 : i32
    %dma_wait3A_48 = arith.constant 0 : i32
    %dma_wait3A_49 = tpu.memref_slice %arg2[%add3A_19, %dma_wait3A_47, %dma_wait3A_48] : memref<15625x1x128xf32, #tpu.memory_space<hbm>> -> memref<61x1x128xf32, #tpu.memory_space<hbm>>
    %dma_wait3A_50 = arith.constant 0 : i32
    %dma_wait3A_51 = arith.constant 0 : i32
    %dma_wait3A_52 = tpu.memref_slice %arg2[%add3A_19, %dma_wait3A_50, %dma_wait3A_51] : memref<15625x1x128xf32, #tpu.memory_space<hbm>> -> memref<61x1x128xf32, #tpu.memory_space<hbm>>
    tpu.wait_dma2 semaphore(%arg17 : memref<!tpu.dma_semaphore, #tpu.memory_space<semaphore_mem>>) src(%dma_wait3A_52 : memref<61x1x128xf32, #tpu.memory_space<hbm>>) dst(%arg9 : memref<61x1x128xf32, #tpu.memory_space<vmem>>)
    %parallel_loop3A = arith.constant 0 : i32
    %parallel_loop3A_53 = arith.constant 61 : i32
    %parallel_loop3A_54 = arith.constant 1 : i32
    scf.for %parallel_loop3A_330 = %parallel_loop3A to %parallel_loop3A_53 step %parallel_loop3A_54  : i32 {
      %parallel_loop3A_331 = arith.constant 128 : i32
      %parallel_loop3A_332 = arith.muli %parallel_loop3A_330, %parallel_loop3A_331 : i32
      %parallel_loop3A_333 = arith.constant 0 : i32
      %parallel_loop3A_334 = arith.addi %parallel_loop3A_332, %parallel_loop3A_333 : i32
      %parallel_loop3A_335 = arith.index_cast %parallel_loop3A_334 : i32 to index
      %parallel_loop3A_336 = tpu.vector_load %arg7[%parallel_loop3A_335] {strides = array<i32>} : memref<7808xi32, #tpu.memory_space<vmem>>, vector<16xi32>,
      %parallel_loop3A_337 = tpu.vector_load_idx %arg6[%parallel_loop3A_336] : memref<64xf32, #tpu.memory_space<vmem>>[vector<16xi32>], vector<16xf32>,
      %parallel_loop3A_338 = arith.constant 0 : i32
      %parallel_loop3A_339 = arith.index_cast %parallel_loop3A_330 : i32 to index
      %parallel_loop3A_340 = arith.index_cast %parallel_loop3A_338 : i32 to index
      %parallel_loop3A_341 = arith.constant 0 : index
      %parallel_loop3A_342 = tpu.vector_load %arg9[%parallel_loop3A_339, %parallel_loop3A_340, %parallel_loop3A_341] {strides = array<i32>} : memref<61x1x128xf32, #tpu.memory_space<vmem>>, vector<16xf32>,
      %parallel_loop3A_343 = arith.addf %parallel_loop3A_342, %parallel_loop3A_337 : vector<16xf32>
      %parallel_loop3A_344 = arith.constant 0 : i32
      %parallel_loop3A_345 = arith.index_cast %parallel_loop3A_330 : i32 to index
      %parallel_loop3A_346 = arith.index_cast %parallel_loop3A_344 : i32 to index
      %parallel_loop3A_347 = arith.constant 0 : index
      %parallel_loop3A_348 = tpu.vector_load %arg11[%parallel_loop3A_345, %parallel_loop3A_346, %parallel_loop3A_347] {strides = array<i32>} : memref<61x1x128xf32, #tpu.memory_space<vmem>>, vector<16xf32>,
      tpu.vector_store %arg11[%parallel_loop3A_345, %parallel_loop3A_346, %parallel_loop3A_347], %parallel_loop3A_343 {strides = array<i32>} : memref<61x1x128xf32, #tpu.memory_space<vmem>>, vector<16xf32>,
      %parallel_loop3A_349 = arith.constant 128 : i32
      %parallel_loop3A_350 = arith.muli %parallel_loop3A_330, %parallel_loop3A_349 : i32
      %parallel_loop3A_351 = arith.constant 16 : i32
      %parallel_loop3A_352 = arith.addi %parallel_loop3A_350, %parallel_loop3A_351 : i32
      %parallel_loop3A_353 = arith.index_cast %parallel_loop3A_352 : i32 to index
      %parallel_loop3A_354 = tpu.vector_load %arg7[%parallel_loop3A_353] {strides = array<i32>} : memref<7808xi32, #tpu.memory_space<vmem>>, vector<16xi32>,
      %parallel_loop3A_355 = tpu.vector_load_idx %arg6[%parallel_loop3A_354] : memref<64xf32, #tpu.memory_space<vmem>>[vector<16xi32>], vector<16xf32>,
      %parallel_loop3A_356 = arith.constant 0 : i32
      %parallel_loop3A_357 = arith.index_cast %parallel_loop3A_330 : i32 to index
      %parallel_loop3A_358 = arith.index_cast %parallel_loop3A_356 : i32 to index
      %parallel_loop3A_359 = arith.constant 16 : index
      %parallel_loop3A_360 = tpu.vector_load %arg9[%parallel_loop3A_357, %parallel_loop3A_358, %parallel_loop3A_359] {strides = array<i32>} : memref<61x1x128xf32, #tpu.memory_space<vmem>>, vector<16xf32>,
      %parallel_loop3A_361 = arith.addf %parallel_loop3A_360, %parallel_loop3A_355 : vector<16xf32>
      %parallel_loop3A_362 = arith.constant 0 : i32
      %parallel_loop3A_363 = arith.index_cast %parallel_loop3A_330 : i32 to index
      %parallel_loop3A_364 = arith.index_cast %parallel_loop3A_362 : i32 to index
      %parallel_loop3A_365 = arith.constant 16 : index
      %parallel_loop3A_366 = tpu.vector_load %arg11[%parallel_loop3A_363, %parallel_loop3A_364, %parallel_loop3A_365] {strides = array<i32>} : memref<61x1x128xf32, #tpu.memory_space<vmem>>, vector<16xf32>,
      tpu.vector_store %arg11[%parallel_loop3A_363, %parallel_loop3A_364, %parallel_loop3A_365], %parallel_loop3A_361 {strides = array<i32>} : memref<61x1x128xf32, #tpu.memory_space<vmem>>, vector<16xf32>,
      %parallel_loop3A_367 = arith.constant 128 : i32
      %parallel_loop3A_368 = arith.muli %parallel_loop3A_330, %parallel_loop3A_367 : i32
      %parallel_loop3A_369 = arith.constant 32 : i32
      %parallel_loop3A_370 = arith.addi %parallel_loop3A_368, %parallel_loop3A_369 : i32
      %parallel_loop3A_371 = arith.index_cast %parallel_loop3A_370 : i32 to index
      %parallel_loop3A_372 = tpu.vector_load %arg7[%parallel_loop3A_371] {strides = array<i32>} : memref<7808xi32, #tpu.memory_space<vmem>>, vector<16xi32>,
      %parallel_loop3A_373 = tpu.vector_load_idx %arg6[%parallel_loop3A_372] : memref<64xf32, #tpu.memory_space<vmem>>[vector<16xi32>], vector<16xf32>,
      %parallel_loop3A_374 = arith.constant 0 : i32
      %parallel_loop3A_375 = arith.index_cast %parallel_loop3A_330 : i32 to index
      %parallel_loop3A_376 = arith.index_cast %parallel_loop3A_374 : i32 to index
      %parallel_loop3A_377 = arith.constant 32 : index
      %parallel_loop3A_378 = tpu.vector_load %arg9[%parallel_loop3A_375, %parallel_loop3A_376, %parallel_loop3A_377] {strides = array<i32>} : memref<61x1x128xf32, #tpu.memory_space<vmem>>, vector<16xf32>,
      %parallel_loop3A_379 = arith.addf %parallel_loop3A_378, %parallel_loop3A_373 : vector<16xf32>
      %parallel_loop3A_380 = arith.constant 0 : i32
      %parallel_loop3A_381 = arith.index_cast %parallel_loop3A_330 : i32 to index
      %parallel_loop3A_382 = arith.index_cast %parallel_loop3A_380 : i32 to index
      %parallel_loop3A_383 = arith.constant 32 : index
      %parallel_loop3A_384 = tpu.vector_load %arg11[%parallel_loop3A_381, %parallel_loop3A_382, %parallel_loop3A_383] {strides = array<i32>} : memref<61x1x128xf32, #tpu.memory_space<vmem>>, vector<16xf32>,
      tpu.vector_store %arg11[%parallel_loop3A_381, %parallel_loop3A_382, %parallel_loop3A_383], %parallel_loop3A_379 {strides = array<i32>} : memref<61x1x128xf32, #tpu.memory_space<vmem>>, vector<16xf32>,
      %parallel_loop3A_385 = arith.constant 128 : i32
      %parallel_loop3A_386 = arith.muli %parallel_loop3A_330, %parallel_loop3A_385 : i32
      %parallel_loop3A_387 = arith.constant 48 : i32
      %parallel_loop3A_388 = arith.addi %parallel_loop3A_386, %parallel_loop3A_387 : i32
      %parallel_loop3A_389 = arith.index_cast %parallel_loop3A_388 : i32 to index
      %parallel_loop3A_390 = tpu.vector_load %arg7[%parallel_loop3A_389] {strides = array<i32>} : memref<7808xi32, #tpu.memory_space<vmem>>, vector<16xi32>,
      %parallel_loop3A_391 = tpu.vector_load_idx %arg6[%parallel_loop3A_390] : memref<64xf32, #tpu.memory_space<vmem>>[vector<16xi32>], vector<16xf32>,
      %parallel_loop3A_392 = arith.constant 0 : i32
      %parallel_loop3A_393 = arith.index_cast %parallel_loop3A_330 : i32 to index
      %parallel_loop3A_394 = arith.index_cast %parallel_loop3A_392 : i32 to index
      %parallel_loop3A_395 = arith.constant 48 : index
      %parallel_loop3A_396 = tpu.vector_load %arg9[%parallel_loop3A_393, %parallel_loop3A_394, %parallel_loop3A_395] {strides = array<i32>} : memref<61x1x128xf32, #tpu.memory_space<vmem>>, vector<16xf32>,
      %parallel_loop3A_397 = arith.addf %parallel_loop3A_396, %parallel_loop3A_391 : vector<16xf32>
      %parallel_loop3A_398 = arith.constant 0 : i32
      %parallel_loop3A_399 = arith.index_cast %parallel_loop3A_330 : i32 to index
      %parallel_loop3A_400 = arith.index_cast %parallel_loop3A_398 : i32 to index
      %parallel_loop3A_401 = arith.constant 48 : index
      %parallel_loop3A_402 = tpu.vector_load %arg11[%parallel_loop3A_399, %parallel_loop3A_400, %parallel_loop3A_401] {strides = array<i32>} : memref<61x1x128xf32, #tpu.memory_space<vmem>>, vector<16xf32>,
      tpu.vector_store %arg11[%parallel_loop3A_399, %parallel_loop3A_400, %parallel_loop3A_401], %parallel_loop3A_397 {strides = array<i32>} : memref<61x1x128xf32, #tpu.memory_space<vmem>>, vector<16xf32>,
      %parallel_loop3A_403 = arith.constant 128 : i32
      %parallel_loop3A_404 = arith.muli %parallel_loop3A_330, %parallel_loop3A_403 : i32
      %parallel_loop3A_405 = arith.constant 64 : i32
      %parallel_loop3A_406 = arith.addi %parallel_loop3A_404, %parallel_loop3A_405 : i32
      %parallel_loop3A_407 = arith.index_cast %parallel_loop3A_406 : i32 to index
      %parallel_loop3A_408 = tpu.vector_load %arg7[%parallel_loop3A_407] {strides = array<i32>} : memref<7808xi32, #tpu.memory_space<vmem>>, vector<16xi32>,
      %parallel_loop3A_409 = tpu.vector_load_idx %arg6[%parallel_loop3A_408] : memref<64xf32, #tpu.memory_space<vmem>>[vector<16xi32>], vector<16xf32>,
      %parallel_loop3A_410 = arith.constant 0 : i32
      %parallel_loop3A_411 = arith.index_cast %parallel_loop3A_330 : i32 to index
      %parallel_loop3A_412 = arith.index_cast %parallel_loop3A_410 : i32 to index
      %parallel_loop3A_413 = arith.constant 64 : index
      %parallel_loop3A_414 = tpu.vector_load %arg9[%parallel_loop3A_411, %parallel_loop3A_412, %parallel_loop3A_413] {strides = array<i32>} : memref<61x1x128xf32, #tpu.memory_space<vmem>>, vector<16xf32>,
      %parallel_loop3A_415 = arith.addf %parallel_loop3A_414, %parallel_loop3A_409 : vector<16xf32>
      %parallel_loop3A_416 = arith.constant 0 : i32
      %parallel_loop3A_417 = arith.index_cast %parallel_loop3A_330 : i32 to index
      %parallel_loop3A_418 = arith.index_cast %parallel_loop3A_416 : i32 to index
      %parallel_loop3A_419 = arith.constant 64 : index
      %parallel_loop3A_420 = tpu.vector_load %arg11[%parallel_loop3A_417, %parallel_loop3A_418, %parallel_loop3A_419] {strides = array<i32>} : memref<61x1x128xf32, #tpu.memory_space<vmem>>, vector<16xf32>,
      tpu.vector_store %arg11[%parallel_loop3A_417, %parallel_loop3A_418, %parallel_loop3A_419], %parallel_loop3A_415 {strides = array<i32>} : memref<61x1x128xf32, #tpu.memory_space<vmem>>, vector<16xf32>,
      %parallel_loop3A_421 = arith.constant 128 : i32
      %parallel_loop3A_422 = arith.muli %parallel_loop3A_330, %parallel_loop3A_421 : i32
      %parallel_loop3A_423 = arith.constant 80 : i32
      %parallel_loop3A_424 = arith.addi %parallel_loop3A_422, %parallel_loop3A_423 : i32
      %parallel_loop3A_425 = arith.index_cast %parallel_loop3A_424 : i32 to index
      %parallel_loop3A_426 = tpu.vector_load %arg7[%parallel_loop3A_425] {strides = array<i32>} : memref<7808xi32, #tpu.memory_space<vmem>>, vector<16xi32>,
      %parallel_loop3A_427 = tpu.vector_load_idx %arg6[%parallel_loop3A_426] : memref<64xf32, #tpu.memory_space<vmem>>[vector<16xi32>], vector<16xf32>,
      %parallel_loop3A_428 = arith.constant 0 : i32
      %parallel_loop3A_429 = arith.index_cast %parallel_loop3A_330 : i32 to index
      %parallel_loop3A_430 = arith.index_cast %parallel_loop3A_428 : i32 to index
      %parallel_loop3A_431 = arith.constant 80 : index
      %parallel_loop3A_432 = tpu.vector_load %arg9[%parallel_loop3A_429, %parallel_loop3A_430, %parallel_loop3A_431] {strides = array<i32>} : memref<61x1x128xf32, #tpu.memory_space<vmem>>, vector<16xf32>,
      %parallel_loop3A_433 = arith.addf %parallel_loop3A_432, %parallel_loop3A_427 : vector<16xf32>
      %parallel_loop3A_434 = arith.constant 0 : i32
      %parallel_loop3A_435 = arith.index_cast %parallel_loop3A_330 : i32 to index
      %parallel_loop3A_436 = arith.index_cast %parallel_loop3A_434 : i32 to index
      %parallel_loop3A_437 = arith.constant 80 : index
      %parallel_loop3A_438 = tpu.vector_load %arg11[%parallel_loop3A_435, %parallel_loop3A_436, %parallel_loop3A_437] {strides = array<i32>} : memref<61x1x128xf32, #tpu.memory_space<vmem>>, vector<16xf32>,
      tpu.vector_store %arg11[%parallel_loop3A_435, %parallel_loop3A_436, %parallel_loop3A_437], %parallel_loop3A_433 {strides = array<i32>} : memref<61x1x128xf32, #tpu.memory_space<vmem>>, vector<16xf32>,
      %parallel_loop3A_439 = arith.constant 128 : i32
      %parallel_loop3A_440 = arith.muli %parallel_loop3A_330, %parallel_loop3A_439 : i32
      %parallel_loop3A_441 = arith.constant 96 : i32
      %parallel_loop3A_442 = arith.addi %parallel_loop3A_440, %parallel_loop3A_441 : i32
      %parallel_loop3A_443 = arith.index_cast %parallel_loop3A_442 : i32 to index
      %parallel_loop3A_444 = tpu.vector_load %arg7[%parallel_loop3A_443] {strides = array<i32>} : memref<7808xi32, #tpu.memory_space<vmem>>, vector<16xi32>,
      %parallel_loop3A_445 = tpu.vector_load_idx %arg6[%parallel_loop3A_444] : memref<64xf32, #tpu.memory_space<vmem>>[vector<16xi32>], vector<16xf32>,
      %parallel_loop3A_446 = arith.constant 0 : i32
      %parallel_loop3A_447 = arith.index_cast %parallel_loop3A_330 : i32 to index
      %parallel_loop3A_448 = arith.index_cast %parallel_loop3A_446 : i32 to index
      %parallel_loop3A_449 = arith.constant 96 : index
      %parallel_loop3A_450 = tpu.vector_load %arg9[%parallel_loop3A_447, %parallel_loop3A_448, %parallel_loop3A_449] {strides = array<i32>} : memref<61x1x128xf32, #tpu.memory_space<vmem>>, vector<16xf32>,
      %parallel_loop3A_451 = arith.addf %parallel_loop3A_450, %parallel_loop3A_445 : vector<16xf32>
      %parallel_loop3A_452 = arith.constant 0 : i32
      %parallel_loop3A_453 = arith.index_cast %parallel_loop3A_330 : i32 to index
      %parallel_loop3A_454 = arith.index_cast %parallel_loop3A_452 : i32 to index
      %parallel_loop3A_455 = arith.constant 96 : index
      %parallel_loop3A_456 = tpu.vector_load %arg11[%parallel_loop3A_453, %parallel_loop3A_454, %parallel_loop3A_455] {strides = array<i32>} : memref<61x1x128xf32, #tpu.memory_space<vmem>>, vector<16xf32>,
      tpu.vector_store %arg11[%parallel_loop3A_453, %parallel_loop3A_454, %parallel_loop3A_455], %parallel_loop3A_451 {strides = array<i32>} : memref<61x1x128xf32, #tpu.memory_space<vmem>>, vector<16xf32>,
      %parallel_loop3A_457 = arith.constant 128 : i32
      %parallel_loop3A_458 = arith.muli %parallel_loop3A_330, %parallel_loop3A_457 : i32
      %parallel_loop3A_459 = arith.constant 112 : i32
      %parallel_loop3A_460 = arith.addi %parallel_loop3A_458, %parallel_loop3A_459 : i32
      %parallel_loop3A_461 = arith.index_cast %parallel_loop3A_460 : i32 to index
      %parallel_loop3A_462 = tpu.vector_load %arg7[%parallel_loop3A_461] {strides = array<i32>} : memref<7808xi32, #tpu.memory_space<vmem>>, vector<16xi32>,
      %parallel_loop3A_463 = tpu.vector_load_idx %arg6[%parallel_loop3A_462] : memref<64xf32, #tpu.memory_space<vmem>>[vector<16xi32>], vector<16xf32>,
      %parallel_loop3A_464 = arith.constant 0 : i32
      %parallel_loop3A_465 = arith.index_cast %parallel_loop3A_330 : i32 to index
      %parallel_loop3A_466 = arith.index_cast %parallel_loop3A_464 : i32 to index
      %parallel_loop3A_467 = arith.constant 112 : index
      %parallel_loop3A_468 = tpu.vector_load %arg9[%parallel_loop3A_465, %parallel_loop3A_466, %parallel_loop3A_467] {strides = array<i32>} : memref<61x1x128xf32, #tpu.memory_space<vmem>>, vector<16xf32>,
      %parallel_loop3A_469 = arith.addf %parallel_loop3A_468, %parallel_loop3A_463 : vector<16xf32>
      %parallel_loop3A_470 = arith.constant 0 : i32
      %parallel_loop3A_471 = arith.index_cast %parallel_loop3A_330 : i32 to index
      %parallel_loop3A_472 = arith.index_cast %parallel_loop3A_470 : i32 to index
      %parallel_loop3A_473 = arith.constant 112 : index
      %parallel_loop3A_474 = tpu.vector_load %arg11[%parallel_loop3A_471, %parallel_loop3A_472, %parallel_loop3A_473] {strides = array<i32>} : memref<61x1x128xf32, #tpu.memory_space<vmem>>, vector<16xf32>,
      tpu.vector_store %arg11[%parallel_loop3A_471, %parallel_loop3A_472, %parallel_loop3A_473], %parallel_loop3A_469 {strides = array<i32>} : memref<61x1x128xf32, #tpu.memory_space<vmem>>, vector<16xf32>,
    } {sc.loop_unroll_factor = 1 : i64, sc.parallel_access}
    %add3A_55 = arith.constant 0 : i32
    %add3A_56 = arith.addi %mul3A_17, %add3A_55 : i32
    %dma_start3A_57 = arith.constant 0 : i32
    %dma_start3A_58 = arith.constant 0 : i32
    %dma_start3A_59 = tpu.memref_slice %arg5[%add3A_56, %dma_start3A_57, %dma_start3A_58] : memref<15625x1x128xf32, #tpu.memory_space<hbm>> -> memref<61x1x128xf32, #tpu.memory_space<hbm>>
    %dma_start3A_60 = arith.constant 0 : i32
    %dma_start3A_61 = arith.constant 0 : i32
    %dma_start3A_62 = tpu.memref_slice %arg5[%add3A_56, %dma_start3A_60, %dma_start3A_61] : memref<15625x1x128xf32, #tpu.memory_space<hbm>> -> memref<61x1x128xf32, #tpu.memory_space<hbm>>
    tpu.enqueue_dma source(%arg11 : memref<61x1x128xf32, #tpu.memory_space<vmem>>) target(%dma_start3A_62 : memref<61x1x128xf32, #tpu.memory_space<hbm>>) target_semaphore(%arg19 : memref<!tpu.dma_semaphore, #tpu.memory_space<semaphore_mem>>)
    %add3A_63 = arith.constant 122 : i32
    %add3A_64 = arith.addi %mul3A_17, %add3A_63 : i32
    %mul3A_65 = arith.constant 128 : i32
    %mul3A_66 = arith.muli %add3A_64, %mul3A_65 : i32
    %dma_start3A_67 = tpu.memref_slice %arg3[%mul3A_66] : memref<2000000xi32, #tpu.memory_space<hbm>> -> memref<7808xi32, #tpu.memory_space<hbm>>
    %dma_start3A_68 = tpu.memref_slice %arg3[%mul3A_66] : memref<2000000xi32, #tpu.memory_space<hbm>> -> memref<7808xi32, #tpu.memory_space<hbm>>
    tpu.enqueue_dma source(%dma_start3A_68 : memref<7808xi32, #tpu.memory_space<hbm>>) target(%arg7 : memref<7808xi32, #tpu.memory_space<vmem>>) target_semaphore(%arg15 : memref<!tpu.dma_semaphore, #tpu.memory_space<semaphore_mem>>)
    %dma_start3A_69 = arith.constant 0 : i32
    %dma_start3A_70 = arith.constant 0 : i32
    %dma_start3A_71 = tpu.memref_slice %arg2[%add3A_64, %dma_start3A_69, %dma_start3A_70] : memref<15625x1x128xf32, #tpu.memory_space<hbm>> -> memref<61x1x128xf32, #tpu.memory_space<hbm>>
    %dma_start3A_72 = arith.constant 0 : i32
    %dma_start3A_73 = arith.constant 0 : i32
    %dma_start3A_74 = tpu.memref_slice %arg2[%add3A_64, %dma_start3A_72, %dma_start3A_73] : memref<15625x1x128xf32, #tpu.memory_space<hbm>> -> memref<61x1x128xf32, #tpu.memory_space<hbm>>
    tpu.enqueue_dma source(%dma_start3A_74 : memref<61x1x128xf32, #tpu.memory_space<hbm>>) target(%arg9 : memref<61x1x128xf32, #tpu.memory_space<vmem>>) target_semaphore(%arg17 : memref<!tpu.dma_semaphore, #tpu.memory_space<semaphore_mem>>)
    %dma_wait3A_75 = tpu.memref_slice %arg3[%mul3A_36] : memref<2000000xi32, #tpu.memory_space<hbm>> -> memref<7808xi32, #tpu.memory_space<hbm>>
    %dma_wait3A_76 = tpu.memref_slice %arg3[%mul3A_36] : memref<2000000xi32, #tpu.memory_space<hbm>> -> memref<7808xi32, #tpu.memory_space<hbm>>
    tpu.wait_dma2 semaphore(%arg16 : memref<!tpu.dma_semaphore, #tpu.memory_space<semaphore_mem>>) src(%dma_wait3A_76 : memref<7808xi32, #tpu.memory_space<hbm>>) dst(%arg8 : memref<7808xi32, #tpu.memory_space<vmem>>)
    %dma_wait3A_77 = arith.constant 0 : i32
    %dma_wait3A_78 = arith.constant 0 : i32
    %dma_wait3A_79 = tpu.memref_slice %arg2[%add3A_34, %dma_wait3A_77, %dma_wait3A_78] : memref<15625x1x128xf32, #tpu.memory_space<hbm>> -> memref<61x1x128xf32, #tpu.memory_space<hbm>>
    %dma_wait3A_80 = arith.constant 0 : i32
    %dma_wait3A_81 = arith.constant 0 : i32
    %dma_wait3A_82 = tpu.memref_slice %arg2[%add3A_34, %dma_wait3A_80, %dma_wait3A_81] : memref<15625x1x128xf32, #tpu.memory_space<hbm>> -> memref<61x1x128xf32, #tpu.memory_space<hbm>>
    tpu.wait_dma2 semaphore(%arg18 : memref<!tpu.dma_semaphore, #tpu.memory_space<semaphore_mem>>) src(%dma_wait3A_82 : memref<61x1x128xf32, #tpu.memory_space<hbm>>) dst(%arg10 : memref<61x1x128xf32, #tpu.memory_space<vmem>>)
    %parallel_loop3A_83 = arith.constant 0 : i32
    %parallel_loop3A_84 = arith.constant 61 : i32
    %parallel_loop3A_85 = arith.constant 1 : i32
    scf.for %parallel_loop3A_330 = %parallel_loop3A_83 to %parallel_loop3A_84 step %parallel_loop3A_85  : i32 {
      %parallel_loop3A_331 = arith.constant 128 : i32
      %parallel_loop3A_332 = arith.muli %parallel_loop3A_330, %parallel_loop3A_331 : i32
      %parallel_loop3A_333 = arith.constant 0 : i32
      %parallel_loop3A_334 = arith.addi %parallel_loop3A_332, %parallel_loop3A_333 : i32
      %parallel_loop3A_335 = arith.index_cast %parallel_loop3A_334 : i32 to index
      %parallel_loop3A_336 = tpu.vector_load %arg8[%parallel_loop3A_335] {strides = array<i32>} : memref<7808xi32, #tpu.memory_space<vmem>>, vector<16xi32>,
      %parallel_loop3A_337 = tpu.vector_load_idx %arg6[%parallel_loop3A_336] : memref<64xf32, #tpu.memory_space<vmem>>[vector<16xi32>], vector<16xf32>,
      %parallel_loop3A_338 = arith.constant 0 : i32
      %parallel_loop3A_339 = arith.index_cast %parallel_loop3A_330 : i32 to index
      %parallel_loop3A_340 = arith.index_cast %parallel_loop3A_338 : i32 to index
      %parallel_loop3A_341 = arith.constant 0 : index
      %parallel_loop3A_342 = tpu.vector_load %arg10[%parallel_loop3A_339, %parallel_loop3A_340, %parallel_loop3A_341] {strides = array<i32>} : memref<61x1x128xf32, #tpu.memory_space<vmem>>, vector<16xf32>,
      %parallel_loop3A_343 = arith.addf %parallel_loop3A_342, %parallel_loop3A_337 : vector<16xf32>
      %parallel_loop3A_344 = arith.constant 0 : i32
      %parallel_loop3A_345 = arith.index_cast %parallel_loop3A_330 : i32 to index
      %parallel_loop3A_346 = arith.index_cast %parallel_loop3A_344 : i32 to index
      %parallel_loop3A_347 = arith.constant 0 : index
      %parallel_loop3A_348 = tpu.vector_load %arg12[%parallel_loop3A_345, %parallel_loop3A_346, %parallel_loop3A_347] {strides = array<i32>} : memref<61x1x128xf32, #tpu.memory_space<vmem>>, vector<16xf32>,
      tpu.vector_store %arg12[%parallel_loop3A_345, %parallel_loop3A_346, %parallel_loop3A_347], %parallel_loop3A_343 {strides = array<i32>} : memref<61x1x128xf32, #tpu.memory_space<vmem>>, vector<16xf32>,
      %parallel_loop3A_349 = arith.constant 128 : i32
      %parallel_loop3A_350 = arith.muli %parallel_loop3A_330, %parallel_loop3A_349 : i32
      %parallel_loop3A_351 = arith.constant 16 : i32
      %parallel_loop3A_352 = arith.addi %parallel_loop3A_350, %parallel_loop3A_351 : i32
      %parallel_loop3A_353 = arith.index_cast %parallel_loop3A_352 : i32 to index
      %parallel_loop3A_354 = tpu.vector_load %arg8[%parallel_loop3A_353] {strides = array<i32>} : memref<7808xi32, #tpu.memory_space<vmem>>, vector<16xi32>,
      %parallel_loop3A_355 = tpu.vector_load_idx %arg6[%parallel_loop3A_354] : memref<64xf32, #tpu.memory_space<vmem>>[vector<16xi32>], vector<16xf32>,
      %parallel_loop3A_356 = arith.constant 0 : i32
      %parallel_loop3A_357 = arith.index_cast %parallel_loop3A_330 : i32 to index
      %parallel_loop3A_358 = arith.index_cast %parallel_loop3A_356 : i32 to index
      %parallel_loop3A_359 = arith.constant 16 : index
      %parallel_loop3A_360 = tpu.vector_load %arg10[%parallel_loop3A_357, %parallel_loop3A_358, %parallel_loop3A_359] {strides = array<i32>} : memref<61x1x128xf32, #tpu.memory_space<vmem>>, vector<16xf32>,
      %parallel_loop3A_361 = arith.addf %parallel_loop3A_360, %parallel_loop3A_355 : vector<16xf32>
      %parallel_loop3A_362 = arith.constant 0 : i32
      %parallel_loop3A_363 = arith.index_cast %parallel_loop3A_330 : i32 to index
      %parallel_loop3A_364 = arith.index_cast %parallel_loop3A_362 : i32 to index
      %parallel_loop3A_365 = arith.constant 16 : index
      %parallel_loop3A_366 = tpu.vector_load %arg12[%parallel_loop3A_363, %parallel_loop3A_364, %parallel_loop3A_365] {strides = array<i32>} : memref<61x1x128xf32, #tpu.memory_space<vmem>>, vector<16xf32>,
      tpu.vector_store %arg12[%parallel_loop3A_363, %parallel_loop3A_364, %parallel_loop3A_365], %parallel_loop3A_361 {strides = array<i32>} : memref<61x1x128xf32, #tpu.memory_space<vmem>>, vector<16xf32>,
      %parallel_loop3A_367 = arith.constant 128 : i32
      %parallel_loop3A_368 = arith.muli %parallel_loop3A_330, %parallel_loop3A_367 : i32
      %parallel_loop3A_369 = arith.constant 32 : i32
      %parallel_loop3A_370 = arith.addi %parallel_loop3A_368, %parallel_loop3A_369 : i32
      %parallel_loop3A_371 = arith.index_cast %parallel_loop3A_370 : i32 to index
      %parallel_loop3A_372 = tpu.vector_load %arg8[%parallel_loop3A_371] {strides = array<i32>} : memref<7808xi32, #tpu.memory_space<vmem>>, vector<16xi32>,
      %parallel_loop3A_373 = tpu.vector_load_idx %arg6[%parallel_loop3A_372] : memref<64xf32, #tpu.memory_space<vmem>>[vector<16xi32>], vector<16xf32>,
      %parallel_loop3A_374 = arith.constant 0 : i32
      %parallel_loop3A_375 = arith.index_cast %parallel_loop3A_330 : i32 to index
      %parallel_loop3A_376 = arith.index_cast %parallel_loop3A_374 : i32 to index
      %parallel_loop3A_377 = arith.constant 32 : index
      %parallel_loop3A_378 = tpu.vector_load %arg10[%parallel_loop3A_375, %parallel_loop3A_376, %parallel_loop3A_377] {strides = array<i32>} : memref<61x1x128xf32, #tpu.memory_space<vmem>>, vector<16xf32>,
      %parallel_loop3A_379 = arith.addf %parallel_loop3A_378, %parallel_loop3A_373 : vector<16xf32>
      %parallel_loop3A_380 = arith.constant 0 : i32
      %parallel_loop3A_381 = arith.index_cast %parallel_loop3A_330 : i32 to index
      %parallel_loop3A_382 = arith.index_cast %parallel_loop3A_380 : i32 to index
      %parallel_loop3A_383 = arith.constant 32 : index
      %parallel_loop3A_384 = tpu.vector_load %arg12[%parallel_loop3A_381, %parallel_loop3A_382, %parallel_loop3A_383] {strides = array<i32>} : memref<61x1x128xf32, #tpu.memory_space<vmem>>, vector<16xf32>,
      tpu.vector_store %arg12[%parallel_loop3A_381, %parallel_loop3A_382, %parallel_loop3A_383], %parallel_loop3A_379 {strides = array<i32>} : memref<61x1x128xf32, #tpu.memory_space<vmem>>, vector<16xf32>,
      %parallel_loop3A_385 = arith.constant 128 : i32
      %parallel_loop3A_386 = arith.muli %parallel_loop3A_330, %parallel_loop3A_385 : i32
      %parallel_loop3A_387 = arith.constant 48 : i32
      %parallel_loop3A_388 = arith.addi %parallel_loop3A_386, %parallel_loop3A_387 : i32
      %parallel_loop3A_389 = arith.index_cast %parallel_loop3A_388 : i32 to index
      %parallel_loop3A_390 = tpu.vector_load %arg8[%parallel_loop3A_389] {strides = array<i32>} : memref<7808xi32, #tpu.memory_space<vmem>>, vector<16xi32>,
      %parallel_loop3A_391 = tpu.vector_load_idx %arg6[%parallel_loop3A_390] : memref<64xf32, #tpu.memory_space<vmem>>[vector<16xi32>], vector<16xf32>,
      %parallel_loop3A_392 = arith.constant 0 : i32
      %parallel_loop3A_393 = arith.index_cast %parallel_loop3A_330 : i32 to index
      %parallel_loop3A_394 = arith.index_cast %parallel_loop3A_392 : i32 to index
      %parallel_loop3A_395 = arith.constant 48 : index
      %parallel_loop3A_396 = tpu.vector_load %arg10[%parallel_loop3A_393, %parallel_loop3A_394, %parallel_loop3A_395] {strides = array<i32>} : memref<61x1x128xf32, #tpu.memory_space<vmem>>, vector<16xf32>,
      %parallel_loop3A_397 = arith.addf %parallel_loop3A_396, %parallel_loop3A_391 : vector<16xf32>
      %parallel_loop3A_398 = arith.constant 0 : i32
      %parallel_loop3A_399 = arith.index_cast %parallel_loop3A_330 : i32 to index
      %parallel_loop3A_400 = arith.index_cast %parallel_loop3A_398 : i32 to index
      %parallel_loop3A_401 = arith.constant 48 : index
      %parallel_loop3A_402 = tpu.vector_load %arg12[%parallel_loop3A_399, %parallel_loop3A_400, %parallel_loop3A_401] {strides = array<i32>} : memref<61x1x128xf32, #tpu.memory_space<vmem>>, vector<16xf32>,
      tpu.vector_store %arg12[%parallel_loop3A_399, %parallel_loop3A_400, %parallel_loop3A_401], %parallel_loop3A_397 {strides = array<i32>} : memref<61x1x128xf32, #tpu.memory_space<vmem>>, vector<16xf32>,
      %parallel_loop3A_403 = arith.constant 128 : i32
      %parallel_loop3A_404 = arith.muli %parallel_loop3A_330, %parallel_loop3A_403 : i32
      %parallel_loop3A_405 = arith.constant 64 : i32
      %parallel_loop3A_406 = arith.addi %parallel_loop3A_404, %parallel_loop3A_405 : i32
      %parallel_loop3A_407 = arith.index_cast %parallel_loop3A_406 : i32 to index
      %parallel_loop3A_408 = tpu.vector_load %arg8[%parallel_loop3A_407] {strides = array<i32>} : memref<7808xi32, #tpu.memory_space<vmem>>, vector<16xi32>,
      %parallel_loop3A_409 = tpu.vector_load_idx %arg6[%parallel_loop3A_408] : memref<64xf32, #tpu.memory_space<vmem>>[vector<16xi32>], vector<16xf32>,
      %parallel_loop3A_410 = arith.constant 0 : i32
      %parallel_loop3A_411 = arith.index_cast %parallel_loop3A_330 : i32 to index
      %parallel_loop3A_412 = arith.index_cast %parallel_loop3A_410 : i32 to index
      %parallel_loop3A_413 = arith.constant 64 : index
      %parallel_loop3A_414 = tpu.vector_load %arg10[%parallel_loop3A_411, %parallel_loop3A_412, %parallel_loop3A_413] {strides = array<i32>} : memref<61x1x128xf32, #tpu.memory_space<vmem>>, vector<16xf32>,
      %parallel_loop3A_415 = arith.addf %parallel_loop3A_414, %parallel_loop3A_409 : vector<16xf32>
      %parallel_loop3A_416 = arith.constant 0 : i32
      %parallel_loop3A_417 = arith.index_cast %parallel_loop3A_330 : i32 to index
      %parallel_loop3A_418 = arith.index_cast %parallel_loop3A_416 : i32 to index
      %parallel_loop3A_419 = arith.constant 64 : index
      %parallel_loop3A_420 = tpu.vector_load %arg12[%parallel_loop3A_417, %parallel_loop3A_418, %parallel_loop3A_419] {strides = array<i32>} : memref<61x1x128xf32, #tpu.memory_space<vmem>>, vector<16xf32>,
      tpu.vector_store %arg12[%parallel_loop3A_417, %parallel_loop3A_418, %parallel_loop3A_419], %parallel_loop3A_415 {strides = array<i32>} : memref<61x1x128xf32, #tpu.memory_space<vmem>>, vector<16xf32>,
      %parallel_loop3A_421 = arith.constant 128 : i32
      %parallel_loop3A_422 = arith.muli %parallel_loop3A_330, %parallel_loop3A_421 : i32
      %parallel_loop3A_423 = arith.constant 80 : i32
      %parallel_loop3A_424 = arith.addi %parallel_loop3A_422, %parallel_loop3A_423 : i32
      %parallel_loop3A_425 = arith.index_cast %parallel_loop3A_424 : i32 to index
      %parallel_loop3A_426 = tpu.vector_load %arg8[%parallel_loop3A_425] {strides = array<i32>} : memref<7808xi32, #tpu.memory_space<vmem>>, vector<16xi32>,
      %parallel_loop3A_427 = tpu.vector_load_idx %arg6[%parallel_loop3A_426] : memref<64xf32, #tpu.memory_space<vmem>>[vector<16xi32>], vector<16xf32>,
      %parallel_loop3A_428 = arith.constant 0 : i32
      %parallel_loop3A_429 = arith.index_cast %parallel_loop3A_330 : i32 to index
      %parallel_loop3A_430 = arith.index_cast %parallel_loop3A_428 : i32 to index
      %parallel_loop3A_431 = arith.constant 80 : index
      %parallel_loop3A_432 = tpu.vector_load %arg10[%parallel_loop3A_429, %parallel_loop3A_430, %parallel_loop3A_431] {strides = array<i32>} : memref<61x1x128xf32, #tpu.memory_space<vmem>>, vector<16xf32>,
      %parallel_loop3A_433 = arith.addf %parallel_loop3A_432, %parallel_loop3A_427 : vector<16xf32>
      %parallel_loop3A_434 = arith.constant 0 : i32
      %parallel_loop3A_435 = arith.index_cast %parallel_loop3A_330 : i32 to index
      %parallel_loop3A_436 = arith.index_cast %parallel_loop3A_434 : i32 to index
      %parallel_loop3A_437 = arith.constant 80 : index
      %parallel_loop3A_438 = tpu.vector_load %arg12[%parallel_loop3A_435, %parallel_loop3A_436, %parallel_loop3A_437] {strides = array<i32>} : memref<61x1x128xf32, #tpu.memory_space<vmem>>, vector<16xf32>,
      tpu.vector_store %arg12[%parallel_loop3A_435, %parallel_loop3A_436, %parallel_loop3A_437], %parallel_loop3A_433 {strides = array<i32>} : memref<61x1x128xf32, #tpu.memory_space<vmem>>, vector<16xf32>,
      %parallel_loop3A_439 = arith.constant 128 : i32
      %parallel_loop3A_440 = arith.muli %parallel_loop3A_330, %parallel_loop3A_439 : i32
      %parallel_loop3A_441 = arith.constant 96 : i32
      %parallel_loop3A_442 = arith.addi %parallel_loop3A_440, %parallel_loop3A_441 : i32
      %parallel_loop3A_443 = arith.index_cast %parallel_loop3A_442 : i32 to index
      %parallel_loop3A_444 = tpu.vector_load %arg8[%parallel_loop3A_443] {strides = array<i32>} : memref<7808xi32, #tpu.memory_space<vmem>>, vector<16xi32>,
      %parallel_loop3A_445 = tpu.vector_load_idx %arg6[%parallel_loop3A_444] : memref<64xf32, #tpu.memory_space<vmem>>[vector<16xi32>], vector<16xf32>,
      %parallel_loop3A_446 = arith.constant 0 : i32
      %parallel_loop3A_447 = arith.index_cast %parallel_loop3A_330 : i32 to index
      %parallel_loop3A_448 = arith.index_cast %parallel_loop3A_446 : i32 to index
      %parallel_loop3A_449 = arith.constant 96 : index
      %parallel_loop3A_450 = tpu.vector_load %arg10[%parallel_loop3A_447, %parallel_loop3A_448, %parallel_loop3A_449] {strides = array<i32>} : memref<61x1x128xf32, #tpu.memory_space<vmem>>, vector<16xf32>,
      %parallel_loop3A_451 = arith.addf %parallel_loop3A_450, %parallel_loop3A_445 : vector<16xf32>
      %parallel_loop3A_452 = arith.constant 0 : i32
      %parallel_loop3A_453 = arith.index_cast %parallel_loop3A_330 : i32 to index
      %parallel_loop3A_454 = arith.index_cast %parallel_loop3A_452 : i32 to index
      %parallel_loop3A_455 = arith.constant 96 : index
      %parallel_loop3A_456 = tpu.vector_load %arg12[%parallel_loop3A_453, %parallel_loop3A_454, %parallel_loop3A_455] {strides = array<i32>} : memref<61x1x128xf32, #tpu.memory_space<vmem>>, vector<16xf32>,
      tpu.vector_store %arg12[%parallel_loop3A_453, %parallel_loop3A_454, %parallel_loop3A_455], %parallel_loop3A_451 {strides = array<i32>} : memref<61x1x128xf32, #tpu.memory_space<vmem>>, vector<16xf32>,
      %parallel_loop3A_457 = arith.constant 128 : i32
      %parallel_loop3A_458 = arith.muli %parallel_loop3A_330, %parallel_loop3A_457 : i32
      %parallel_loop3A_459 = arith.constant 112 : i32
      %parallel_loop3A_460 = arith.addi %parallel_loop3A_458, %parallel_loop3A_459 : i32
      %parallel_loop3A_461 = arith.index_cast %parallel_loop3A_460 : i32 to index
      %parallel_loop3A_462 = tpu.vector_load %arg8[%parallel_loop3A_461] {strides = array<i32>} : memref<7808xi32, #tpu.memory_space<vmem>>, vector<16xi32>,
      %parallel_loop3A_463 = tpu.vector_load_idx %arg6[%parallel_loop3A_462] : memref<64xf32, #tpu.memory_space<vmem>>[vector<16xi32>], vector<16xf32>,
      %parallel_loop3A_464 = arith.constant 0 : i32
      %parallel_loop3A_465 = arith.index_cast %parallel_loop3A_330 : i32 to index
      %parallel_loop3A_466 = arith.index_cast %parallel_loop3A_464 : i32 to index
      %parallel_loop3A_467 = arith.constant 112 : index
      %parallel_loop3A_468 = tpu.vector_load %arg10[%parallel_loop3A_465, %parallel_loop3A_466, %parallel_loop3A_467] {strides = array<i32>} : memref<61x1x128xf32, #tpu.memory_space<vmem>>, vector<16xf32>,
      %parallel_loop3A_469 = arith.addf %parallel_loop3A_468, %parallel_loop3A_463 : vector<16xf32>
      %parallel_loop3A_470 = arith.constant 0 : i32
      %parallel_loop3A_471 = arith.index_cast %parallel_loop3A_330 : i32 to index
      %parallel_loop3A_472 = arith.index_cast %parallel_loop3A_470 : i32 to index
      %parallel_loop3A_473 = arith.constant 112 : index
      %parallel_loop3A_474 = tpu.vector_load %arg12[%parallel_loop3A_471, %parallel_loop3A_472, %parallel_loop3A_473] {strides = array<i32>} : memref<61x1x128xf32, #tpu.memory_space<vmem>>, vector<16xf32>,
      tpu.vector_store %arg12[%parallel_loop3A_471, %parallel_loop3A_472, %parallel_loop3A_473], %parallel_loop3A_469 {strides = array<i32>} : memref<61x1x128xf32, #tpu.memory_space<vmem>>, vector<16xf32>,
    } {sc.loop_unroll_factor = 1 : i64, sc.parallel_access}
    %add3A_86 = arith.constant 61 : i32
    %add3A_87 = arith.addi %mul3A_17, %add3A_86 : i32
    %dma_start3A_88 = arith.constant 0 : i32
    %dma_start3A_89 = arith.constant 0 : i32
    %dma_start3A_90 = tpu.memref_slice %arg5[%add3A_87, %dma_start3A_88, %dma_start3A_89] : memref<15625x1x128xf32, #tpu.memory_space<hbm>> -> memref<61x1x128xf32, #tpu.memory_space<hbm>>
    %dma_start3A_91 = arith.constant 0 : i32
    %dma_start3A_92 = arith.constant 0 : i32
    %dma_start3A_93 = tpu.memref_slice %arg5[%add3A_87, %dma_start3A_91, %dma_start3A_92] : memref<15625x1x128xf32, #tpu.memory_space<hbm>> -> memref<61x1x128xf32, #tpu.memory_space<hbm>>
    tpu.enqueue_dma source(%arg12 : memref<61x1x128xf32, #tpu.memory_space<vmem>>) target(%dma_start3A_93 : memref<61x1x128xf32, #tpu.memory_space<hbm>>) target_semaphore(%arg20 : memref<!tpu.dma_semaphore, #tpu.memory_space<semaphore_mem>>)
    %add3A_94 = arith.constant 183 : i32
    %add3A_95 = arith.addi %mul3A_17, %add3A_94 : i32
    %mul3A_96 = arith.constant 128 : i32
    %mul3A_97 = arith.muli %add3A_95, %mul3A_96 : i32
    %dma_start3A_98 = tpu.memref_slice %arg3[%mul3A_97] : memref<2000000xi32, #tpu.memory_space<hbm>> -> memref<7808xi32, #tpu.memory_space<hbm>>
    %dma_start3A_99 = tpu.memref_slice %arg3[%mul3A_97] : memref<2000000xi32, #tpu.memory_space<hbm>> -> memref<7808xi32, #tpu.memory_space<hbm>>
    tpu.enqueue_dma source(%dma_start3A_99 : memref<7808xi32, #tpu.memory_space<hbm>>) target(%arg8 : memref<7808xi32, #tpu.memory_space<vmem>>) target_semaphore(%arg16 : memref<!tpu.dma_semaphore, #tpu.memory_space<semaphore_mem>>)
    %dma_start3A_100 = arith.constant 0 : i32
    %dma_start3A_101 = arith.constant 0 : i32
    %dma_start3A_102 = tpu.memref_slice %arg2[%add3A_95, %dma_start3A_100, %dma_start3A_101] : memref<15625x1x128xf32, #tpu.memory_space<hbm>> -> memref<61x1x128xf32, #tpu.memory_space<hbm>>
    %dma_start3A_103 = arith.constant 0 : i32
    %dma_start3A_104 = arith.constant 0 : i32
    %dma_start3A_105 = tpu.memref_slice %arg2[%add3A_95, %dma_start3A_103, %dma_start3A_104] : memref<15625x1x128xf32, #tpu.memory_space<hbm>> -> memref<61x1x128xf32, #tpu.memory_space<hbm>>
    tpu.enqueue_dma source(%dma_start3A_105 : memref<61x1x128xf32, #tpu.memory_space<hbm>>) target(%arg10 : memref<61x1x128xf32, #tpu.memory_space<vmem>>) target_semaphore(%arg18 : memref<!tpu.dma_semaphore, #tpu.memory_space<semaphore_mem>>)
    %dma_wait3A_106 = tpu.memref_slice %arg3[%mul3A_66] : memref<2000000xi32, #tpu.memory_space<hbm>> -> memref<7808xi32, #tpu.memory_space<hbm>>
    %dma_wait3A_107 = tpu.memref_slice %arg3[%mul3A_66] : memref<2000000xi32, #tpu.memory_space<hbm>> -> memref<7808xi32, #tpu.memory_space<hbm>>
    tpu.wait_dma2 semaphore(%arg15 : memref<!tpu.dma_semaphore, #tpu.memory_space<semaphore_mem>>) src(%dma_wait3A_107 : memref<7808xi32, #tpu.memory_space<hbm>>) dst(%arg7 : memref<7808xi32, #tpu.memory_space<vmem>>)
    %dma_wait3A_108 = arith.constant 0 : i32
    %dma_wait3A_109 = arith.constant 0 : i32
    %dma_wait3A_110 = tpu.memref_slice %arg2[%add3A_64, %dma_wait3A_108, %dma_wait3A_109] : memref<15625x1x128xf32, #tpu.memory_space<hbm>> -> memref<61x1x128xf32, #tpu.memory_space<hbm>>
    %dma_wait3A_111 = arith.constant 0 : i32
    %dma_wait3A_112 = arith.constant 0 : i32
    %dma_wait3A_113 = tpu.memref_slice %arg2[%add3A_64, %dma_wait3A_111, %dma_wait3A_112] : memref<15625x1x128xf32, #tpu.memory_space<hbm>> -> memref<61x1x128xf32, #tpu.memory_space<hbm>>
    tpu.wait_dma2 semaphore(%arg17 : memref<!tpu.dma_semaphore, #tpu.memory_space<semaphore_mem>>) src(%dma_wait3A_113 : memref<61x1x128xf32, #tpu.memory_space<hbm>>) dst(%arg9 : memref<61x1x128xf32, #tpu.memory_space<vmem>>)
    %dma_wait3A_114 = arith.constant 0 : i32
    %dma_wait3A_115 = arith.constant 0 : i32
    %dma_wait3A_116 = tpu.memref_slice %arg5[%add3A_56, %dma_wait3A_114, %dma_wait3A_115] : memref<15625x1x128xf32, #tpu.memory_space<hbm>> -> memref<61x1x128xf32, #tpu.memory_space<hbm>>
    %dma_wait3A_117 = arith.constant 0 : i32
    %dma_wait3A_118 = arith.constant 0 : i32
    %dma_wait3A_119 = tpu.memref_slice %arg5[%add3A_56, %dma_wait3A_117, %dma_wait3A_118] : memref<15625x1x128xf32, #tpu.memory_space<hbm>> -> memref<61x1x128xf32, #tpu.memory_space<hbm>>
    tpu.wait_dma2 semaphore(%arg19 : memref<!tpu.dma_semaphore, #tpu.memory_space<semaphore_mem>>) src(%arg11 : memref<61x1x128xf32, #tpu.memory_space<vmem>>) dst(%dma_wait3A_119 : memref<61x1x128xf32, #tpu.memory_space<hbm>>)
    %parallel_loop3A_120 = arith.constant 0 : i32
    %parallel_loop3A_121 = arith.constant 61 : i32
    %parallel_loop3A_122 = arith.constant 1 : i32
    scf.for %parallel_loop3A_330 = %parallel_loop3A_120 to %parallel_loop3A_121 step %parallel_loop3A_122  : i32 {
      %parallel_loop3A_331 = arith.constant 128 : i32
      %parallel_loop3A_332 = arith.muli %parallel_loop3A_330, %parallel_loop3A_331 : i32
      %parallel_loop3A_333 = arith.constant 0 : i32
      %parallel_loop3A_334 = arith.addi %parallel_loop3A_332, %parallel_loop3A_333 : i32
      %parallel_loop3A_335 = arith.index_cast %parallel_loop3A_334 : i32 to index
      %parallel_loop3A_336 = tpu.vector_load %arg7[%parallel_loop3A_335] {strides = array<i32>} : memref<7808xi32, #tpu.memory_space<vmem>>, vector<16xi32>,
      %parallel_loop3A_337 = tpu.vector_load_idx %arg6[%parallel_loop3A_336] : memref<64xf32, #tpu.memory_space<vmem>>[vector<16xi32>], vector<16xf32>,
      %parallel_loop3A_338 = arith.constant 0 : i32
      %parallel_loop3A_339 = arith.index_cast %parallel_loop3A_330 : i32 to index
      %parallel_loop3A_340 = arith.index_cast %parallel_loop3A_338 : i32 to index
      %parallel_loop3A_341 = arith.constant 0 : index
      %parallel_loop3A_342 = tpu.vector_load %arg9[%parallel_loop3A_339, %parallel_loop3A_340, %parallel_loop3A_341] {strides = array<i32>} : memref<61x1x128xf32, #tpu.memory_space<vmem>>, vector<16xf32>,
      %parallel_loop3A_343 = arith.addf %parallel_loop3A_342, %parallel_loop3A_337 : vector<16xf32>
      %parallel_loop3A_344 = arith.constant 0 : i32
      %parallel_loop3A_345 = arith.index_cast %parallel_loop3A_330 : i32 to index
      %parallel_loop3A_346 = arith.index_cast %parallel_loop3A_344 : i32 to index
      %parallel_loop3A_347 = arith.constant 0 : index
      %parallel_loop3A_348 = tpu.vector_load %arg11[%parallel_loop3A_345, %parallel_loop3A_346, %parallel_loop3A_347] {strides = array<i32>} : memref<61x1x128xf32, #tpu.memory_space<vmem>>, vector<16xf32>,
      tpu.vector_store %arg11[%parallel_loop3A_345, %parallel_loop3A_346, %parallel_loop3A_347], %parallel_loop3A_343 {strides = array<i32>} : memref<61x1x128xf32, #tpu.memory_space<vmem>>, vector<16xf32>,
      %parallel_loop3A_349 = arith.constant 128 : i32
      %parallel_loop3A_350 = arith.muli %parallel_loop3A_330, %parallel_loop3A_349 : i32
      %parallel_loop3A_351 = arith.constant 16 : i32
      %parallel_loop3A_352 = arith.addi %parallel_loop3A_350, %parallel_loop3A_351 : i32
      %parallel_loop3A_353 = arith.index_cast %parallel_loop3A_352 : i32 to index
      %parallel_loop3A_354 = tpu.vector_load %arg7[%parallel_loop3A_353] {strides = array<i32>} : memref<7808xi32, #tpu.memory_space<vmem>>, vector<16xi32>,
      %parallel_loop3A_355 = tpu.vector_load_idx %arg6[%parallel_loop3A_354] : memref<64xf32, #tpu.memory_space<vmem>>[vector<16xi32>], vector<16xf32>,
      %parallel_loop3A_356 = arith.constant 0 : i32
      %parallel_loop3A_357 = arith.index_cast %parallel_loop3A_330 : i32 to index
      %parallel_loop3A_358 = arith.index_cast %parallel_loop3A_356 : i32 to index
      %parallel_loop3A_359 = arith.constant 16 : index
      %parallel_loop3A_360 = tpu.vector_load %arg9[%parallel_loop3A_357, %parallel_loop3A_358, %parallel_loop3A_359] {strides = array<i32>} : memref<61x1x128xf32, #tpu.memory_space<vmem>>, vector<16xf32>,
      %parallel_loop3A_361 = arith.addf %parallel_loop3A_360, %parallel_loop3A_355 : vector<16xf32>
      %parallel_loop3A_362 = arith.constant 0 : i32
      %parallel_loop3A_363 = arith.index_cast %parallel_loop3A_330 : i32 to index
      %parallel_loop3A_364 = arith.index_cast %parallel_loop3A_362 : i32 to index
      %parallel_loop3A_365 = arith.constant 16 : index
      %parallel_loop3A_366 = tpu.vector_load %arg11[%parallel_loop3A_363, %parallel_loop3A_364, %parallel_loop3A_365] {strides = array<i32>} : memref<61x1x128xf32, #tpu.memory_space<vmem>>, vector<16xf32>,
      tpu.vector_store %arg11[%parallel_loop3A_363, %parallel_loop3A_364, %parallel_loop3A_365], %parallel_loop3A_361 {strides = array<i32>} : memref<61x1x128xf32, #tpu.memory_space<vmem>>, vector<16xf32>,
      %parallel_loop3A_367 = arith.constant 128 : i32
      %parallel_loop3A_368 = arith.muli %parallel_loop3A_330, %parallel_loop3A_367 : i32
      %parallel_loop3A_369 = arith.constant 32 : i32
      %parallel_loop3A_370 = arith.addi %parallel_loop3A_368, %parallel_loop3A_369 : i32
      %parallel_loop3A_371 = arith.index_cast %parallel_loop3A_370 : i32 to index
      %parallel_loop3A_372 = tpu.vector_load %arg7[%parallel_loop3A_371] {strides = array<i32>} : memref<7808xi32, #tpu.memory_space<vmem>>, vector<16xi32>,
      %parallel_loop3A_373 = tpu.vector_load_idx %arg6[%parallel_loop3A_372] : memref<64xf32, #tpu.memory_space<vmem>>[vector<16xi32>], vector<16xf32>,
      %parallel_loop3A_374 = arith.constant 0 : i32
      %parallel_loop3A_375 = arith.index_cast %parallel_loop3A_330 : i32 to index
      %parallel_loop3A_376 = arith.index_cast %parallel_loop3A_374 : i32 to index
      %parallel_loop3A_377 = arith.constant 32 : index
      %parallel_loop3A_378 = tpu.vector_load %arg9[%parallel_loop3A_375, %parallel_loop3A_376, %parallel_loop3A_377] {strides = array<i32>} : memref<61x1x128xf32, #tpu.memory_space<vmem>>, vector<16xf32>,
      %parallel_loop3A_379 = arith.addf %parallel_loop3A_378, %parallel_loop3A_373 : vector<16xf32>
      %parallel_loop3A_380 = arith.constant 0 : i32
      %parallel_loop3A_381 = arith.index_cast %parallel_loop3A_330 : i32 to index
      %parallel_loop3A_382 = arith.index_cast %parallel_loop3A_380 : i32 to index
      %parallel_loop3A_383 = arith.constant 32 : index
      %parallel_loop3A_384 = tpu.vector_load %arg11[%parallel_loop3A_381, %parallel_loop3A_382, %parallel_loop3A_383] {strides = array<i32>} : memref<61x1x128xf32, #tpu.memory_space<vmem>>, vector<16xf32>,
      tpu.vector_store %arg11[%parallel_loop3A_381, %parallel_loop3A_382, %parallel_loop3A_383], %parallel_loop3A_379 {strides = array<i32>} : memref<61x1x128xf32, #tpu.memory_space<vmem>>, vector<16xf32>,
      %parallel_loop3A_385 = arith.constant 128 : i32
      %parallel_loop3A_386 = arith.muli %parallel_loop3A_330, %parallel_loop3A_385 : i32
      %parallel_loop3A_387 = arith.constant 48 : i32
      %parallel_loop3A_388 = arith.addi %parallel_loop3A_386, %parallel_loop3A_387 : i32
      %parallel_loop3A_389 = arith.index_cast %parallel_loop3A_388 : i32 to index
      %parallel_loop3A_390 = tpu.vector_load %arg7[%parallel_loop3A_389] {strides = array<i32>} : memref<7808xi32, #tpu.memory_space<vmem>>, vector<16xi32>,
      %parallel_loop3A_391 = tpu.vector_load_idx %arg6[%parallel_loop3A_390] : memref<64xf32, #tpu.memory_space<vmem>>[vector<16xi32>], vector<16xf32>,
      %parallel_loop3A_392 = arith.constant 0 : i32
      %parallel_loop3A_393 = arith.index_cast %parallel_loop3A_330 : i32 to index
      %parallel_loop3A_394 = arith.index_cast %parallel_loop3A_392 : i32 to index
      %parallel_loop3A_395 = arith.constant 48 : index
      %parallel_loop3A_396 = tpu.vector_load %arg9[%parallel_loop3A_393, %parallel_loop3A_394, %parallel_loop3A_395] {strides = array<i32>} : memref<61x1x128xf32, #tpu.memory_space<vmem>>, vector<16xf32>,
      %parallel_loop3A_397 = arith.addf %parallel_loop3A_396, %parallel_loop3A_391 : vector<16xf32>
      %parallel_loop3A_398 = arith.constant 0 : i32
      %parallel_loop3A_399 = arith.index_cast %parallel_loop3A_330 : i32 to index
      %parallel_loop3A_400 = arith.index_cast %parallel_loop3A_398 : i32 to index
      %parallel_loop3A_401 = arith.constant 48 : index
      %parallel_loop3A_402 = tpu.vector_load %arg11[%parallel_loop3A_399, %parallel_loop3A_400, %parallel_loop3A_401] {strides = array<i32>} : memref<61x1x128xf32, #tpu.memory_space<vmem>>, vector<16xf32>,
      tpu.vector_store %arg11[%parallel_loop3A_399, %parallel_loop3A_400, %parallel_loop3A_401], %parallel_loop3A_397 {strides = array<i32>} : memref<61x1x128xf32, #tpu.memory_space<vmem>>, vector<16xf32>,
      %parallel_loop3A_403 = arith.constant 128 : i32
      %parallel_loop3A_404 = arith.muli %parallel_loop3A_330, %parallel_loop3A_403 : i32
      %parallel_loop3A_405 = arith.constant 64 : i32
      %parallel_loop3A_406 = arith.addi %parallel_loop3A_404, %parallel_loop3A_405 : i32
      %parallel_loop3A_407 = arith.index_cast %parallel_loop3A_406 : i32 to index
      %parallel_loop3A_408 = tpu.vector_load %arg7[%parallel_loop3A_407] {strides = array<i32>} : memref<7808xi32, #tpu.memory_space<vmem>>, vector<16xi32>,
      %parallel_loop3A_409 = tpu.vector_load_idx %arg6[%parallel_loop3A_408] : memref<64xf32, #tpu.memory_space<vmem>>[vector<16xi32>], vector<16xf32>,
      %parallel_loop3A_410 = arith.constant 0 : i32
      %parallel_loop3A_411 = arith.index_cast %parallel_loop3A_330 : i32 to index
      %parallel_loop3A_412 = arith.index_cast %parallel_loop3A_410 : i32 to index
      %parallel_loop3A_413 = arith.constant 64 : index
      %parallel_loop3A_414 = tpu.vector_load %arg9[%parallel_loop3A_411, %parallel_loop3A_412, %parallel_loop3A_413] {strides = array<i32>} : memref<61x1x128xf32, #tpu.memory_space<vmem>>, vector<16xf32>,
      %parallel_loop3A_415 = arith.addf %parallel_loop3A_414, %parallel_loop3A_409 : vector<16xf32>
      %parallel_loop3A_416 = arith.constant 0 : i32
      %parallel_loop3A_417 = arith.index_cast %parallel_loop3A_330 : i32 to index
      %parallel_loop3A_418 = arith.index_cast %parallel_loop3A_416 : i32 to index
      %parallel_loop3A_419 = arith.constant 64 : index
      %parallel_loop3A_420 = tpu.vector_load %arg11[%parallel_loop3A_417, %parallel_loop3A_418, %parallel_loop3A_419] {strides = array<i32>} : memref<61x1x128xf32, #tpu.memory_space<vmem>>, vector<16xf32>,
      tpu.vector_store %arg11[%parallel_loop3A_417, %parallel_loop3A_418, %parallel_loop3A_419], %parallel_loop3A_415 {strides = array<i32>} : memref<61x1x128xf32, #tpu.memory_space<vmem>>, vector<16xf32>,
      %parallel_loop3A_421 = arith.constant 128 : i32
      %parallel_loop3A_422 = arith.muli %parallel_loop3A_330, %parallel_loop3A_421 : i32
      %parallel_loop3A_423 = arith.constant 80 : i32
      %parallel_loop3A_424 = arith.addi %parallel_loop3A_422, %parallel_loop3A_423 : i32
      %parallel_loop3A_425 = arith.index_cast %parallel_loop3A_424 : i32 to index
      %parallel_loop3A_426 = tpu.vector_load %arg7[%parallel_loop3A_425] {strides = array<i32>} : memref<7808xi32, #tpu.memory_space<vmem>>, vector<16xi32>,
      %parallel_loop3A_427 = tpu.vector_load_idx %arg6[%parallel_loop3A_426] : memref<64xf32, #tpu.memory_space<vmem>>[vector<16xi32>], vector<16xf32>,
      %parallel_loop3A_428 = arith.constant 0 : i32
      %parallel_loop3A_429 = arith.index_cast %parallel_loop3A_330 : i32 to index
      %parallel_loop3A_430 = arith.index_cast %parallel_loop3A_428 : i32 to index
      %parallel_loop3A_431 = arith.constant 80 : index
      %parallel_loop3A_432 = tpu.vector_load %arg9[%parallel_loop3A_429, %parallel_loop3A_430, %parallel_loop3A_431] {strides = array<i32>} : memref<61x1x128xf32, #tpu.memory_space<vmem>>, vector<16xf32>,
      %parallel_loop3A_433 = arith.addf %parallel_loop3A_432, %parallel_loop3A_427 : vector<16xf32>
      %parallel_loop3A_434 = arith.constant 0 : i32
      %parallel_loop3A_435 = arith.index_cast %parallel_loop3A_330 : i32 to index
      %parallel_loop3A_436 = arith.index_cast %parallel_loop3A_434 : i32 to index
      %parallel_loop3A_437 = arith.constant 80 : index
      %parallel_loop3A_438 = tpu.vector_load %arg11[%parallel_loop3A_435, %parallel_loop3A_436, %parallel_loop3A_437] {strides = array<i32>} : memref<61x1x128xf32, #tpu.memory_space<vmem>>, vector<16xf32>,
      tpu.vector_store %arg11[%parallel_loop3A_435, %parallel_loop3A_436, %parallel_loop3A_437], %parallel_loop3A_433 {strides = array<i32>} : memref<61x1x128xf32, #tpu.memory_space<vmem>>, vector<16xf32>,
      %parallel_loop3A_439 = arith.constant 128 : i32
      %parallel_loop3A_440 = arith.muli %parallel_loop3A_330, %parallel_loop3A_439 : i32
      %parallel_loop3A_441 = arith.constant 96 : i32
      %parallel_loop3A_442 = arith.addi %parallel_loop3A_440, %parallel_loop3A_441 : i32
      %parallel_loop3A_443 = arith.index_cast %parallel_loop3A_442 : i32 to index
      %parallel_loop3A_444 = tpu.vector_load %arg7[%parallel_loop3A_443] {strides = array<i32>} : memref<7808xi32, #tpu.memory_space<vmem>>, vector<16xi32>,
      %parallel_loop3A_445 = tpu.vector_load_idx %arg6[%parallel_loop3A_444] : memref<64xf32, #tpu.memory_space<vmem>>[vector<16xi32>], vector<16xf32>,
      %parallel_loop3A_446 = arith.constant 0 : i32
      %parallel_loop3A_447 = arith.index_cast %parallel_loop3A_330 : i32 to index
      %parallel_loop3A_448 = arith.index_cast %parallel_loop3A_446 : i32 to index
      %parallel_loop3A_449 = arith.constant 96 : index
      %parallel_loop3A_450 = tpu.vector_load %arg9[%parallel_loop3A_447, %parallel_loop3A_448, %parallel_loop3A_449] {strides = array<i32>} : memref<61x1x128xf32, #tpu.memory_space<vmem>>, vector<16xf32>,
      %parallel_loop3A_451 = arith.addf %parallel_loop3A_450, %parallel_loop3A_445 : vector<16xf32>
      %parallel_loop3A_452 = arith.constant 0 : i32
      %parallel_loop3A_453 = arith.index_cast %parallel_loop3A_330 : i32 to index
      %parallel_loop3A_454 = arith.index_cast %parallel_loop3A_452 : i32 to index
      %parallel_loop3A_455 = arith.constant 96 : index
      %parallel_loop3A_456 = tpu.vector_load %arg11[%parallel_loop3A_453, %parallel_loop3A_454, %parallel_loop3A_455] {strides = array<i32>} : memref<61x1x128xf32, #tpu.memory_space<vmem>>, vector<16xf32>,
      tpu.vector_store %arg11[%parallel_loop3A_453, %parallel_loop3A_454, %parallel_loop3A_455], %parallel_loop3A_451 {strides = array<i32>} : memref<61x1x128xf32, #tpu.memory_space<vmem>>, vector<16xf32>,
      %parallel_loop3A_457 = arith.constant 128 : i32
      %parallel_loop3A_458 = arith.muli %parallel_loop3A_330, %parallel_loop3A_457 : i32
      %parallel_loop3A_459 = arith.constant 112 : i32
      %parallel_loop3A_460 = arith.addi %parallel_loop3A_458, %parallel_loop3A_459 : i32
      %parallel_loop3A_461 = arith.index_cast %parallel_loop3A_460 : i32 to index
      %parallel_loop3A_462 = tpu.vector_load %arg7[%parallel_loop3A_461] {strides = array<i32>} : memref<7808xi32, #tpu.memory_space<vmem>>, vector<16xi32>,
      %parallel_loop3A_463 = tpu.vector_load_idx %arg6[%parallel_loop3A_462] : memref<64xf32, #tpu.memory_space<vmem>>[vector<16xi32>], vector<16xf32>,
      %parallel_loop3A_464 = arith.constant 0 : i32
      %parallel_loop3A_465 = arith.index_cast %parallel_loop3A_330 : i32 to index
      %parallel_loop3A_466 = arith.index_cast %parallel_loop3A_464 : i32 to index
      %parallel_loop3A_467 = arith.constant 112 : index
      %parallel_loop3A_468 = tpu.vector_load %arg9[%parallel_loop3A_465, %parallel_loop3A_466, %parallel_loop3A_467] {strides = array<i32>} : memref<61x1x128xf32, #tpu.memory_space<vmem>>, vector<16xf32>,
      %parallel_loop3A_469 = arith.addf %parallel_loop3A_468, %parallel_loop3A_463 : vector<16xf32>
      %parallel_loop3A_470 = arith.constant 0 : i32
      %parallel_loop3A_471 = arith.index_cast %parallel_loop3A_330 : i32 to index
      %parallel_loop3A_472 = arith.index_cast %parallel_loop3A_470 : i32 to index
      %parallel_loop3A_473 = arith.constant 112 : index
      %parallel_loop3A_474 = tpu.vector_load %arg11[%parallel_loop3A_471, %parallel_loop3A_472, %parallel_loop3A_473] {strides = array<i32>} : memref<61x1x128xf32, #tpu.memory_space<vmem>>, vector<16xf32>,
      tpu.vector_store %arg11[%parallel_loop3A_471, %parallel_loop3A_472, %parallel_loop3A_473], %parallel_loop3A_469 {strides = array<i32>} : memref<61x1x128xf32, #tpu.memory_space<vmem>>, vector<16xf32>,
    } {sc.loop_unroll_factor = 1 : i64, sc.parallel_access}
    %add3A_123 = arith.constant 122 : i32
    %add3A_124 = arith.addi %mul3A_17, %add3A_123 : i32
    %dma_start3A_125 = arith.constant 0 : i32
    %dma_start3A_126 = arith.constant 0 : i32
    %dma_start3A_127 = tpu.memref_slice %arg5[%add3A_124, %dma_start3A_125, %dma_start3A_126] : memref<15625x1x128xf32, #tpu.memory_space<hbm>> -> memref<61x1x128xf32, #tpu.memory_space<hbm>>
    %dma_start3A_128 = arith.constant 0 : i32
    %dma_start3A_129 = arith.constant 0 : i32
    %dma_start3A_130 = tpu.memref_slice %arg5[%add3A_124, %dma_start3A_128, %dma_start3A_129] : memref<15625x1x128xf32, #tpu.memory_space<hbm>> -> memref<61x1x128xf32, #tpu.memory_space<hbm>>
    tpu.enqueue_dma source(%arg11 : memref<61x1x128xf32, #tpu.memory_space<vmem>>) target(%dma_start3A_130 : memref<61x1x128xf32, #tpu.memory_space<hbm>>) target_semaphore(%arg19 : memref<!tpu.dma_semaphore, #tpu.memory_space<semaphore_mem>>)
    %add3A_131 = arith.constant 244 : i32
    %add3A_132 = arith.addi %mul3A_17, %add3A_131 : i32
    %mul3A_133 = arith.constant 128 : i32
    %mul3A_134 = arith.muli %add3A_132, %mul3A_133 : i32
    %dma_start3A_135 = tpu.memref_slice %arg3[%mul3A_134] : memref<2000000xi32, #tpu.memory_space<hbm>> -> memref<7808xi32, #tpu.memory_space<hbm>>
    %dma_start3A_136 = tpu.memref_slice %arg3[%mul3A_134] : memref<2000000xi32, #tpu.memory_space<hbm>> -> memref<7808xi32, #tpu.memory_space<hbm>>
    tpu.enqueue_dma source(%dma_start3A_136 : memref<7808xi32, #tpu.memory_space<hbm>>) target(%arg7 : memref<7808xi32, #tpu.memory_space<vmem>>) target_semaphore(%arg15 : memref<!tpu.dma_semaphore, #tpu.memory_space<semaphore_mem>>)
    %dma_start3A_137 = arith.constant 0 : i32
    %dma_start3A_138 = arith.constant 0 : i32
    %dma_start3A_139 = tpu.memref_slice %arg2[%add3A_132, %dma_start3A_137, %dma_start3A_138] : memref<15625x1x128xf32, #tpu.memory_space<hbm>> -> memref<61x1x128xf32, #tpu.memory_space<hbm>>
    %dma_start3A_140 = arith.constant 0 : i32
    %dma_start3A_141 = arith.constant 0 : i32
    %dma_start3A_142 = tpu.memref_slice %arg2[%add3A_132, %dma_start3A_140, %dma_start3A_141] : memref<15625x1x128xf32, #tpu.memory_space<hbm>> -> memref<61x1x128xf32, #tpu.memory_space<hbm>>
    tpu.enqueue_dma source(%dma_start3A_142 : memref<61x1x128xf32, #tpu.memory_space<hbm>>) target(%arg9 : memref<61x1x128xf32, #tpu.memory_space<vmem>>) target_semaphore(%arg17 : memref<!tpu.dma_semaphore, #tpu.memory_space<semaphore_mem>>)
    %dma_wait3A_143 = tpu.memref_slice %arg3[%mul3A_97] : memref<2000000xi32, #tpu.memory_space<hbm>> -> memref<7808xi32, #tpu.memory_space<hbm>>
    %dma_wait3A_144 = tpu.memref_slice %arg3[%mul3A_97] : memref<2000000xi32, #tpu.memory_space<hbm>> -> memref<7808xi32, #tpu.memory_space<hbm>>
    tpu.wait_dma2 semaphore(%arg16 : memref<!tpu.dma_semaphore, #tpu.memory_space<semaphore_mem>>) src(%dma_wait3A_144 : memref<7808xi32, #tpu.memory_space<hbm>>) dst(%arg8 : memref<7808xi32, #tpu.memory_space<vmem>>)
    %dma_wait3A_145 = arith.constant 0 : i32
    %dma_wait3A_146 = arith.constant 0 : i32
    %dma_wait3A_147 = tpu.memref_slice %arg2[%add3A_95, %dma_wait3A_145, %dma_wait3A_146] : memref<15625x1x128xf32, #tpu.memory_space<hbm>> -> memref<61x1x128xf32, #tpu.memory_space<hbm>>
    %dma_wait3A_148 = arith.constant 0 : i32
    %dma_wait3A_149 = arith.constant 0 : i32
    %dma_wait3A_150 = tpu.memref_slice %arg2[%add3A_95, %dma_wait3A_148, %dma_wait3A_149] : memref<15625x1x128xf32, #tpu.memory_space<hbm>> -> memref<61x1x128xf32, #tpu.memory_space<hbm>>
    tpu.wait_dma2 semaphore(%arg18 : memref<!tpu.dma_semaphore, #tpu.memory_space<semaphore_mem>>) src(%dma_wait3A_150 : memref<61x1x128xf32, #tpu.memory_space<hbm>>) dst(%arg10 : memref<61x1x128xf32, #tpu.memory_space<vmem>>)
    %dma_wait3A_151 = arith.constant 0 : i32
    %dma_wait3A_152 = arith.constant 0 : i32
    %dma_wait3A_153 = tpu.memref_slice %arg5[%add3A_87, %dma_wait3A_151, %dma_wait3A_152] : memref<15625x1x128xf32, #tpu.memory_space<hbm>> -> memref<61x1x128xf32, #tpu.memory_space<hbm>>
    %dma_wait3A_154 = arith.constant 0 : i32
    %dma_wait3A_155 = arith.constant 0 : i32
    %dma_wait3A_156 = tpu.memref_slice %arg5[%add3A_87, %dma_wait3A_154, %dma_wait3A_155] : memref<15625x1x128xf32, #tpu.memory_space<hbm>> -> memref<61x1x128xf32, #tpu.memory_space<hbm>>
    tpu.wait_dma2 semaphore(%arg20 : memref<!tpu.dma_semaphore, #tpu.memory_space<semaphore_mem>>) src(%arg12 : memref<61x1x128xf32, #tpu.memory_space<vmem>>) dst(%dma_wait3A_156 : memref<61x1x128xf32, #tpu.memory_space<hbm>>)
    %parallel_loop3A_157 = arith.constant 0 : i32
    %parallel_loop3A_158 = arith.constant 61 : i32
    %parallel_loop3A_159 = arith.constant 1 : i32
    scf.for %parallel_loop3A_330 = %parallel_loop3A_157 to %parallel_loop3A_158 step %parallel_loop3A_159  : i32 {
      %parallel_loop3A_331 = arith.constant 128 : i32
      %parallel_loop3A_332 = arith.muli %parallel_loop3A_330, %parallel_loop3A_331 : i32
      %parallel_loop3A_333 = arith.constant 0 : i32
      %parallel_loop3A_334 = arith.addi %parallel_loop3A_332, %parallel_loop3A_333 : i32
      %parallel_loop3A_335 = arith.index_cast %parallel_loop3A_334 : i32 to index
      %parallel_loop3A_336 = tpu.vector_load %arg8[%parallel_loop3A_335] {strides = array<i32>} : memref<7808xi32, #tpu.memory_space<vmem>>, vector<16xi32>,
      %parallel_loop3A_337 = tpu.vector_load_idx %arg6[%parallel_loop3A_336] : memref<64xf32, #tpu.memory_space<vmem>>[vector<16xi32>], vector<16xf32>,
      %parallel_loop3A_338 = arith.constant 0 : i32
      %parallel_loop3A_339 = arith.index_cast %parallel_loop3A_330 : i32 to index
      %parallel_loop3A_340 = arith.index_cast %parallel_loop3A_338 : i32 to index
      %parallel_loop3A_341 = arith.constant 0 : index
      %parallel_loop3A_342 = tpu.vector_load %arg10[%parallel_loop3A_339, %parallel_loop3A_340, %parallel_loop3A_341] {strides = array<i32>} : memref<61x1x128xf32, #tpu.memory_space<vmem>>, vector<16xf32>,
      %parallel_loop3A_343 = arith.addf %parallel_loop3A_342, %parallel_loop3A_337 : vector<16xf32>
      %parallel_loop3A_344 = arith.constant 0 : i32
      %parallel_loop3A_345 = arith.index_cast %parallel_loop3A_330 : i32 to index
      %parallel_loop3A_346 = arith.index_cast %parallel_loop3A_344 : i32 to index
      %parallel_loop3A_347 = arith.constant 0 : index
      %parallel_loop3A_348 = tpu.vector_load %arg12[%parallel_loop3A_345, %parallel_loop3A_346, %parallel_loop3A_347] {strides = array<i32>} : memref<61x1x128xf32, #tpu.memory_space<vmem>>, vector<16xf32>,
      tpu.vector_store %arg12[%parallel_loop3A_345, %parallel_loop3A_346, %parallel_loop3A_347], %parallel_loop3A_343 {strides = array<i32>} : memref<61x1x128xf32, #tpu.memory_space<vmem>>, vector<16xf32>,
      %parallel_loop3A_349 = arith.constant 128 : i32
      %parallel_loop3A_350 = arith.muli %parallel_loop3A_330, %parallel_loop3A_349 : i32
      %parallel_loop3A_351 = arith.constant 16 : i32
      %parallel_loop3A_352 = arith.addi %parallel_loop3A_350, %parallel_loop3A_351 : i32
      %parallel_loop3A_353 = arith.index_cast %parallel_loop3A_352 : i32 to index
      %parallel_loop3A_354 = tpu.vector_load %arg8[%parallel_loop3A_353] {strides = array<i32>} : memref<7808xi32, #tpu.memory_space<vmem>>, vector<16xi32>,
      %parallel_loop3A_355 = tpu.vector_load_idx %arg6[%parallel_loop3A_354] : memref<64xf32, #tpu.memory_space<vmem>>[vector<16xi32>], vector<16xf32>,
      %parallel_loop3A_356 = arith.constant 0 : i32
      %parallel_loop3A_357 = arith.index_cast %parallel_loop3A_330 : i32 to index
      %parallel_loop3A_358 = arith.index_cast %parallel_loop3A_356 : i32 to index
      %parallel_loop3A_359 = arith.constant 16 : index
      %parallel_loop3A_360 = tpu.vector_load %arg10[%parallel_loop3A_357, %parallel_loop3A_358, %parallel_loop3A_359] {strides = array<i32>} : memref<61x1x128xf32, #tpu.memory_space<vmem>>, vector<16xf32>,
      %parallel_loop3A_361 = arith.addf %parallel_loop3A_360, %parallel_loop3A_355 : vector<16xf32>
      %parallel_loop3A_362 = arith.constant 0 : i32
      %parallel_loop3A_363 = arith.index_cast %parallel_loop3A_330 : i32 to index
      %parallel_loop3A_364 = arith.index_cast %parallel_loop3A_362 : i32 to index
      %parallel_loop3A_365 = arith.constant 16 : index
      %parallel_loop3A_366 = tpu.vector_load %arg12[%parallel_loop3A_363, %parallel_loop3A_364, %parallel_loop3A_365] {strides = array<i32>} : memref<61x1x128xf32, #tpu.memory_space<vmem>>, vector<16xf32>,
      tpu.vector_store %arg12[%parallel_loop3A_363, %parallel_loop3A_364, %parallel_loop3A_365], %parallel_loop3A_361 {strides = array<i32>} : memref<61x1x128xf32, #tpu.memory_space<vmem>>, vector<16xf32>,
      %parallel_loop3A_367 = arith.constant 128 : i32
      %parallel_loop3A_368 = arith.muli %parallel_loop3A_330, %parallel_loop3A_367 : i32
      %parallel_loop3A_369 = arith.constant 32 : i32
      %parallel_loop3A_370 = arith.addi %parallel_loop3A_368, %parallel_loop3A_369 : i32
      %parallel_loop3A_371 = arith.index_cast %parallel_loop3A_370 : i32 to index
      %parallel_loop3A_372 = tpu.vector_load %arg8[%parallel_loop3A_371] {strides = array<i32>} : memref<7808xi32, #tpu.memory_space<vmem>>, vector<16xi32>,
      %parallel_loop3A_373 = tpu.vector_load_idx %arg6[%parallel_loop3A_372] : memref<64xf32, #tpu.memory_space<vmem>>[vector<16xi32>], vector<16xf32>,
      %parallel_loop3A_374 = arith.constant 0 : i32
      %parallel_loop3A_375 = arith.index_cast %parallel_loop3A_330 : i32 to index
      %parallel_loop3A_376 = arith.index_cast %parallel_loop3A_374 : i32 to index
      %parallel_loop3A_377 = arith.constant 32 : index
      %parallel_loop3A_378 = tpu.vector_load %arg10[%parallel_loop3A_375, %parallel_loop3A_376, %parallel_loop3A_377] {strides = array<i32>} : memref<61x1x128xf32, #tpu.memory_space<vmem>>, vector<16xf32>,
      %parallel_loop3A_379 = arith.addf %parallel_loop3A_378, %parallel_loop3A_373 : vector<16xf32>
      %parallel_loop3A_380 = arith.constant 0 : i32
      %parallel_loop3A_381 = arith.index_cast %parallel_loop3A_330 : i32 to index
      %parallel_loop3A_382 = arith.index_cast %parallel_loop3A_380 : i32 to index
      %parallel_loop3A_383 = arith.constant 32 : index
      %parallel_loop3A_384 = tpu.vector_load %arg12[%parallel_loop3A_381, %parallel_loop3A_382, %parallel_loop3A_383] {strides = array<i32>} : memref<61x1x128xf32, #tpu.memory_space<vmem>>, vector<16xf32>,
      tpu.vector_store %arg12[%parallel_loop3A_381, %parallel_loop3A_382, %parallel_loop3A_383], %parallel_loop3A_379 {strides = array<i32>} : memref<61x1x128xf32, #tpu.memory_space<vmem>>, vector<16xf32>,
      %parallel_loop3A_385 = arith.constant 128 : i32
      %parallel_loop3A_386 = arith.muli %parallel_loop3A_330, %parallel_loop3A_385 : i32
      %parallel_loop3A_387 = arith.constant 48 : i32
      %parallel_loop3A_388 = arith.addi %parallel_loop3A_386, %parallel_loop3A_387 : i32
      %parallel_loop3A_389 = arith.index_cast %parallel_loop3A_388 : i32 to index
      %parallel_loop3A_390 = tpu.vector_load %arg8[%parallel_loop3A_389] {strides = array<i32>} : memref<7808xi32, #tpu.memory_space<vmem>>, vector<16xi32>,
      %parallel_loop3A_391 = tpu.vector_load_idx %arg6[%parallel_loop3A_390] : memref<64xf32, #tpu.memory_space<vmem>>[vector<16xi32>], vector<16xf32>,
      %parallel_loop3A_392 = arith.constant 0 : i32
      %parallel_loop3A_393 = arith.index_cast %parallel_loop3A_330 : i32 to index
      %parallel_loop3A_394 = arith.index_cast %parallel_loop3A_392 : i32 to index
      %parallel_loop3A_395 = arith.constant 48 : index
      %parallel_loop3A_396 = tpu.vector_load %arg10[%parallel_loop3A_393, %parallel_loop3A_394, %parallel_loop3A_395] {strides = array<i32>} : memref<61x1x128xf32, #tpu.memory_space<vmem>>, vector<16xf32>,
      %parallel_loop3A_397 = arith.addf %parallel_loop3A_396, %parallel_loop3A_391 : vector<16xf32>
      %parallel_loop3A_398 = arith.constant 0 : i32
      %parallel_loop3A_399 = arith.index_cast %parallel_loop3A_330 : i32 to index
      %parallel_loop3A_400 = arith.index_cast %parallel_loop3A_398 : i32 to index
      %parallel_loop3A_401 = arith.constant 48 : index
      %parallel_loop3A_402 = tpu.vector_load %arg12[%parallel_loop3A_399, %parallel_loop3A_400, %parallel_loop3A_401] {strides = array<i32>} : memref<61x1x128xf32, #tpu.memory_space<vmem>>, vector<16xf32>,
      tpu.vector_store %arg12[%parallel_loop3A_399, %parallel_loop3A_400, %parallel_loop3A_401], %parallel_loop3A_397 {strides = array<i32>} : memref<61x1x128xf32, #tpu.memory_space<vmem>>, vector<16xf32>,
      %parallel_loop3A_403 = arith.constant 128 : i32
      %parallel_loop3A_404 = arith.muli %parallel_loop3A_330, %parallel_loop3A_403 : i32
      %parallel_loop3A_405 = arith.constant 64 : i32
      %parallel_loop3A_406 = arith.addi %parallel_loop3A_404, %parallel_loop3A_405 : i32
      %parallel_loop3A_407 = arith.index_cast %parallel_loop3A_406 : i32 to index
      %parallel_loop3A_408 = tpu.vector_load %arg8[%parallel_loop3A_407] {strides = array<i32>} : memref<7808xi32, #tpu.memory_space<vmem>>, vector<16xi32>,
      %parallel_loop3A_409 = tpu.vector_load_idx %arg6[%parallel_loop3A_408] : memref<64xf32, #tpu.memory_space<vmem>>[vector<16xi32>], vector<16xf32>,
      %parallel_loop3A_410 = arith.constant 0 : i32
      %parallel_loop3A_411 = arith.index_cast %parallel_loop3A_330 : i32 to index
      %parallel_loop3A_412 = arith.index_cast %parallel_loop3A_410 : i32 to index
      %parallel_loop3A_413 = arith.constant 64 : index
      %parallel_loop3A_414 = tpu.vector_load %arg10[%parallel_loop3A_411, %parallel_loop3A_412, %parallel_loop3A_413] {strides = array<i32>} : memref<61x1x128xf32, #tpu.memory_space<vmem>>, vector<16xf32>,
      %parallel_loop3A_415 = arith.addf %parallel_loop3A_414, %parallel_loop3A_409 : vector<16xf32>
      %parallel_loop3A_416 = arith.constant 0 : i32
      %parallel_loop3A_417 = arith.index_cast %parallel_loop3A_330 : i32 to index
      %parallel_loop3A_418 = arith.index_cast %parallel_loop3A_416 : i32 to index
      %parallel_loop3A_419 = arith.constant 64 : index
      %parallel_loop3A_420 = tpu.vector_load %arg12[%parallel_loop3A_417, %parallel_loop3A_418, %parallel_loop3A_419] {strides = array<i32>} : memref<61x1x128xf32, #tpu.memory_space<vmem>>, vector<16xf32>,
      tpu.vector_store %arg12[%parallel_loop3A_417, %parallel_loop3A_418, %parallel_loop3A_419], %parallel_loop3A_415 {strides = array<i32>} : memref<61x1x128xf32, #tpu.memory_space<vmem>>, vector<16xf32>,
      %parallel_loop3A_421 = arith.constant 128 : i32
      %parallel_loop3A_422 = arith.muli %parallel_loop3A_330, %parallel_loop3A_421 : i32
      %parallel_loop3A_423 = arith.constant 80 : i32
      %parallel_loop3A_424 = arith.addi %parallel_loop3A_422, %parallel_loop3A_423 : i32
      %parallel_loop3A_425 = arith.index_cast %parallel_loop3A_424 : i32 to index
      %parallel_loop3A_426 = tpu.vector_load %arg8[%parallel_loop3A_425] {strides = array<i32>} : memref<7808xi32, #tpu.memory_space<vmem>>, vector<16xi32>,
      %parallel_loop3A_427 = tpu.vector_load_idx %arg6[%parallel_loop3A_426] : memref<64xf32, #tpu.memory_space<vmem>>[vector<16xi32>], vector<16xf32>,
      %parallel_loop3A_428 = arith.constant 0 : i32
      %parallel_loop3A_429 = arith.index_cast %parallel_loop3A_330 : i32 to index
      %parallel_loop3A_430 = arith.index_cast %parallel_loop3A_428 : i32 to index
      %parallel_loop3A_431 = arith.constant 80 : index
      %parallel_loop3A_432 = tpu.vector_load %arg10[%parallel_loop3A_429, %parallel_loop3A_430, %parallel_loop3A_431] {strides = array<i32>} : memref<61x1x128xf32, #tpu.memory_space<vmem>>, vector<16xf32>,
      %parallel_loop3A_433 = arith.addf %parallel_loop3A_432, %parallel_loop3A_427 : vector<16xf32>
      %parallel_loop3A_434 = arith.constant 0 : i32
      %parallel_loop3A_435 = arith.index_cast %parallel_loop3A_330 : i32 to index
      %parallel_loop3A_436 = arith.index_cast %parallel_loop3A_434 : i32 to index
      %parallel_loop3A_437 = arith.constant 80 : index
      %parallel_loop3A_438 = tpu.vector_load %arg12[%parallel_loop3A_435, %parallel_loop3A_436, %parallel_loop3A_437] {strides = array<i32>} : memref<61x1x128xf32, #tpu.memory_space<vmem>>, vector<16xf32>,
      tpu.vector_store %arg12[%parallel_loop3A_435, %parallel_loop3A_436, %parallel_loop3A_437], %parallel_loop3A_433 {strides = array<i32>} : memref<61x1x128xf32, #tpu.memory_space<vmem>>, vector<16xf32>,
      %parallel_loop3A_439 = arith.constant 128 : i32
      %parallel_loop3A_440 = arith.muli %parallel_loop3A_330, %parallel_loop3A_439 : i32
      %parallel_loop3A_441 = arith.constant 96 : i32
      %parallel_loop3A_442 = arith.addi %parallel_loop3A_440, %parallel_loop3A_441 : i32
      %parallel_loop3A_443 = arith.index_cast %parallel_loop3A_442 : i32 to index
      %parallel_loop3A_444 = tpu.vector_load %arg8[%parallel_loop3A_443] {strides = array<i32>} : memref<7808xi32, #tpu.memory_space<vmem>>, vector<16xi32>,
      %parallel_loop3A_445 = tpu.vector_load_idx %arg6[%parallel_loop3A_444] : memref<64xf32, #tpu.memory_space<vmem>>[vector<16xi32>], vector<16xf32>,
      %parallel_loop3A_446 = arith.constant 0 : i32
      %parallel_loop3A_447 = arith.index_cast %parallel_loop3A_330 : i32 to index
      %parallel_loop3A_448 = arith.index_cast %parallel_loop3A_446 : i32 to index
      %parallel_loop3A_449 = arith.constant 96 : index
      %parallel_loop3A_450 = tpu.vector_load %arg10[%parallel_loop3A_447, %parallel_loop3A_448, %parallel_loop3A_449] {strides = array<i32>} : memref<61x1x128xf32, #tpu.memory_space<vmem>>, vector<16xf32>,
      %parallel_loop3A_451 = arith.addf %parallel_loop3A_450, %parallel_loop3A_445 : vector<16xf32>
      %parallel_loop3A_452 = arith.constant 0 : i32
      %parallel_loop3A_453 = arith.index_cast %parallel_loop3A_330 : i32 to index
      %parallel_loop3A_454 = arith.index_cast %parallel_loop3A_452 : i32 to index
      %parallel_loop3A_455 = arith.constant 96 : index
      %parallel_loop3A_456 = tpu.vector_load %arg12[%parallel_loop3A_453, %parallel_loop3A_454, %parallel_loop3A_455] {strides = array<i32>} : memref<61x1x128xf32, #tpu.memory_space<vmem>>, vector<16xf32>,
      tpu.vector_store %arg12[%parallel_loop3A_453, %parallel_loop3A_454, %parallel_loop3A_455], %parallel_loop3A_451 {strides = array<i32>} : memref<61x1x128xf32, #tpu.memory_space<vmem>>, vector<16xf32>,
      %parallel_loop3A_457 = arith.constant 128 : i32
      %parallel_loop3A_458 = arith.muli %parallel_loop3A_330, %parallel_loop3A_457 : i32
      %parallel_loop3A_459 = arith.constant 112 : i32
      %parallel_loop3A_460 = arith.addi %parallel_loop3A_458, %parallel_loop3A_459 : i32
      %parallel_loop3A_461 = arith.index_cast %parallel_loop3A_460 : i32 to index
      %parallel_loop3A_462 = tpu.vector_load %arg8[%parallel_loop3A_461] {strides = array<i32>} : memref<7808xi32, #tpu.memory_space<vmem>>, vector<16xi32>,
      %parallel_loop3A_463 = tpu.vector_load_idx %arg6[%parallel_loop3A_462] : memref<64xf32, #tpu.memory_space<vmem>>[vector<16xi32>], vector<16xf32>,
      %parallel_loop3A_464 = arith.constant 0 : i32
      %parallel_loop3A_465 = arith.index_cast %parallel_loop3A_330 : i32 to index
      %parallel_loop3A_466 = arith.index_cast %parallel_loop3A_464 : i32 to index
      %parallel_loop3A_467 = arith.constant 112 : index
      %parallel_loop3A_468 = tpu.vector_load %arg10[%parallel_loop3A_465, %parallel_loop3A_466, %parallel_loop3A_467] {strides = array<i32>} : memref<61x1x128xf32, #tpu.memory_space<vmem>>, vector<16xf32>,
      %parallel_loop3A_469 = arith.addf %parallel_loop3A_468, %parallel_loop3A_463 : vector<16xf32>
      %parallel_loop3A_470 = arith.constant 0 : i32
      %parallel_loop3A_471 = arith.index_cast %parallel_loop3A_330 : i32 to index
      %parallel_loop3A_472 = arith.index_cast %parallel_loop3A_470 : i32 to index
      %parallel_loop3A_473 = arith.constant 112 : index
      %parallel_loop3A_474 = tpu.vector_load %arg12[%parallel_loop3A_471, %parallel_loop3A_472, %parallel_loop3A_473] {strides = array<i32>} : memref<61x1x128xf32, #tpu.memory_space<vmem>>, vector<16xf32>,
      tpu.vector_store %arg12[%parallel_loop3A_471, %parallel_loop3A_472, %parallel_loop3A_473], %parallel_loop3A_469 {strides = array<i32>} : memref<61x1x128xf32, #tpu.memory_space<vmem>>, vector<16xf32>,
    } {sc.loop_unroll_factor = 1 : i64, sc.parallel_access}
    %add3A_160 = arith.constant 183 : i32
    %add3A_161 = arith.addi %mul3A_17, %add3A_160 : i32
    %dma_start3A_162 = arith.constant 0 : i32
    %dma_start3A_163 = arith.constant 0 : i32
    %dma_start3A_164 = tpu.memref_slice %arg5[%add3A_161, %dma_start3A_162, %dma_start3A_163] : memref<15625x1x128xf32, #tpu.memory_space<hbm>> -> memref<61x1x128xf32, #tpu.memory_space<hbm>>
    %dma_start3A_165 = arith.constant 0 : i32
    %dma_start3A_166 = arith.constant 0 : i32
    %dma_start3A_167 = tpu.memref_slice %arg5[%add3A_161, %dma_start3A_165, %dma_start3A_166] : memref<15625x1x128xf32, #tpu.memory_space<hbm>> -> memref<61x1x128xf32, #tpu.memory_space<hbm>>
    tpu.enqueue_dma source(%arg12 : memref<61x1x128xf32, #tpu.memory_space<vmem>>) target(%dma_start3A_167 : memref<61x1x128xf32, #tpu.memory_space<hbm>>) target_semaphore(%arg20 : memref<!tpu.dma_semaphore, #tpu.memory_space<semaphore_mem>>)
    %add3A_168 = arith.constant 305 : i32
    %add3A_169 = arith.addi %mul3A_17, %add3A_168 : i32
    %mul3A_170 = arith.constant 128 : i32
    %mul3A_171 = arith.muli %add3A_169, %mul3A_170 : i32
    %dma_start3A_172 = tpu.memref_slice %arg3[%mul3A_171] : memref<2000000xi32, #tpu.memory_space<hbm>> -> memref<7808xi32, #tpu.memory_space<hbm>>
    %dma_start3A_173 = tpu.memref_slice %arg3[%mul3A_171] : memref<2000000xi32, #tpu.memory_space<hbm>> -> memref<7808xi32, #tpu.memory_space<hbm>>
    tpu.enqueue_dma source(%dma_start3A_173 : memref<7808xi32, #tpu.memory_space<hbm>>) target(%arg8 : memref<7808xi32, #tpu.memory_space<vmem>>) target_semaphore(%arg16 : memref<!tpu.dma_semaphore, #tpu.memory_space<semaphore_mem>>)
    %dma_start3A_174 = arith.constant 0 : i32
    %dma_start3A_175 = arith.constant 0 : i32
    %dma_start3A_176 = tpu.memref_slice %arg2[%add3A_169, %dma_start3A_174, %dma_start3A_175] : memref<15625x1x128xf32, #tpu.memory_space<hbm>> -> memref<61x1x128xf32, #tpu.memory_space<hbm>>
    %dma_start3A_177 = arith.constant 0 : i32
    %dma_start3A_178 = arith.constant 0 : i32
    %dma_start3A_179 = tpu.memref_slice %arg2[%add3A_169, %dma_start3A_177, %dma_start3A_178] : memref<15625x1x128xf32, #tpu.memory_space<hbm>> -> memref<61x1x128xf32, #tpu.memory_space<hbm>>
    tpu.enqueue_dma source(%dma_start3A_179 : memref<61x1x128xf32, #tpu.memory_space<hbm>>) target(%arg10 : memref<61x1x128xf32, #tpu.memory_space<vmem>>) target_semaphore(%arg18 : memref<!tpu.dma_semaphore, #tpu.memory_space<semaphore_mem>>)
    %dma_wait3A_180 = tpu.memref_slice %arg3[%mul3A_134] : memref<2000000xi32, #tpu.memory_space<hbm>> -> memref<7808xi32, #tpu.memory_space<hbm>>
    %dma_wait3A_181 = tpu.memref_slice %arg3[%mul3A_134] : memref<2000000xi32, #tpu.memory_space<hbm>> -> memref<7808xi32, #tpu.memory_space<hbm>>
    tpu.wait_dma2 semaphore(%arg15 : memref<!tpu.dma_semaphore, #tpu.memory_space<semaphore_mem>>) src(%dma_wait3A_181 : memref<7808xi32, #tpu.memory_space<hbm>>) dst(%arg7 : memref<7808xi32, #tpu.memory_space<vmem>>)
    %dma_wait3A_182 = arith.constant 0 : i32
    %dma_wait3A_183 = arith.constant 0 : i32
    %dma_wait3A_184 = tpu.memref_slice %arg2[%add3A_132, %dma_wait3A_182, %dma_wait3A_183] : memref<15625x1x128xf32, #tpu.memory_space<hbm>> -> memref<61x1x128xf32, #tpu.memory_space<hbm>>
    %dma_wait3A_185 = arith.constant 0 : i32
    %dma_wait3A_186 = arith.constant 0 : i32
    %dma_wait3A_187 = tpu.memref_slice %arg2[%add3A_132, %dma_wait3A_185, %dma_wait3A_186] : memref<15625x1x128xf32, #tpu.memory_space<hbm>> -> memref<61x1x128xf32, #tpu.memory_space<hbm>>
    tpu.wait_dma2 semaphore(%arg17 : memref<!tpu.dma_semaphore, #tpu.memory_space<semaphore_mem>>) src(%dma_wait3A_187 : memref<61x1x128xf32, #tpu.memory_space<hbm>>) dst(%arg9 : memref<61x1x128xf32, #tpu.memory_space<vmem>>)
    %dma_wait3A_188 = arith.constant 0 : i32
    %dma_wait3A_189 = arith.constant 0 : i32
    %dma_wait3A_190 = tpu.memref_slice %arg5[%add3A_124, %dma_wait3A_188, %dma_wait3A_189] : memref<15625x1x128xf32, #tpu.memory_space<hbm>> -> memref<61x1x128xf32, #tpu.memory_space<hbm>>
    %dma_wait3A_191 = arith.constant 0 : i32
    %dma_wait3A_192 = arith.constant 0 : i32
    %dma_wait3A_193 = tpu.memref_slice %arg5[%add3A_124, %dma_wait3A_191, %dma_wait3A_192] : memref<15625x1x128xf32, #tpu.memory_space<hbm>> -> memref<61x1x128xf32, #tpu.memory_space<hbm>>
    tpu.wait_dma2 semaphore(%arg19 : memref<!tpu.dma_semaphore, #tpu.memory_space<semaphore_mem>>) src(%arg11 : memref<61x1x128xf32, #tpu.memory_space<vmem>>) dst(%dma_wait3A_193 : memref<61x1x128xf32, #tpu.memory_space<hbm>>)
    %parallel_loop3A_194 = arith.constant 0 : i32
    %parallel_loop3A_195 = arith.constant 61 : i32
    %parallel_loop3A_196 = arith.constant 1 : i32
    scf.for %parallel_loop3A_330 = %parallel_loop3A_194 to %parallel_loop3A_195 step %parallel_loop3A_196  : i32 {
      %parallel_loop3A_331 = arith.constant 128 : i32
      %parallel_loop3A_332 = arith.muli %parallel_loop3A_330, %parallel_loop3A_331 : i32
      %parallel_loop3A_333 = arith.constant 0 : i32
      %parallel_loop3A_334 = arith.addi %parallel_loop3A_332, %parallel_loop3A_333 : i32
      %parallel_loop3A_335 = arith.index_cast %parallel_loop3A_334 : i32 to index
      %parallel_loop3A_336 = tpu.vector_load %arg7[%parallel_loop3A_335] {strides = array<i32>} : memref<7808xi32, #tpu.memory_space<vmem>>, vector<16xi32>,
      %parallel_loop3A_337 = tpu.vector_load_idx %arg6[%parallel_loop3A_336] : memref<64xf32, #tpu.memory_space<vmem>>[vector<16xi32>], vector<16xf32>,
      %parallel_loop3A_338 = arith.constant 0 : i32
      %parallel_loop3A_339 = arith.index_cast %parallel_loop3A_330 : i32 to index
      %parallel_loop3A_340 = arith.index_cast %parallel_loop3A_338 : i32 to index
      %parallel_loop3A_341 = arith.constant 0 : index
      %parallel_loop3A_342 = tpu.vector_load %arg9[%parallel_loop3A_339, %parallel_loop3A_340, %parallel_loop3A_341] {strides = array<i32>} : memref<61x1x128xf32, #tpu.memory_space<vmem>>, vector<16xf32>,
      %parallel_loop3A_343 = arith.addf %parallel_loop3A_342, %parallel_loop3A_337 : vector<16xf32>
      %parallel_loop3A_344 = arith.constant 0 : i32
      %parallel_loop3A_345 = arith.index_cast %parallel_loop3A_330 : i32 to index
      %parallel_loop3A_346 = arith.index_cast %parallel_loop3A_344 : i32 to index
      %parallel_loop3A_347 = arith.constant 0 : index
      %parallel_loop3A_348 = tpu.vector_load %arg11[%parallel_loop3A_345, %parallel_loop3A_346, %parallel_loop3A_347] {strides = array<i32>} : memref<61x1x128xf32, #tpu.memory_space<vmem>>, vector<16xf32>,
      tpu.vector_store %arg11[%parallel_loop3A_345, %parallel_loop3A_346, %parallel_loop3A_347], %parallel_loop3A_343 {strides = array<i32>} : memref<61x1x128xf32, #tpu.memory_space<vmem>>, vector<16xf32>,
      %parallel_loop3A_349 = arith.constant 128 : i32
      %parallel_loop3A_350 = arith.muli %parallel_loop3A_330, %parallel_loop3A_349 : i32
      %parallel_loop3A_351 = arith.constant 16 : i32
      %parallel_loop3A_352 = arith.addi %parallel_loop3A_350, %parallel_loop3A_351 : i32
      %parallel_loop3A_353 = arith.index_cast %parallel_loop3A_352 : i32 to index
      %parallel_loop3A_354 = tpu.vector_load %arg7[%parallel_loop3A_353] {strides = array<i32>} : memref<7808xi32, #tpu.memory_space<vmem>>, vector<16xi32>,
      %parallel_loop3A_355 = tpu.vector_load_idx %arg6[%parallel_loop3A_354] : memref<64xf32, #tpu.memory_space<vmem>>[vector<16xi32>], vector<16xf32>,
      %parallel_loop3A_356 = arith.constant 0 : i32
      %parallel_loop3A_357 = arith.index_cast %parallel_loop3A_330 : i32 to index
      %parallel_loop3A_358 = arith.index_cast %parallel_loop3A_356 : i32 to index
      %parallel_loop3A_359 = arith.constant 16 : index
      %parallel_loop3A_360 = tpu.vector_load %arg9[%parallel_loop3A_357, %parallel_loop3A_358, %parallel_loop3A_359] {strides = array<i32>} : memref<61x1x128xf32, #tpu.memory_space<vmem>>, vector<16xf32>,
      %parallel_loop3A_361 = arith.addf %parallel_loop3A_360, %parallel_loop3A_355 : vector<16xf32>
      %parallel_loop3A_362 = arith.constant 0 : i32
      %parallel_loop3A_363 = arith.index_cast %parallel_loop3A_330 : i32 to index
      %parallel_loop3A_364 = arith.index_cast %parallel_loop3A_362 : i32 to index
      %parallel_loop3A_365 = arith.constant 16 : index
      %parallel_loop3A_366 = tpu.vector_load %arg11[%parallel_loop3A_363, %parallel_loop3A_364, %parallel_loop3A_365] {strides = array<i32>} : memref<61x1x128xf32, #tpu.memory_space<vmem>>, vector<16xf32>,
      tpu.vector_store %arg11[%parallel_loop3A_363, %parallel_loop3A_364, %parallel_loop3A_365], %parallel_loop3A_361 {strides = array<i32>} : memref<61x1x128xf32, #tpu.memory_space<vmem>>, vector<16xf32>,
      %parallel_loop3A_367 = arith.constant 128 : i32
      %parallel_loop3A_368 = arith.muli %parallel_loop3A_330, %parallel_loop3A_367 : i32
      %parallel_loop3A_369 = arith.constant 32 : i32
      %parallel_loop3A_370 = arith.addi %parallel_loop3A_368, %parallel_loop3A_369 : i32
      %parallel_loop3A_371 = arith.index_cast %parallel_loop3A_370 : i32 to index
      %parallel_loop3A_372 = tpu.vector_load %arg7[%parallel_loop3A_371] {strides = array<i32>} : memref<7808xi32, #tpu.memory_space<vmem>>, vector<16xi32>,
      %parallel_loop3A_373 = tpu.vector_load_idx %arg6[%parallel_loop3A_372] : memref<64xf32, #tpu.memory_space<vmem>>[vector<16xi32>], vector<16xf32>,
      %parallel_loop3A_374 = arith.constant 0 : i32
      %parallel_loop3A_375 = arith.index_cast %parallel_loop3A_330 : i32 to index
      %parallel_loop3A_376 = arith.index_cast %parallel_loop3A_374 : i32 to index
      %parallel_loop3A_377 = arith.constant 32 : index
      %parallel_loop3A_378 = tpu.vector_load %arg9[%parallel_loop3A_375, %parallel_loop3A_376, %parallel_loop3A_377] {strides = array<i32>} : memref<61x1x128xf32, #tpu.memory_space<vmem>>, vector<16xf32>,
      %parallel_loop3A_379 = arith.addf %parallel_loop3A_378, %parallel_loop3A_373 : vector<16xf32>
      %parallel_loop3A_380 = arith.constant 0 : i32
      %parallel_loop3A_381 = arith.index_cast %parallel_loop3A_330 : i32 to index
      %parallel_loop3A_382 = arith.index_cast %parallel_loop3A_380 : i32 to index
      %parallel_loop3A_383 = arith.constant 32 : index
      %parallel_loop3A_384 = tpu.vector_load %arg11[%parallel_loop3A_381, %parallel_loop3A_382, %parallel_loop3A_383] {strides = array<i32>} : memref<61x1x128xf32, #tpu.memory_space<vmem>>, vector<16xf32>,
      tpu.vector_store %arg11[%parallel_loop3A_381, %parallel_loop3A_382, %parallel_loop3A_383], %parallel_loop3A_379 {strides = array<i32>} : memref<61x1x128xf32, #tpu.memory_space<vmem>>, vector<16xf32>,
      %parallel_loop3A_385 = arith.constant 128 : i32
      %parallel_loop3A_386 = arith.muli %parallel_loop3A_330, %parallel_loop3A_385 : i32
      %parallel_loop3A_387 = arith.constant 48 : i32
      %parallel_loop3A_388 = arith.addi %parallel_loop3A_386, %parallel_loop3A_387 : i32
      %parallel_loop3A_389 = arith.index_cast %parallel_loop3A_388 : i32 to index
      %parallel_loop3A_390 = tpu.vector_load %arg7[%parallel_loop3A_389] {strides = array<i32>} : memref<7808xi32, #tpu.memory_space<vmem>>, vector<16xi32>,
      %parallel_loop3A_391 = tpu.vector_load_idx %arg6[%parallel_loop3A_390] : memref<64xf32, #tpu.memory_space<vmem>>[vector<16xi32>], vector<16xf32>,
      %parallel_loop3A_392 = arith.constant 0 : i32
      %parallel_loop3A_393 = arith.index_cast %parallel_loop3A_330 : i32 to index
      %parallel_loop3A_394 = arith.index_cast %parallel_loop3A_392 : i32 to index
      %parallel_loop3A_395 = arith.constant 48 : index
      %parallel_loop3A_396 = tpu.vector_load %arg9[%parallel_loop3A_393, %parallel_loop3A_394, %parallel_loop3A_395] {strides = array<i32>} : memref<61x1x128xf32, #tpu.memory_space<vmem>>, vector<16xf32>,
      %parallel_loop3A_397 = arith.addf %parallel_loop3A_396, %parallel_loop3A_391 : vector<16xf32>
      %parallel_loop3A_398 = arith.constant 0 : i32
      %parallel_loop3A_399 = arith.index_cast %parallel_loop3A_330 : i32 to index
      %parallel_loop3A_400 = arith.index_cast %parallel_loop3A_398 : i32 to index
      %parallel_loop3A_401 = arith.constant 48 : index
      %parallel_loop3A_402 = tpu.vector_load %arg11[%parallel_loop3A_399, %parallel_loop3A_400, %parallel_loop3A_401] {strides = array<i32>} : memref<61x1x128xf32, #tpu.memory_space<vmem>>, vector<16xf32>,
      tpu.vector_store %arg11[%parallel_loop3A_399, %parallel_loop3A_400, %parallel_loop3A_401], %parallel_loop3A_397 {strides = array<i32>} : memref<61x1x128xf32, #tpu.memory_space<vmem>>, vector<16xf32>,
      %parallel_loop3A_403 = arith.constant 128 : i32
      %parallel_loop3A_404 = arith.muli %parallel_loop3A_330, %parallel_loop3A_403 : i32
      %parallel_loop3A_405 = arith.constant 64 : i32
      %parallel_loop3A_406 = arith.addi %parallel_loop3A_404, %parallel_loop3A_405 : i32
      %parallel_loop3A_407 = arith.index_cast %parallel_loop3A_406 : i32 to index
      %parallel_loop3A_408 = tpu.vector_load %arg7[%parallel_loop3A_407] {strides = array<i32>} : memref<7808xi32, #tpu.memory_space<vmem>>, vector<16xi32>,
      %parallel_loop3A_409 = tpu.vector_load_idx %arg6[%parallel_loop3A_408] : memref<64xf32, #tpu.memory_space<vmem>>[vector<16xi32>], vector<16xf32>,
      %parallel_loop3A_410 = arith.constant 0 : i32
      %parallel_loop3A_411 = arith.index_cast %parallel_loop3A_330 : i32 to index
      %parallel_loop3A_412 = arith.index_cast %parallel_loop3A_410 : i32 to index
      %parallel_loop3A_413 = arith.constant 64 : index
      %parallel_loop3A_414 = tpu.vector_load %arg9[%parallel_loop3A_411, %parallel_loop3A_412, %parallel_loop3A_413] {strides = array<i32>} : memref<61x1x128xf32, #tpu.memory_space<vmem>>, vector<16xf32>,
      %parallel_loop3A_415 = arith.addf %parallel_loop3A_414, %parallel_loop3A_409 : vector<16xf32>
      %parallel_loop3A_416 = arith.constant 0 : i32
      %parallel_loop3A_417 = arith.index_cast %parallel_loop3A_330 : i32 to index
      %parallel_loop3A_418 = arith.index_cast %parallel_loop3A_416 : i32 to index
      %parallel_loop3A_419 = arith.constant 64 : index
      %parallel_loop3A_420 = tpu.vector_load %arg11[%parallel_loop3A_417, %parallel_loop3A_418, %parallel_loop3A_419] {strides = array<i32>} : memref<61x1x128xf32, #tpu.memory_space<vmem>>, vector<16xf32>,
      tpu.vector_store %arg11[%parallel_loop3A_417, %parallel_loop3A_418, %parallel_loop3A_419], %parallel_loop3A_415 {strides = array<i32>} : memref<61x1x128xf32, #tpu.memory_space<vmem>>, vector<16xf32>,
      %parallel_loop3A_421 = arith.constant 128 : i32
      %parallel_loop3A_422 = arith.muli %parallel_loop3A_330, %parallel_loop3A_421 : i32
      %parallel_loop3A_423 = arith.constant 80 : i32
      %parallel_loop3A_424 = arith.addi %parallel_loop3A_422, %parallel_loop3A_423 : i32
      %parallel_loop3A_425 = arith.index_cast %parallel_loop3A_424 : i32 to index
      %parallel_loop3A_426 = tpu.vector_load %arg7[%parallel_loop3A_425] {strides = array<i32>} : memref<7808xi32, #tpu.memory_space<vmem>>, vector<16xi32>,
      %parallel_loop3A_427 = tpu.vector_load_idx %arg6[%parallel_loop3A_426] : memref<64xf32, #tpu.memory_space<vmem>>[vector<16xi32>], vector<16xf32>,
      %parallel_loop3A_428 = arith.constant 0 : i32
      %parallel_loop3A_429 = arith.index_cast %parallel_loop3A_330 : i32 to index
      %parallel_loop3A_430 = arith.index_cast %parallel_loop3A_428 : i32 to index
      %parallel_loop3A_431 = arith.constant 80 : index
      %parallel_loop3A_432 = tpu.vector_load %arg9[%parallel_loop3A_429, %parallel_loop3A_430, %parallel_loop3A_431] {strides = array<i32>} : memref<61x1x128xf32, #tpu.memory_space<vmem>>, vector<16xf32>,
      %parallel_loop3A_433 = arith.addf %parallel_loop3A_432, %parallel_loop3A_427 : vector<16xf32>
      %parallel_loop3A_434 = arith.constant 0 : i32
      %parallel_loop3A_435 = arith.index_cast %parallel_loop3A_330 : i32 to index
      %parallel_loop3A_436 = arith.index_cast %parallel_loop3A_434 : i32 to index
      %parallel_loop3A_437 = arith.constant 80 : index
      %parallel_loop3A_438 = tpu.vector_load %arg11[%parallel_loop3A_435, %parallel_loop3A_436, %parallel_loop3A_437] {strides = array<i32>} : memref<61x1x128xf32, #tpu.memory_space<vmem>>, vector<16xf32>,
      tpu.vector_store %arg11[%parallel_loop3A_435, %parallel_loop3A_436, %parallel_loop3A_437], %parallel_loop3A_433 {strides = array<i32>} : memref<61x1x128xf32, #tpu.memory_space<vmem>>, vector<16xf32>,
      %parallel_loop3A_439 = arith.constant 128 : i32
      %parallel_loop3A_440 = arith.muli %parallel_loop3A_330, %parallel_loop3A_439 : i32
      %parallel_loop3A_441 = arith.constant 96 : i32
      %parallel_loop3A_442 = arith.addi %parallel_loop3A_440, %parallel_loop3A_441 : i32
      %parallel_loop3A_443 = arith.index_cast %parallel_loop3A_442 : i32 to index
      %parallel_loop3A_444 = tpu.vector_load %arg7[%parallel_loop3A_443] {strides = array<i32>} : memref<7808xi32, #tpu.memory_space<vmem>>, vector<16xi32>,
      %parallel_loop3A_445 = tpu.vector_load_idx %arg6[%parallel_loop3A_444] : memref<64xf32, #tpu.memory_space<vmem>>[vector<16xi32>], vector<16xf32>,
      %parallel_loop3A_446 = arith.constant 0 : i32
      %parallel_loop3A_447 = arith.index_cast %parallel_loop3A_330 : i32 to index
      %parallel_loop3A_448 = arith.index_cast %parallel_loop3A_446 : i32 to index
      %parallel_loop3A_449 = arith.constant 96 : index
      %parallel_loop3A_450 = tpu.vector_load %arg9[%parallel_loop3A_447, %parallel_loop3A_448, %parallel_loop3A_449] {strides = array<i32>} : memref<61x1x128xf32, #tpu.memory_space<vmem>>, vector<16xf32>,
      %parallel_loop3A_451 = arith.addf %parallel_loop3A_450, %parallel_loop3A_445 : vector<16xf32>
      %parallel_loop3A_452 = arith.constant 0 : i32
      %parallel_loop3A_453 = arith.index_cast %parallel_loop3A_330 : i32 to index
      %parallel_loop3A_454 = arith.index_cast %parallel_loop3A_452 : i32 to index
      %parallel_loop3A_455 = arith.constant 96 : index
      %parallel_loop3A_456 = tpu.vector_load %arg11[%parallel_loop3A_453, %parallel_loop3A_454, %parallel_loop3A_455] {strides = array<i32>} : memref<61x1x128xf32, #tpu.memory_space<vmem>>, vector<16xf32>,
      tpu.vector_store %arg11[%parallel_loop3A_453, %parallel_loop3A_454, %parallel_loop3A_455], %parallel_loop3A_451 {strides = array<i32>} : memref<61x1x128xf32, #tpu.memory_space<vmem>>, vector<16xf32>,
      %parallel_loop3A_457 = arith.constant 128 : i32
      %parallel_loop3A_458 = arith.muli %parallel_loop3A_330, %parallel_loop3A_457 : i32
      %parallel_loop3A_459 = arith.constant 112 : i32
      %parallel_loop3A_460 = arith.addi %parallel_loop3A_458, %parallel_loop3A_459 : i32
      %parallel_loop3A_461 = arith.index_cast %parallel_loop3A_460 : i32 to index
      %parallel_loop3A_462 = tpu.vector_load %arg7[%parallel_loop3A_461] {strides = array<i32>} : memref<7808xi32, #tpu.memory_space<vmem>>, vector<16xi32>,
      %parallel_loop3A_463 = tpu.vector_load_idx %arg6[%parallel_loop3A_462] : memref<64xf32, #tpu.memory_space<vmem>>[vector<16xi32>], vector<16xf32>,
      %parallel_loop3A_464 = arith.constant 0 : i32
      %parallel_loop3A_465 = arith.index_cast %parallel_loop3A_330 : i32 to index
      %parallel_loop3A_466 = arith.index_cast %parallel_loop3A_464 : i32 to index
      %parallel_loop3A_467 = arith.constant 112 : index
      %parallel_loop3A_468 = tpu.vector_load %arg9[%parallel_loop3A_465, %parallel_loop3A_466, %parallel_loop3A_467] {strides = array<i32>} : memref<61x1x128xf32, #tpu.memory_space<vmem>>, vector<16xf32>,
      %parallel_loop3A_469 = arith.addf %parallel_loop3A_468, %parallel_loop3A_463 : vector<16xf32>
      %parallel_loop3A_470 = arith.constant 0 : i32
      %parallel_loop3A_471 = arith.index_cast %parallel_loop3A_330 : i32 to index
      %parallel_loop3A_472 = arith.index_cast %parallel_loop3A_470 : i32 to index
      %parallel_loop3A_473 = arith.constant 112 : index
      %parallel_loop3A_474 = tpu.vector_load %arg11[%parallel_loop3A_471, %parallel_loop3A_472, %parallel_loop3A_473] {strides = array<i32>} : memref<61x1x128xf32, #tpu.memory_space<vmem>>, vector<16xf32>,
      tpu.vector_store %arg11[%parallel_loop3A_471, %parallel_loop3A_472, %parallel_loop3A_473], %parallel_loop3A_469 {strides = array<i32>} : memref<61x1x128xf32, #tpu.memory_space<vmem>>, vector<16xf32>,
    } {sc.loop_unroll_factor = 1 : i64, sc.parallel_access}
    %add3A_197 = arith.constant 244 : i32
    %add3A_198 = arith.addi %mul3A_17, %add3A_197 : i32
    %dma_start3A_199 = arith.constant 0 : i32
    %dma_start3A_200 = arith.constant 0 : i32
    %dma_start3A_201 = tpu.memref_slice %arg5[%add3A_198, %dma_start3A_199, %dma_start3A_200] : memref<15625x1x128xf32, #tpu.memory_space<hbm>> -> memref<61x1x128xf32, #tpu.memory_space<hbm>>
    %dma_start3A_202 = arith.constant 0 : i32
    %dma_start3A_203 = arith.constant 0 : i32
    %dma_start3A_204 = tpu.memref_slice %arg5[%add3A_198, %dma_start3A_202, %dma_start3A_203] : memref<15625x1x128xf32, #tpu.memory_space<hbm>> -> memref<61x1x128xf32, #tpu.memory_space<hbm>>
    tpu.enqueue_dma source(%arg11 : memref<61x1x128xf32, #tpu.memory_space<vmem>>) target(%dma_start3A_204 : memref<61x1x128xf32, #tpu.memory_space<hbm>>) target_semaphore(%arg19 : memref<!tpu.dma_semaphore, #tpu.memory_space<semaphore_mem>>)
    %add3A_205 = arith.constant 366 : i32
    %add3A_206 = arith.addi %mul3A_17, %add3A_205 : i32
    %mul3A_207 = arith.constant 128 : i32
    %mul3A_208 = arith.muli %add3A_206, %mul3A_207 : i32
    %dma_start3A_209 = tpu.memref_slice %arg3[%mul3A_208] : memref<2000000xi32, #tpu.memory_space<hbm>> -> memref<7808xi32, #tpu.memory_space<hbm>>
    %dma_start3A_210 = tpu.memref_slice %arg3[%mul3A_208] : memref<2000000xi32, #tpu.memory_space<hbm>> -> memref<7808xi32, #tpu.memory_space<hbm>>
    tpu.enqueue_dma source(%dma_start3A_210 : memref<7808xi32, #tpu.memory_space<hbm>>) target(%arg7 : memref<7808xi32, #tpu.memory_space<vmem>>) target_semaphore(%arg15 : memref<!tpu.dma_semaphore, #tpu.memory_space<semaphore_mem>>)
    %dma_start3A_211 = arith.constant 0 : i32
    %dma_start3A_212 = arith.constant 0 : i32
    %dma_start3A_213 = tpu.memref_slice %arg2[%add3A_206, %dma_start3A_211, %dma_start3A_212] : memref<15625x1x128xf32, #tpu.memory_space<hbm>> -> memref<61x1x128xf32, #tpu.memory_space<hbm>>
    %dma_start3A_214 = arith.constant 0 : i32
    %dma_start3A_215 = arith.constant 0 : i32
    %dma_start3A_216 = tpu.memref_slice %arg2[%add3A_206, %dma_start3A_214, %dma_start3A_215] : memref<15625x1x128xf32, #tpu.memory_space<hbm>> -> memref<61x1x128xf32, #tpu.memory_space<hbm>>
    tpu.enqueue_dma source(%dma_start3A_216 : memref<61x1x128xf32, #tpu.memory_space<hbm>>) target(%arg9 : memref<61x1x128xf32, #tpu.memory_space<vmem>>) target_semaphore(%arg17 : memref<!tpu.dma_semaphore, #tpu.memory_space<semaphore_mem>>)
    %dma_wait3A_217 = tpu.memref_slice %arg3[%mul3A_171] : memref<2000000xi32, #tpu.memory_space<hbm>> -> memref<7808xi32, #tpu.memory_space<hbm>>
    %dma_wait3A_218 = tpu.memref_slice %arg3[%mul3A_171] : memref<2000000xi32, #tpu.memory_space<hbm>> -> memref<7808xi32, #tpu.memory_space<hbm>>
    tpu.wait_dma2 semaphore(%arg16 : memref<!tpu.dma_semaphore, #tpu.memory_space<semaphore_mem>>) src(%dma_wait3A_218 : memref<7808xi32, #tpu.memory_space<hbm>>) dst(%arg8 : memref<7808xi32, #tpu.memory_space<vmem>>)
    %dma_wait3A_219 = arith.constant 0 : i32
    %dma_wait3A_220 = arith.constant 0 : i32
    %dma_wait3A_221 = tpu.memref_slice %arg2[%add3A_169, %dma_wait3A_219, %dma_wait3A_220] : memref<15625x1x128xf32, #tpu.memory_space<hbm>> -> memref<61x1x128xf32, #tpu.memory_space<hbm>>
    %dma_wait3A_222 = arith.constant 0 : i32
    %dma_wait3A_223 = arith.constant 0 : i32
    %dma_wait3A_224 = tpu.memref_slice %arg2[%add3A_169, %dma_wait3A_222, %dma_wait3A_223] : memref<15625x1x128xf32, #tpu.memory_space<hbm>> -> memref<61x1x128xf32, #tpu.memory_space<hbm>>
    tpu.wait_dma2 semaphore(%arg18 : memref<!tpu.dma_semaphore, #tpu.memory_space<semaphore_mem>>) src(%dma_wait3A_224 : memref<61x1x128xf32, #tpu.memory_space<hbm>>) dst(%arg10 : memref<61x1x128xf32, #tpu.memory_space<vmem>>)
    %dma_wait3A_225 = arith.constant 0 : i32
    %dma_wait3A_226 = arith.constant 0 : i32
    %dma_wait3A_227 = tpu.memref_slice %arg5[%add3A_161, %dma_wait3A_225, %dma_wait3A_226] : memref<15625x1x128xf32, #tpu.memory_space<hbm>> -> memref<61x1x128xf32, #tpu.memory_space<hbm>>
    %dma_wait3A_228 = arith.constant 0 : i32
    %dma_wait3A_229 = arith.constant 0 : i32
    %dma_wait3A_230 = tpu.memref_slice %arg5[%add3A_161, %dma_wait3A_228, %dma_wait3A_229] : memref<15625x1x128xf32, #tpu.memory_space<hbm>> -> memref<61x1x128xf32, #tpu.memory_space<hbm>>
    tpu.wait_dma2 semaphore(%arg20 : memref<!tpu.dma_semaphore, #tpu.memory_space<semaphore_mem>>) src(%arg12 : memref<61x1x128xf32, #tpu.memory_space<vmem>>) dst(%dma_wait3A_230 : memref<61x1x128xf32, #tpu.memory_space<hbm>>)
    %parallel_loop3A_231 = arith.constant 0 : i32
    %parallel_loop3A_232 = arith.constant 61 : i32
    %parallel_loop3A_233 = arith.constant 1 : i32
    scf.for %parallel_loop3A_330 = %parallel_loop3A_231 to %parallel_loop3A_232 step %parallel_loop3A_233  : i32 {
      %parallel_loop3A_331 = arith.constant 128 : i32
      %parallel_loop3A_332 = arith.muli %parallel_loop3A_330, %parallel_loop3A_331 : i32
      %parallel_loop3A_333 = arith.constant 0 : i32
      %parallel_loop3A_334 = arith.addi %parallel_loop3A_332, %parallel_loop3A_333 : i32
      %parallel_loop3A_335 = arith.index_cast %parallel_loop3A_334 : i32 to index
      %parallel_loop3A_336 = tpu.vector_load %arg8[%parallel_loop3A_335] {strides = array<i32>} : memref<7808xi32, #tpu.memory_space<vmem>>, vector<16xi32>,
      %parallel_loop3A_337 = tpu.vector_load_idx %arg6[%parallel_loop3A_336] : memref<64xf32, #tpu.memory_space<vmem>>[vector<16xi32>], vector<16xf32>,
      %parallel_loop3A_338 = arith.constant 0 : i32
      %parallel_loop3A_339 = arith.index_cast %parallel_loop3A_330 : i32 to index
      %parallel_loop3A_340 = arith.index_cast %parallel_loop3A_338 : i32 to index
      %parallel_loop3A_341 = arith.constant 0 : index
      %parallel_loop3A_342 = tpu.vector_load %arg10[%parallel_loop3A_339, %parallel_loop3A_340, %parallel_loop3A_341] {strides = array<i32>} : memref<61x1x128xf32, #tpu.memory_space<vmem>>, vector<16xf32>,
      %parallel_loop3A_343 = arith.addf %parallel_loop3A_342, %parallel_loop3A_337 : vector<16xf32>
      %parallel_loop3A_344 = arith.constant 0 : i32
      %parallel_loop3A_345 = arith.index_cast %parallel_loop3A_330 : i32 to index
      %parallel_loop3A_346 = arith.index_cast %parallel_loop3A_344 : i32 to index
      %parallel_loop3A_347 = arith.constant 0 : index
      %parallel_loop3A_348 = tpu.vector_load %arg12[%parallel_loop3A_345, %parallel_loop3A_346, %parallel_loop3A_347] {strides = array<i32>} : memref<61x1x128xf32, #tpu.memory_space<vmem>>, vector<16xf32>,
      tpu.vector_store %arg12[%parallel_loop3A_345, %parallel_loop3A_346, %parallel_loop3A_347], %parallel_loop3A_343 {strides = array<i32>} : memref<61x1x128xf32, #tpu.memory_space<vmem>>, vector<16xf32>,
      %parallel_loop3A_349 = arith.constant 128 : i32
      %parallel_loop3A_350 = arith.muli %parallel_loop3A_330, %parallel_loop3A_349 : i32
      %parallel_loop3A_351 = arith.constant 16 : i32
      %parallel_loop3A_352 = arith.addi %parallel_loop3A_350, %parallel_loop3A_351 : i32
      %parallel_loop3A_353 = arith.index_cast %parallel_loop3A_352 : i32 to index
      %parallel_loop3A_354 = tpu.vector_load %arg8[%parallel_loop3A_353] {strides = array<i32>} : memref<7808xi32, #tpu.memory_space<vmem>>, vector<16xi32>,
      %parallel_loop3A_355 = tpu.vector_load_idx %arg6[%parallel_loop3A_354] : memref<64xf32, #tpu.memory_space<vmem>>[vector<16xi32>], vector<16xf32>,
      %parallel_loop3A_356 = arith.constant 0 : i32
      %parallel_loop3A_357 = arith.index_cast %parallel_loop3A_330 : i32 to index
      %parallel_loop3A_358 = arith.index_cast %parallel_loop3A_356 : i32 to index
      %parallel_loop3A_359 = arith.constant 16 : index
      %parallel_loop3A_360 = tpu.vector_load %arg10[%parallel_loop3A_357, %parallel_loop3A_358, %parallel_loop3A_359] {strides = array<i32>} : memref<61x1x128xf32, #tpu.memory_space<vmem>>, vector<16xf32>,
      %parallel_loop3A_361 = arith.addf %parallel_loop3A_360, %parallel_loop3A_355 : vector<16xf32>
      %parallel_loop3A_362 = arith.constant 0 : i32
      %parallel_loop3A_363 = arith.index_cast %parallel_loop3A_330 : i32 to index
      %parallel_loop3A_364 = arith.index_cast %parallel_loop3A_362 : i32 to index
      %parallel_loop3A_365 = arith.constant 16 : index
      %parallel_loop3A_366 = tpu.vector_load %arg12[%parallel_loop3A_363, %parallel_loop3A_364, %parallel_loop3A_365] {strides = array<i32>} : memref<61x1x128xf32, #tpu.memory_space<vmem>>, vector<16xf32>,
      tpu.vector_store %arg12[%parallel_loop3A_363, %parallel_loop3A_364, %parallel_loop3A_365], %parallel_loop3A_361 {strides = array<i32>} : memref<61x1x128xf32, #tpu.memory_space<vmem>>, vector<16xf32>,
      %parallel_loop3A_367 = arith.constant 128 : i32
      %parallel_loop3A_368 = arith.muli %parallel_loop3A_330, %parallel_loop3A_367 : i32
      %parallel_loop3A_369 = arith.constant 32 : i32
      %parallel_loop3A_370 = arith.addi %parallel_loop3A_368, %parallel_loop3A_369 : i32
      %parallel_loop3A_371 = arith.index_cast %parallel_loop3A_370 : i32 to index
      %parallel_loop3A_372 = tpu.vector_load %arg8[%parallel_loop3A_371] {strides = array<i32>} : memref<7808xi32, #tpu.memory_space<vmem>>, vector<16xi32>,
      %parallel_loop3A_373 = tpu.vector_load_idx %arg6[%parallel_loop3A_372] : memref<64xf32, #tpu.memory_space<vmem>>[vector<16xi32>], vector<16xf32>,
      %parallel_loop3A_374 = arith.constant 0 : i32
      %parallel_loop3A_375 = arith.index_cast %parallel_loop3A_330 : i32 to index
      %parallel_loop3A_376 = arith.index_cast %parallel_loop3A_374 : i32 to index
      %parallel_loop3A_377 = arith.constant 32 : index
      %parallel_loop3A_378 = tpu.vector_load %arg10[%parallel_loop3A_375, %parallel_loop3A_376, %parallel_loop3A_377] {strides = array<i32>} : memref<61x1x128xf32, #tpu.memory_space<vmem>>, vector<16xf32>,
      %parallel_loop3A_379 = arith.addf %parallel_loop3A_378, %parallel_loop3A_373 : vector<16xf32>
      %parallel_loop3A_380 = arith.constant 0 : i32
      %parallel_loop3A_381 = arith.index_cast %parallel_loop3A_330 : i32 to index
      %parallel_loop3A_382 = arith.index_cast %parallel_loop3A_380 : i32 to index
      %parallel_loop3A_383 = arith.constant 32 : index
      %parallel_loop3A_384 = tpu.vector_load %arg12[%parallel_loop3A_381, %parallel_loop3A_382, %parallel_loop3A_383] {strides = array<i32>} : memref<61x1x128xf32, #tpu.memory_space<vmem>>, vector<16xf32>,
      tpu.vector_store %arg12[%parallel_loop3A_381, %parallel_loop3A_382, %parallel_loop3A_383], %parallel_loop3A_379 {strides = array<i32>} : memref<61x1x128xf32, #tpu.memory_space<vmem>>, vector<16xf32>,
      %parallel_loop3A_385 = arith.constant 128 : i32
      %parallel_loop3A_386 = arith.muli %parallel_loop3A_330, %parallel_loop3A_385 : i32
      %parallel_loop3A_387 = arith.constant 48 : i32
      %parallel_loop3A_388 = arith.addi %parallel_loop3A_386, %parallel_loop3A_387 : i32
      %parallel_loop3A_389 = arith.index_cast %parallel_loop3A_388 : i32 to index
      %parallel_loop3A_390 = tpu.vector_load %arg8[%parallel_loop3A_389] {strides = array<i32>} : memref<7808xi32, #tpu.memory_space<vmem>>, vector<16xi32>,
      %parallel_loop3A_391 = tpu.vector_load_idx %arg6[%parallel_loop3A_390] : memref<64xf32, #tpu.memory_space<vmem>>[vector<16xi32>], vector<16xf32>,
      %parallel_loop3A_392 = arith.constant 0 : i32
      %parallel_loop3A_393 = arith.index_cast %parallel_loop3A_330 : i32 to index
      %parallel_loop3A_394 = arith.index_cast %parallel_loop3A_392 : i32 to index
      %parallel_loop3A_395 = arith.constant 48 : index
      %parallel_loop3A_396 = tpu.vector_load %arg10[%parallel_loop3A_393, %parallel_loop3A_394, %parallel_loop3A_395] {strides = array<i32>} : memref<61x1x128xf32, #tpu.memory_space<vmem>>, vector<16xf32>,
      %parallel_loop3A_397 = arith.addf %parallel_loop3A_396, %parallel_loop3A_391 : vector<16xf32>
      %parallel_loop3A_398 = arith.constant 0 : i32
      %parallel_loop3A_399 = arith.index_cast %parallel_loop3A_330 : i32 to index
      %parallel_loop3A_400 = arith.index_cast %parallel_loop3A_398 : i32 to index
      %parallel_loop3A_401 = arith.constant 48 : index
      %parallel_loop3A_402 = tpu.vector_load %arg12[%parallel_loop3A_399, %parallel_loop3A_400, %parallel_loop3A_401] {strides = array<i32>} : memref<61x1x128xf32, #tpu.memory_space<vmem>>, vector<16xf32>,
      tpu.vector_store %arg12[%parallel_loop3A_399, %parallel_loop3A_400, %parallel_loop3A_401], %parallel_loop3A_397 {strides = array<i32>} : memref<61x1x128xf32, #tpu.memory_space<vmem>>, vector<16xf32>,
      %parallel_loop3A_403 = arith.constant 128 : i32
      %parallel_loop3A_404 = arith.muli %parallel_loop3A_330, %parallel_loop3A_403 : i32
      %parallel_loop3A_405 = arith.constant 64 : i32
      %parallel_loop3A_406 = arith.addi %parallel_loop3A_404, %parallel_loop3A_405 : i32
      %parallel_loop3A_407 = arith.index_cast %parallel_loop3A_406 : i32 to index
      %parallel_loop3A_408 = tpu.vector_load %arg8[%parallel_loop3A_407] {strides = array<i32>} : memref<7808xi32, #tpu.memory_space<vmem>>, vector<16xi32>,
      %parallel_loop3A_409 = tpu.vector_load_idx %arg6[%parallel_loop3A_408] : memref<64xf32, #tpu.memory_space<vmem>>[vector<16xi32>], vector<16xf32>,
      %parallel_loop3A_410 = arith.constant 0 : i32
      %parallel_loop3A_411 = arith.index_cast %parallel_loop3A_330 : i32 to index
      %parallel_loop3A_412 = arith.index_cast %parallel_loop3A_410 : i32 to index
      %parallel_loop3A_413 = arith.constant 64 : index
      %parallel_loop3A_414 = tpu.vector_load %arg10[%parallel_loop3A_411, %parallel_loop3A_412, %parallel_loop3A_413] {strides = array<i32>} : memref<61x1x128xf32, #tpu.memory_space<vmem>>, vector<16xf32>,
      %parallel_loop3A_415 = arith.addf %parallel_loop3A_414, %parallel_loop3A_409 : vector<16xf32>
      %parallel_loop3A_416 = arith.constant 0 : i32
      %parallel_loop3A_417 = arith.index_cast %parallel_loop3A_330 : i32 to index
      %parallel_loop3A_418 = arith.index_cast %parallel_loop3A_416 : i32 to index
      %parallel_loop3A_419 = arith.constant 64 : index
      %parallel_loop3A_420 = tpu.vector_load %arg12[%parallel_loop3A_417, %parallel_loop3A_418, %parallel_loop3A_419] {strides = array<i32>} : memref<61x1x128xf32, #tpu.memory_space<vmem>>, vector<16xf32>,
      tpu.vector_store %arg12[%parallel_loop3A_417, %parallel_loop3A_418, %parallel_loop3A_419], %parallel_loop3A_415 {strides = array<i32>} : memref<61x1x128xf32, #tpu.memory_space<vmem>>, vector<16xf32>,
      %parallel_loop3A_421 = arith.constant 128 : i32
      %parallel_loop3A_422 = arith.muli %parallel_loop3A_330, %parallel_loop3A_421 : i32
      %parallel_loop3A_423 = arith.constant 80 : i32
      %parallel_loop3A_424 = arith.addi %parallel_loop3A_422, %parallel_loop3A_423 : i32
      %parallel_loop3A_425 = arith.index_cast %parallel_loop3A_424 : i32 to index
      %parallel_loop3A_426 = tpu.vector_load %arg8[%parallel_loop3A_425] {strides = array<i32>} : memref<7808xi32, #tpu.memory_space<vmem>>, vector<16xi32>,
      %parallel_loop3A_427 = tpu.vector_load_idx %arg6[%parallel_loop3A_426] : memref<64xf32, #tpu.memory_space<vmem>>[vector<16xi32>], vector<16xf32>,
      %parallel_loop3A_428 = arith.constant 0 : i32
      %parallel_loop3A_429 = arith.index_cast %parallel_loop3A_330 : i32 to index
      %parallel_loop3A_430 = arith.index_cast %parallel_loop3A_428 : i32 to index
      %parallel_loop3A_431 = arith.constant 80 : index
      %parallel_loop3A_432 = tpu.vector_load %arg10[%parallel_loop3A_429, %parallel_loop3A_430, %parallel_loop3A_431] {strides = array<i32>} : memref<61x1x128xf32, #tpu.memory_space<vmem>>, vector<16xf32>,
      %parallel_loop3A_433 = arith.addf %parallel_loop3A_432, %parallel_loop3A_427 : vector<16xf32>
      %parallel_loop3A_434 = arith.constant 0 : i32
      %parallel_loop3A_435 = arith.index_cast %parallel_loop3A_330 : i32 to index
      %parallel_loop3A_436 = arith.index_cast %parallel_loop3A_434 : i32 to index
      %parallel_loop3A_437 = arith.constant 80 : index
      %parallel_loop3A_438 = tpu.vector_load %arg12[%parallel_loop3A_435, %parallel_loop3A_436, %parallel_loop3A_437] {strides = array<i32>} : memref<61x1x128xf32, #tpu.memory_space<vmem>>, vector<16xf32>,
      tpu.vector_store %arg12[%parallel_loop3A_435, %parallel_loop3A_436, %parallel_loop3A_437], %parallel_loop3A_433 {strides = array<i32>} : memref<61x1x128xf32, #tpu.memory_space<vmem>>, vector<16xf32>,
      %parallel_loop3A_439 = arith.constant 128 : i32
      %parallel_loop3A_440 = arith.muli %parallel_loop3A_330, %parallel_loop3A_439 : i32
      %parallel_loop3A_441 = arith.constant 96 : i32
      %parallel_loop3A_442 = arith.addi %parallel_loop3A_440, %parallel_loop3A_441 : i32
      %parallel_loop3A_443 = arith.index_cast %parallel_loop3A_442 : i32 to index
      %parallel_loop3A_444 = tpu.vector_load %arg8[%parallel_loop3A_443] {strides = array<i32>} : memref<7808xi32, #tpu.memory_space<vmem>>, vector<16xi32>,
      %parallel_loop3A_445 = tpu.vector_load_idx %arg6[%parallel_loop3A_444] : memref<64xf32, #tpu.memory_space<vmem>>[vector<16xi32>], vector<16xf32>,
      %parallel_loop3A_446 = arith.constant 0 : i32
      %parallel_loop3A_447 = arith.index_cast %parallel_loop3A_330 : i32 to index
      %parallel_loop3A_448 = arith.index_cast %parallel_loop3A_446 : i32 to index
      %parallel_loop3A_449 = arith.constant 96 : index
      %parallel_loop3A_450 = tpu.vector_load %arg10[%parallel_loop3A_447, %parallel_loop3A_448, %parallel_loop3A_449] {strides = array<i32>} : memref<61x1x128xf32, #tpu.memory_space<vmem>>, vector<16xf32>,
      %parallel_loop3A_451 = arith.addf %parallel_loop3A_450, %parallel_loop3A_445 : vector<16xf32>
      %parallel_loop3A_452 = arith.constant 0 : i32
      %parallel_loop3A_453 = arith.index_cast %parallel_loop3A_330 : i32 to index
      %parallel_loop3A_454 = arith.index_cast %parallel_loop3A_452 : i32 to index
      %parallel_loop3A_455 = arith.constant 96 : index
      %parallel_loop3A_456 = tpu.vector_load %arg12[%parallel_loop3A_453, %parallel_loop3A_454, %parallel_loop3A_455] {strides = array<i32>} : memref<61x1x128xf32, #tpu.memory_space<vmem>>, vector<16xf32>,
      tpu.vector_store %arg12[%parallel_loop3A_453, %parallel_loop3A_454, %parallel_loop3A_455], %parallel_loop3A_451 {strides = array<i32>} : memref<61x1x128xf32, #tpu.memory_space<vmem>>, vector<16xf32>,
      %parallel_loop3A_457 = arith.constant 128 : i32
      %parallel_loop3A_458 = arith.muli %parallel_loop3A_330, %parallel_loop3A_457 : i32
      %parallel_loop3A_459 = arith.constant 112 : i32
      %parallel_loop3A_460 = arith.addi %parallel_loop3A_458, %parallel_loop3A_459 : i32
      %parallel_loop3A_461 = arith.index_cast %parallel_loop3A_460 : i32 to index
      %parallel_loop3A_462 = tpu.vector_load %arg8[%parallel_loop3A_461] {strides = array<i32>} : memref<7808xi32, #tpu.memory_space<vmem>>, vector<16xi32>,
      %parallel_loop3A_463 = tpu.vector_load_idx %arg6[%parallel_loop3A_462] : memref<64xf32, #tpu.memory_space<vmem>>[vector<16xi32>], vector<16xf32>,
      %parallel_loop3A_464 = arith.constant 0 : i32
      %parallel_loop3A_465 = arith.index_cast %parallel_loop3A_330 : i32 to index
      %parallel_loop3A_466 = arith.index_cast %parallel_loop3A_464 : i32 to index
      %parallel_loop3A_467 = arith.constant 112 : index
      %parallel_loop3A_468 = tpu.vector_load %arg10[%parallel_loop3A_465, %parallel_loop3A_466, %parallel_loop3A_467] {strides = array<i32>} : memref<61x1x128xf32, #tpu.memory_space<vmem>>, vector<16xf32>,
      %parallel_loop3A_469 = arith.addf %parallel_loop3A_468, %parallel_loop3A_463 : vector<16xf32>
      %parallel_loop3A_470 = arith.constant 0 : i32
      %parallel_loop3A_471 = arith.index_cast %parallel_loop3A_330 : i32 to index
      %parallel_loop3A_472 = arith.index_cast %parallel_loop3A_470 : i32 to index
      %parallel_loop3A_473 = arith.constant 112 : index
      %parallel_loop3A_474 = tpu.vector_load %arg12[%parallel_loop3A_471, %parallel_loop3A_472, %parallel_loop3A_473] {strides = array<i32>} : memref<61x1x128xf32, #tpu.memory_space<vmem>>, vector<16xf32>,
      tpu.vector_store %arg12[%parallel_loop3A_471, %parallel_loop3A_472, %parallel_loop3A_473], %parallel_loop3A_469 {strides = array<i32>} : memref<61x1x128xf32, #tpu.memory_space<vmem>>, vector<16xf32>,
    } {sc.loop_unroll_factor = 1 : i64, sc.parallel_access}
    %add3A_234 = arith.constant 305 : i32
    %add3A_235 = arith.addi %mul3A_17, %add3A_234 : i32
    %dma_start3A_236 = arith.constant 0 : i32
    %dma_start3A_237 = arith.constant 0 : i32
    %dma_start3A_238 = tpu.memref_slice %arg5[%add3A_235, %dma_start3A_236, %dma_start3A_237] : memref<15625x1x128xf32, #tpu.memory_space<hbm>> -> memref<61x1x128xf32, #tpu.memory_space<hbm>>
    %dma_start3A_239 = arith.constant 0 : i32
    %dma_start3A_240 = arith.constant 0 : i32
    %dma_start3A_241 = tpu.memref_slice %arg5[%add3A_235, %dma_start3A_239, %dma_start3A_240] : memref<15625x1x128xf32, #tpu.memory_space<hbm>> -> memref<61x1x128xf32, #tpu.memory_space<hbm>>
    tpu.enqueue_dma source(%arg12 : memref<61x1x128xf32, #tpu.memory_space<vmem>>) target(%dma_start3A_241 : memref<61x1x128xf32, #tpu.memory_space<hbm>>) target_semaphore(%arg20 : memref<!tpu.dma_semaphore, #tpu.memory_space<semaphore_mem>>)
    %add3A_242 = arith.constant 427 : i32
    %add3A_243 = arith.addi %mul3A_17, %add3A_242 : i32
    %mul3A_244 = arith.constant 128 : i32
    %mul3A_245 = arith.muli %add3A_243, %mul3A_244 : i32
    %dma_start3A_246 = tpu.memref_slice %arg3[%mul3A_245] : memref<2000000xi32, #tpu.memory_space<hbm>> -> memref<7808xi32, #tpu.memory_space<hbm>>
    %dma_start3A_247 = tpu.memref_slice %arg3[%mul3A_245] : memref<2000000xi32, #tpu.memory_space<hbm>> -> memref<7808xi32, #tpu.memory_space<hbm>>
    tpu.enqueue_dma source(%dma_start3A_247 : memref<7808xi32, #tpu.memory_space<hbm>>) target(%arg8 : memref<7808xi32, #tpu.memory_space<vmem>>) target_semaphore(%arg16 : memref<!tpu.dma_semaphore, #tpu.memory_space<semaphore_mem>>)
    %dma_start3A_248 = arith.constant 0 : i32
    %dma_start3A_249 = arith.constant 0 : i32
    %dma_start3A_250 = tpu.memref_slice %arg2[%add3A_243, %dma_start3A_248, %dma_start3A_249] : memref<15625x1x128xf32, #tpu.memory_space<hbm>> -> memref<61x1x128xf32, #tpu.memory_space<hbm>>
    %dma_start3A_251 = arith.constant 0 : i32
    %dma_start3A_252 = arith.constant 0 : i32
    %dma_start3A_253 = tpu.memref_slice %arg2[%add3A_243, %dma_start3A_251, %dma_start3A_252] : memref<15625x1x128xf32, #tpu.memory_space<hbm>> -> memref<61x1x128xf32, #tpu.memory_space<hbm>>
    tpu.enqueue_dma source(%dma_start3A_253 : memref<61x1x128xf32, #tpu.memory_space<hbm>>) target(%arg10 : memref<61x1x128xf32, #tpu.memory_space<vmem>>) target_semaphore(%arg18 : memref<!tpu.dma_semaphore, #tpu.memory_space<semaphore_mem>>)
    %dma_wait3A_254 = tpu.memref_slice %arg3[%mul3A_208] : memref<2000000xi32, #tpu.memory_space<hbm>> -> memref<7808xi32, #tpu.memory_space<hbm>>
    %dma_wait3A_255 = tpu.memref_slice %arg3[%mul3A_208] : memref<2000000xi32, #tpu.memory_space<hbm>> -> memref<7808xi32, #tpu.memory_space<hbm>>
    tpu.wait_dma2 semaphore(%arg15 : memref<!tpu.dma_semaphore, #tpu.memory_space<semaphore_mem>>) src(%dma_wait3A_255 : memref<7808xi32, #tpu.memory_space<hbm>>) dst(%arg7 : memref<7808xi32, #tpu.memory_space<vmem>>)
    %dma_wait3A_256 = arith.constant 0 : i32
    %dma_wait3A_257 = arith.constant 0 : i32
    %dma_wait3A_258 = tpu.memref_slice %arg2[%add3A_206, %dma_wait3A_256, %dma_wait3A_257] : memref<15625x1x128xf32, #tpu.memory_space<hbm>> -> memref<61x1x128xf32, #tpu.memory_space<hbm>>
    %dma_wait3A_259 = arith.constant 0 : i32
    %dma_wait3A_260 = arith.constant 0 : i32
    %dma_wait3A_261 = tpu.memref_slice %arg2[%add3A_206, %dma_wait3A_259, %dma_wait3A_260] : memref<15625x1x128xf32, #tpu.memory_space<hbm>> -> memref<61x1x128xf32, #tpu.memory_space<hbm>>
    tpu.wait_dma2 semaphore(%arg17 : memref<!tpu.dma_semaphore, #tpu.memory_space<semaphore_mem>>) src(%dma_wait3A_261 : memref<61x1x128xf32, #tpu.memory_space<hbm>>) dst(%arg9 : memref<61x1x128xf32, #tpu.memory_space<vmem>>)
    %dma_wait3A_262 = arith.constant 0 : i32
    %dma_wait3A_263 = arith.constant 0 : i32
    %dma_wait3A_264 = tpu.memref_slice %arg5[%add3A_198, %dma_wait3A_262, %dma_wait3A_263] : memref<15625x1x128xf32, #tpu.memory_space<hbm>> -> memref<61x1x128xf32, #tpu.memory_space<hbm>>
    %dma_wait3A_265 = arith.constant 0 : i32
    %dma_wait3A_266 = arith.constant 0 : i32
    %dma_wait3A_267 = tpu.memref_slice %arg5[%add3A_198, %dma_wait3A_265, %dma_wait3A_266] : memref<15625x1x128xf32, #tpu.memory_space<hbm>> -> memref<61x1x128xf32, #tpu.memory_space<hbm>>
    tpu.wait_dma2 semaphore(%arg19 : memref<!tpu.dma_semaphore, #tpu.memory_space<semaphore_mem>>) src(%arg11 : memref<61x1x128xf32, #tpu.memory_space<vmem>>) dst(%dma_wait3A_267 : memref<61x1x128xf32, #tpu.memory_space<hbm>>)
    %parallel_loop3A_268 = arith.constant 0 : i32
    %parallel_loop3A_269 = arith.constant 61 : i32
    %parallel_loop3A_270 = arith.constant 1 : i32
    scf.for %parallel_loop3A_330 = %parallel_loop3A_268 to %parallel_loop3A_269 step %parallel_loop3A_270  : i32 {
      %parallel_loop3A_331 = arith.constant 128 : i32
      %parallel_loop3A_332 = arith.muli %parallel_loop3A_330, %parallel_loop3A_331 : i32
      %parallel_loop3A_333 = arith.constant 0 : i32
      %parallel_loop3A_334 = arith.addi %parallel_loop3A_332, %parallel_loop3A_333 : i32
      %parallel_loop3A_335 = arith.index_cast %parallel_loop3A_334 : i32 to index
      %parallel_loop3A_336 = tpu.vector_load %arg7[%parallel_loop3A_335] {strides = array<i32>} : memref<7808xi32, #tpu.memory_space<vmem>>, vector<16xi32>,
      %parallel_loop3A_337 = tpu.vector_load_idx %arg6[%parallel_loop3A_336] : memref<64xf32, #tpu.memory_space<vmem>>[vector<16xi32>], vector<16xf32>,
      %parallel_loop3A_338 = arith.constant 0 : i32
      %parallel_loop3A_339 = arith.index_cast %parallel_loop3A_330 : i32 to index
      %parallel_loop3A_340 = arith.index_cast %parallel_loop3A_338 : i32 to index
      %parallel_loop3A_341 = arith.constant 0 : index
      %parallel_loop3A_342 = tpu.vector_load %arg9[%parallel_loop3A_339, %parallel_loop3A_340, %parallel_loop3A_341] {strides = array<i32>} : memref<61x1x128xf32, #tpu.memory_space<vmem>>, vector<16xf32>,
      %parallel_loop3A_343 = arith.addf %parallel_loop3A_342, %parallel_loop3A_337 : vector<16xf32>
      %parallel_loop3A_344 = arith.constant 0 : i32
      %parallel_loop3A_345 = arith.index_cast %parallel_loop3A_330 : i32 to index
      %parallel_loop3A_346 = arith.index_cast %parallel_loop3A_344 : i32 to index
      %parallel_loop3A_347 = arith.constant 0 : index
      %parallel_loop3A_348 = tpu.vector_load %arg11[%parallel_loop3A_345, %parallel_loop3A_346, %parallel_loop3A_347] {strides = array<i32>} : memref<61x1x128xf32, #tpu.memory_space<vmem>>, vector<16xf32>,
      tpu.vector_store %arg11[%parallel_loop3A_345, %parallel_loop3A_346, %parallel_loop3A_347], %parallel_loop3A_343 {strides = array<i32>} : memref<61x1x128xf32, #tpu.memory_space<vmem>>, vector<16xf32>,
      %parallel_loop3A_349 = arith.constant 128 : i32
      %parallel_loop3A_350 = arith.muli %parallel_loop3A_330, %parallel_loop3A_349 : i32
      %parallel_loop3A_351 = arith.constant 16 : i32
      %parallel_loop3A_352 = arith.addi %parallel_loop3A_350, %parallel_loop3A_351 : i32
      %parallel_loop3A_353 = arith.index_cast %parallel_loop3A_352 : i32 to index
      %parallel_loop3A_354 = tpu.vector_load %arg7[%parallel_loop3A_353] {strides = array<i32>} : memref<7808xi32, #tpu.memory_space<vmem>>, vector<16xi32>,
      %parallel_loop3A_355 = tpu.vector_load_idx %arg6[%parallel_loop3A_354] : memref<64xf32, #tpu.memory_space<vmem>>[vector<16xi32>], vector<16xf32>,
      %parallel_loop3A_356 = arith.constant 0 : i32
      %parallel_loop3A_357 = arith.index_cast %parallel_loop3A_330 : i32 to index
      %parallel_loop3A_358 = arith.index_cast %parallel_loop3A_356 : i32 to index
      %parallel_loop3A_359 = arith.constant 16 : index
      %parallel_loop3A_360 = tpu.vector_load %arg9[%parallel_loop3A_357, %parallel_loop3A_358, %parallel_loop3A_359] {strides = array<i32>} : memref<61x1x128xf32, #tpu.memory_space<vmem>>, vector<16xf32>,
      %parallel_loop3A_361 = arith.addf %parallel_loop3A_360, %parallel_loop3A_355 : vector<16xf32>
      %parallel_loop3A_362 = arith.constant 0 : i32
      %parallel_loop3A_363 = arith.index_cast %parallel_loop3A_330 : i32 to index
      %parallel_loop3A_364 = arith.index_cast %parallel_loop3A_362 : i32 to index
      %parallel_loop3A_365 = arith.constant 16 : index
      %parallel_loop3A_366 = tpu.vector_load %arg11[%parallel_loop3A_363, %parallel_loop3A_364, %parallel_loop3A_365] {strides = array<i32>} : memref<61x1x128xf32, #tpu.memory_space<vmem>>, vector<16xf32>,
      tpu.vector_store %arg11[%parallel_loop3A_363, %parallel_loop3A_364, %parallel_loop3A_365], %parallel_loop3A_361 {strides = array<i32>} : memref<61x1x128xf32, #tpu.memory_space<vmem>>, vector<16xf32>,
      %parallel_loop3A_367 = arith.constant 128 : i32
      %parallel_loop3A_368 = arith.muli %parallel_loop3A_330, %parallel_loop3A_367 : i32
      %parallel_loop3A_369 = arith.constant 32 : i32
      %parallel_loop3A_370 = arith.addi %parallel_loop3A_368, %parallel_loop3A_369 : i32
      %parallel_loop3A_371 = arith.index_cast %parallel_loop3A_370 : i32 to index
      %parallel_loop3A_372 = tpu.vector_load %arg7[%parallel_loop3A_371] {strides = array<i32>} : memref<7808xi32, #tpu.memory_space<vmem>>, vector<16xi32>,
      %parallel_loop3A_373 = tpu.vector_load_idx %arg6[%parallel_loop3A_372] : memref<64xf32, #tpu.memory_space<vmem>>[vector<16xi32>], vector<16xf32>,
      %parallel_loop3A_374 = arith.constant 0 : i32
      %parallel_loop3A_375 = arith.index_cast %parallel_loop3A_330 : i32 to index
      %parallel_loop3A_376 = arith.index_cast %parallel_loop3A_374 : i32 to index
      %parallel_loop3A_377 = arith.constant 32 : index
      %parallel_loop3A_378 = tpu.vector_load %arg9[%parallel_loop3A_375, %parallel_loop3A_376, %parallel_loop3A_377] {strides = array<i32>} : memref<61x1x128xf32, #tpu.memory_space<vmem>>, vector<16xf32>,
      %parallel_loop3A_379 = arith.addf %parallel_loop3A_378, %parallel_loop3A_373 : vector<16xf32>
      %parallel_loop3A_380 = arith.constant 0 : i32
      %parallel_loop3A_381 = arith.index_cast %parallel_loop3A_330 : i32 to index
      %parallel_loop3A_382 = arith.index_cast %parallel_loop3A_380 : i32 to index
      %parallel_loop3A_383 = arith.constant 32 : index
      %parallel_loop3A_384 = tpu.vector_load %arg11[%parallel_loop3A_381, %parallel_loop3A_382, %parallel_loop3A_383] {strides = array<i32>} : memref<61x1x128xf32, #tpu.memory_space<vmem>>, vector<16xf32>,
      tpu.vector_store %arg11[%parallel_loop3A_381, %parallel_loop3A_382, %parallel_loop3A_383], %parallel_loop3A_379 {strides = array<i32>} : memref<61x1x128xf32, #tpu.memory_space<vmem>>, vector<16xf32>,
      %parallel_loop3A_385 = arith.constant 128 : i32
      %parallel_loop3A_386 = arith.muli %parallel_loop3A_330, %parallel_loop3A_385 : i32
      %parallel_loop3A_387 = arith.constant 48 : i32
      %parallel_loop3A_388 = arith.addi %parallel_loop3A_386, %parallel_loop3A_387 : i32
      %parallel_loop3A_389 = arith.index_cast %parallel_loop3A_388 : i32 to index
      %parallel_loop3A_390 = tpu.vector_load %arg7[%parallel_loop3A_389] {strides = array<i32>} : memref<7808xi32, #tpu.memory_space<vmem>>, vector<16xi32>,
      %parallel_loop3A_391 = tpu.vector_load_idx %arg6[%parallel_loop3A_390] : memref<64xf32, #tpu.memory_space<vmem>>[vector<16xi32>], vector<16xf32>,
      %parallel_loop3A_392 = arith.constant 0 : i32
      %parallel_loop3A_393 = arith.index_cast %parallel_loop3A_330 : i32 to index
      %parallel_loop3A_394 = arith.index_cast %parallel_loop3A_392 : i32 to index
      %parallel_loop3A_395 = arith.constant 48 : index
      %parallel_loop3A_396 = tpu.vector_load %arg9[%parallel_loop3A_393, %parallel_loop3A_394, %parallel_loop3A_395] {strides = array<i32>} : memref<61x1x128xf32, #tpu.memory_space<vmem>>, vector<16xf32>,
      %parallel_loop3A_397 = arith.addf %parallel_loop3A_396, %parallel_loop3A_391 : vector<16xf32>
      %parallel_loop3A_398 = arith.constant 0 : i32
      %parallel_loop3A_399 = arith.index_cast %parallel_loop3A_330 : i32 to index
      %parallel_loop3A_400 = arith.index_cast %parallel_loop3A_398 : i32 to index
      %parallel_loop3A_401 = arith.constant 48 : index
      %parallel_loop3A_402 = tpu.vector_load %arg11[%parallel_loop3A_399, %parallel_loop3A_400, %parallel_loop3A_401] {strides = array<i32>} : memref<61x1x128xf32, #tpu.memory_space<vmem>>, vector<16xf32>,
      tpu.vector_store %arg11[%parallel_loop3A_399, %parallel_loop3A_400, %parallel_loop3A_401], %parallel_loop3A_397 {strides = array<i32>} : memref<61x1x128xf32, #tpu.memory_space<vmem>>, vector<16xf32>,
      %parallel_loop3A_403 = arith.constant 128 : i32
      %parallel_loop3A_404 = arith.muli %parallel_loop3A_330, %parallel_loop3A_403 : i32
      %parallel_loop3A_405 = arith.constant 64 : i32
      %parallel_loop3A_406 = arith.addi %parallel_loop3A_404, %parallel_loop3A_405 : i32
      %parallel_loop3A_407 = arith.index_cast %parallel_loop3A_406 : i32 to index
      %parallel_loop3A_408 = tpu.vector_load %arg7[%parallel_loop3A_407] {strides = array<i32>} : memref<7808xi32, #tpu.memory_space<vmem>>, vector<16xi32>,
      %parallel_loop3A_409 = tpu.vector_load_idx %arg6[%parallel_loop3A_408] : memref<64xf32, #tpu.memory_space<vmem>>[vector<16xi32>], vector<16xf32>,
      %parallel_loop3A_410 = arith.constant 0 : i32
      %parallel_loop3A_411 = arith.index_cast %parallel_loop3A_330 : i32 to index
      %parallel_loop3A_412 = arith.index_cast %parallel_loop3A_410 : i32 to index
      %parallel_loop3A_413 = arith.constant 64 : index
      %parallel_loop3A_414 = tpu.vector_load %arg9[%parallel_loop3A_411, %parallel_loop3A_412, %parallel_loop3A_413] {strides = array<i32>} : memref<61x1x128xf32, #tpu.memory_space<vmem>>, vector<16xf32>,
      %parallel_loop3A_415 = arith.addf %parallel_loop3A_414, %parallel_loop3A_409 : vector<16xf32>
      %parallel_loop3A_416 = arith.constant 0 : i32
      %parallel_loop3A_417 = arith.index_cast %parallel_loop3A_330 : i32 to index
      %parallel_loop3A_418 = arith.index_cast %parallel_loop3A_416 : i32 to index
      %parallel_loop3A_419 = arith.constant 64 : index
      %parallel_loop3A_420 = tpu.vector_load %arg11[%parallel_loop3A_417, %parallel_loop3A_418, %parallel_loop3A_419] {strides = array<i32>} : memref<61x1x128xf32, #tpu.memory_space<vmem>>, vector<16xf32>,
      tpu.vector_store %arg11[%parallel_loop3A_417, %parallel_loop3A_418, %parallel_loop3A_419], %parallel_loop3A_415 {strides = array<i32>} : memref<61x1x128xf32, #tpu.memory_space<vmem>>, vector<16xf32>,
      %parallel_loop3A_421 = arith.constant 128 : i32
      %parallel_loop3A_422 = arith.muli %parallel_loop3A_330, %parallel_loop3A_421 : i32
      %parallel_loop3A_423 = arith.constant 80 : i32
      %parallel_loop3A_424 = arith.addi %parallel_loop3A_422, %parallel_loop3A_423 : i32
      %parallel_loop3A_425 = arith.index_cast %parallel_loop3A_424 : i32 to index
      %parallel_loop3A_426 = tpu.vector_load %arg7[%parallel_loop3A_425] {strides = array<i32>} : memref<7808xi32, #tpu.memory_space<vmem>>, vector<16xi32>,
      %parallel_loop3A_427 = tpu.vector_load_idx %arg6[%parallel_loop3A_426] : memref<64xf32, #tpu.memory_space<vmem>>[vector<16xi32>], vector<16xf32>,
      %parallel_loop3A_428 = arith.constant 0 : i32
      %parallel_loop3A_429 = arith.index_cast %parallel_loop3A_330 : i32 to index
      %parallel_loop3A_430 = arith.index_cast %parallel_loop3A_428 : i32 to index
      %parallel_loop3A_431 = arith.constant 80 : index
      %parallel_loop3A_432 = tpu.vector_load %arg9[%parallel_loop3A_429, %parallel_loop3A_430, %parallel_loop3A_431] {strides = array<i32>} : memref<61x1x128xf32, #tpu.memory_space<vmem>>, vector<16xf32>,
      %parallel_loop3A_433 = arith.addf %parallel_loop3A_432, %parallel_loop3A_427 : vector<16xf32>
      %parallel_loop3A_434 = arith.constant 0 : i32
      %parallel_loop3A_435 = arith.index_cast %parallel_loop3A_330 : i32 to index
      %parallel_loop3A_436 = arith.index_cast %parallel_loop3A_434 : i32 to index
      %parallel_loop3A_437 = arith.constant 80 : index
      %parallel_loop3A_438 = tpu.vector_load %arg11[%parallel_loop3A_435, %parallel_loop3A_436, %parallel_loop3A_437] {strides = array<i32>} : memref<61x1x128xf32, #tpu.memory_space<vmem>>, vector<16xf32>,
      tpu.vector_store %arg11[%parallel_loop3A_435, %parallel_loop3A_436, %parallel_loop3A_437], %parallel_loop3A_433 {strides = array<i32>} : memref<61x1x128xf32, #tpu.memory_space<vmem>>, vector<16xf32>,
      %parallel_loop3A_439 = arith.constant 128 : i32
      %parallel_loop3A_440 = arith.muli %parallel_loop3A_330, %parallel_loop3A_439 : i32
      %parallel_loop3A_441 = arith.constant 96 : i32
      %parallel_loop3A_442 = arith.addi %parallel_loop3A_440, %parallel_loop3A_441 : i32
      %parallel_loop3A_443 = arith.index_cast %parallel_loop3A_442 : i32 to index
      %parallel_loop3A_444 = tpu.vector_load %arg7[%parallel_loop3A_443] {strides = array<i32>} : memref<7808xi32, #tpu.memory_space<vmem>>, vector<16xi32>,
      %parallel_loop3A_445 = tpu.vector_load_idx %arg6[%parallel_loop3A_444] : memref<64xf32, #tpu.memory_space<vmem>>[vector<16xi32>], vector<16xf32>,
      %parallel_loop3A_446 = arith.constant 0 : i32
      %parallel_loop3A_447 = arith.index_cast %parallel_loop3A_330 : i32 to index
      %parallel_loop3A_448 = arith.index_cast %parallel_loop3A_446 : i32 to index
      %parallel_loop3A_449 = arith.constant 96 : index
      %parallel_loop3A_450 = tpu.vector_load %arg9[%parallel_loop3A_447, %parallel_loop3A_448, %parallel_loop3A_449] {strides = array<i32>} : memref<61x1x128xf32, #tpu.memory_space<vmem>>, vector<16xf32>,
      %parallel_loop3A_451 = arith.addf %parallel_loop3A_450, %parallel_loop3A_445 : vector<16xf32>
      %parallel_loop3A_452 = arith.constant 0 : i32
      %parallel_loop3A_453 = arith.index_cast %parallel_loop3A_330 : i32 to index
      %parallel_loop3A_454 = arith.index_cast %parallel_loop3A_452 : i32 to index
      %parallel_loop3A_455 = arith.constant 96 : index
      %parallel_loop3A_456 = tpu.vector_load %arg11[%parallel_loop3A_453, %parallel_loop3A_454, %parallel_loop3A_455] {strides = array<i32>} : memref<61x1x128xf32, #tpu.memory_space<vmem>>, vector<16xf32>,
      tpu.vector_store %arg11[%parallel_loop3A_453, %parallel_loop3A_454, %parallel_loop3A_455], %parallel_loop3A_451 {strides = array<i32>} : memref<61x1x128xf32, #tpu.memory_space<vmem>>, vector<16xf32>,
      %parallel_loop3A_457 = arith.constant 128 : i32
      %parallel_loop3A_458 = arith.muli %parallel_loop3A_330, %parallel_loop3A_457 : i32
      %parallel_loop3A_459 = arith.constant 112 : i32
      %parallel_loop3A_460 = arith.addi %parallel_loop3A_458, %parallel_loop3A_459 : i32
      %parallel_loop3A_461 = arith.index_cast %parallel_loop3A_460 : i32 to index
      %parallel_loop3A_462 = tpu.vector_load %arg7[%parallel_loop3A_461] {strides = array<i32>} : memref<7808xi32, #tpu.memory_space<vmem>>, vector<16xi32>,
      %parallel_loop3A_463 = tpu.vector_load_idx %arg6[%parallel_loop3A_462] : memref<64xf32, #tpu.memory_space<vmem>>[vector<16xi32>], vector<16xf32>,
      %parallel_loop3A_464 = arith.constant 0 : i32
      %parallel_loop3A_465 = arith.index_cast %parallel_loop3A_330 : i32 to index
      %parallel_loop3A_466 = arith.index_cast %parallel_loop3A_464 : i32 to index
      %parallel_loop3A_467 = arith.constant 112 : index
      %parallel_loop3A_468 = tpu.vector_load %arg9[%parallel_loop3A_465, %parallel_loop3A_466, %parallel_loop3A_467] {strides = array<i32>} : memref<61x1x128xf32, #tpu.memory_space<vmem>>, vector<16xf32>,
      %parallel_loop3A_469 = arith.addf %parallel_loop3A_468, %parallel_loop3A_463 : vector<16xf32>
      %parallel_loop3A_470 = arith.constant 0 : i32
      %parallel_loop3A_471 = arith.index_cast %parallel_loop3A_330 : i32 to index
      %parallel_loop3A_472 = arith.index_cast %parallel_loop3A_470 : i32 to index
      %parallel_loop3A_473 = arith.constant 112 : index
      %parallel_loop3A_474 = tpu.vector_load %arg11[%parallel_loop3A_471, %parallel_loop3A_472, %parallel_loop3A_473] {strides = array<i32>} : memref<61x1x128xf32, #tpu.memory_space<vmem>>, vector<16xf32>,
      tpu.vector_store %arg11[%parallel_loop3A_471, %parallel_loop3A_472, %parallel_loop3A_473], %parallel_loop3A_469 {strides = array<i32>} : memref<61x1x128xf32, #tpu.memory_space<vmem>>, vector<16xf32>,
    } {sc.loop_unroll_factor = 1 : i64, sc.parallel_access}
    %add3A_271 = arith.constant 366 : i32
    %add3A_272 = arith.addi %mul3A_17, %add3A_271 : i32
    %dma_start3A_273 = arith.constant 0 : i32
    %dma_start3A_274 = arith.constant 0 : i32
    %dma_start3A_275 = tpu.memref_slice %arg5[%add3A_272, %dma_start3A_273, %dma_start3A_274] : memref<15625x1x128xf32, #tpu.memory_space<hbm>> -> memref<61x1x128xf32, #tpu.memory_space<hbm>>
    %dma_start3A_276 = arith.constant 0 : i32
    %dma_start3A_277 = arith.constant 0 : i32
    %dma_start3A_278 = tpu.memref_slice %arg5[%add3A_272, %dma_start3A_276, %dma_start3A_277] : memref<15625x1x128xf32, #tpu.memory_space<hbm>> -> memref<61x1x128xf32, #tpu.memory_space<hbm>>
    tpu.enqueue_dma source(%arg11 : memref<61x1x128xf32, #tpu.memory_space<vmem>>) target(%dma_start3A_278 : memref<61x1x128xf32, #tpu.memory_space<hbm>>) target_semaphore(%arg19 : memref<!tpu.dma_semaphore, #tpu.memory_space<semaphore_mem>>)
    %dma_wait3A_279 = tpu.memref_slice %arg3[%mul3A_245] : memref<2000000xi32, #tpu.memory_space<hbm>> -> memref<7808xi32, #tpu.memory_space<hbm>>
    %dma_wait3A_280 = tpu.memref_slice %arg3[%mul3A_245] : memref<2000000xi32, #tpu.memory_space<hbm>> -> memref<7808xi32, #tpu.memory_space<hbm>>
    tpu.wait_dma2 semaphore(%arg16 : memref<!tpu.dma_semaphore, #tpu.memory_space<semaphore_mem>>) src(%dma_wait3A_280 : memref<7808xi32, #tpu.memory_space<hbm>>) dst(%arg8 : memref<7808xi32, #tpu.memory_space<vmem>>)
    %dma_wait3A_281 = arith.constant 0 : i32
    %dma_wait3A_282 = arith.constant 0 : i32
    %dma_wait3A_283 = tpu.memref_slice %arg2[%add3A_243, %dma_wait3A_281, %dma_wait3A_282] : memref<15625x1x128xf32, #tpu.memory_space<hbm>> -> memref<61x1x128xf32, #tpu.memory_space<hbm>>
    %dma_wait3A_284 = arith.constant 0 : i32
    %dma_wait3A_285 = arith.constant 0 : i32
    %dma_wait3A_286 = tpu.memref_slice %arg2[%add3A_243, %dma_wait3A_284, %dma_wait3A_285] : memref<15625x1x128xf32, #tpu.memory_space<hbm>> -> memref<61x1x128xf32, #tpu.memory_space<hbm>>
    tpu.wait_dma2 semaphore(%arg18 : memref<!tpu.dma_semaphore, #tpu.memory_space<semaphore_mem>>) src(%dma_wait3A_286 : memref<61x1x128xf32, #tpu.memory_space<hbm>>) dst(%arg10 : memref<61x1x128xf32, #tpu.memory_space<vmem>>)
    %dma_wait3A_287 = arith.constant 0 : i32
    %dma_wait3A_288 = arith.constant 0 : i32
    %dma_wait3A_289 = tpu.memref_slice %arg5[%add3A_235, %dma_wait3A_287, %dma_wait3A_288] : memref<15625x1x128xf32, #tpu.memory_space<hbm>> -> memref<61x1x128xf32, #tpu.memory_space<hbm>>
    %dma_wait3A_290 = arith.constant 0 : i32
    %dma_wait3A_291 = arith.constant 0 : i32
    %dma_wait3A_292 = tpu.memref_slice %arg5[%add3A_235, %dma_wait3A_290, %dma_wait3A_291] : memref<15625x1x128xf32, #tpu.memory_space<hbm>> -> memref<61x1x128xf32, #tpu.memory_space<hbm>>
    tpu.wait_dma2 semaphore(%arg20 : memref<!tpu.dma_semaphore, #tpu.memory_space<semaphore_mem>>) src(%arg12 : memref<61x1x128xf32, #tpu.memory_space<vmem>>) dst(%dma_wait3A_292 : memref<61x1x128xf32, #tpu.memory_space<hbm>>)
    %parallel_loop3A_293 = arith.constant 0 : i32
    %parallel_loop3A_294 = arith.constant 61 : i32
    %parallel_loop3A_295 = arith.constant 1 : i32
    scf.for %parallel_loop3A_330 = %parallel_loop3A_293 to %parallel_loop3A_294 step %parallel_loop3A_295  : i32 {
      %parallel_loop3A_331 = arith.constant 128 : i32
      %parallel_loop3A_332 = arith.muli %parallel_loop3A_330, %parallel_loop3A_331 : i32
      %parallel_loop3A_333 = arith.constant 0 : i32
      %parallel_loop3A_334 = arith.addi %parallel_loop3A_332, %parallel_loop3A_333 : i32
      %parallel_loop3A_335 = arith.index_cast %parallel_loop3A_334 : i32 to index
      %parallel_loop3A_336 = tpu.vector_load %arg8[%parallel_loop3A_335] {strides = array<i32>} : memref<7808xi32, #tpu.memory_space<vmem>>, vector<16xi32>,
      %parallel_loop3A_337 = tpu.vector_load_idx %arg6[%parallel_loop3A_336] : memref<64xf32, #tpu.memory_space<vmem>>[vector<16xi32>], vector<16xf32>,
      %parallel_loop3A_338 = arith.constant 0 : i32
      %parallel_loop3A_339 = arith.index_cast %parallel_loop3A_330 : i32 to index
      %parallel_loop3A_340 = arith.index_cast %parallel_loop3A_338 : i32 to index
      %parallel_loop3A_341 = arith.constant 0 : index
      %parallel_loop3A_342 = tpu.vector_load %arg10[%parallel_loop3A_339, %parallel_loop3A_340, %parallel_loop3A_341] {strides = array<i32>} : memref<61x1x128xf32, #tpu.memory_space<vmem>>, vector<16xf32>,
      %parallel_loop3A_343 = arith.addf %parallel_loop3A_342, %parallel_loop3A_337 : vector<16xf32>
      %parallel_loop3A_344 = arith.constant 0 : i32
      %parallel_loop3A_345 = arith.index_cast %parallel_loop3A_330 : i32 to index
      %parallel_loop3A_346 = arith.index_cast %parallel_loop3A_344 : i32 to index
      %parallel_loop3A_347 = arith.constant 0 : index
      %parallel_loop3A_348 = tpu.vector_load %arg12[%parallel_loop3A_345, %parallel_loop3A_346, %parallel_loop3A_347] {strides = array<i32>} : memref<61x1x128xf32, #tpu.memory_space<vmem>>, vector<16xf32>,
      tpu.vector_store %arg12[%parallel_loop3A_345, %parallel_loop3A_346, %parallel_loop3A_347], %parallel_loop3A_343 {strides = array<i32>} : memref<61x1x128xf32, #tpu.memory_space<vmem>>, vector<16xf32>,
      %parallel_loop3A_349 = arith.constant 128 : i32
      %parallel_loop3A_350 = arith.muli %parallel_loop3A_330, %parallel_loop3A_349 : i32
      %parallel_loop3A_351 = arith.constant 16 : i32
      %parallel_loop3A_352 = arith.addi %parallel_loop3A_350, %parallel_loop3A_351 : i32
      %parallel_loop3A_353 = arith.index_cast %parallel_loop3A_352 : i32 to index
      %parallel_loop3A_354 = tpu.vector_load %arg8[%parallel_loop3A_353] {strides = array<i32>} : memref<7808xi32, #tpu.memory_space<vmem>>, vector<16xi32>,
      %parallel_loop3A_355 = tpu.vector_load_idx %arg6[%parallel_loop3A_354] : memref<64xf32, #tpu.memory_space<vmem>>[vector<16xi32>], vector<16xf32>,
      %parallel_loop3A_356 = arith.constant 0 : i32
      %parallel_loop3A_357 = arith.index_cast %parallel_loop3A_330 : i32 to index
      %parallel_loop3A_358 = arith.index_cast %parallel_loop3A_356 : i32 to index
      %parallel_loop3A_359 = arith.constant 16 : index
      %parallel_loop3A_360 = tpu.vector_load %arg10[%parallel_loop3A_357, %parallel_loop3A_358, %parallel_loop3A_359] {strides = array<i32>} : memref<61x1x128xf32, #tpu.memory_space<vmem>>, vector<16xf32>,
      %parallel_loop3A_361 = arith.addf %parallel_loop3A_360, %parallel_loop3A_355 : vector<16xf32>
      %parallel_loop3A_362 = arith.constant 0 : i32
      %parallel_loop3A_363 = arith.index_cast %parallel_loop3A_330 : i32 to index
      %parallel_loop3A_364 = arith.index_cast %parallel_loop3A_362 : i32 to index
      %parallel_loop3A_365 = arith.constant 16 : index
      %parallel_loop3A_366 = tpu.vector_load %arg12[%parallel_loop3A_363, %parallel_loop3A_364, %parallel_loop3A_365] {strides = array<i32>} : memref<61x1x128xf32, #tpu.memory_space<vmem>>, vector<16xf32>,
      tpu.vector_store %arg12[%parallel_loop3A_363, %parallel_loop3A_364, %parallel_loop3A_365], %parallel_loop3A_361 {strides = array<i32>} : memref<61x1x128xf32, #tpu.memory_space<vmem>>, vector<16xf32>,
      %parallel_loop3A_367 = arith.constant 128 : i32
      %parallel_loop3A_368 = arith.muli %parallel_loop3A_330, %parallel_loop3A_367 : i32
      %parallel_loop3A_369 = arith.constant 32 : i32
      %parallel_loop3A_370 = arith.addi %parallel_loop3A_368, %parallel_loop3A_369 : i32
      %parallel_loop3A_371 = arith.index_cast %parallel_loop3A_370 : i32 to index
      %parallel_loop3A_372 = tpu.vector_load %arg8[%parallel_loop3A_371] {strides = array<i32>} : memref<7808xi32, #tpu.memory_space<vmem>>, vector<16xi32>,
      %parallel_loop3A_373 = tpu.vector_load_idx %arg6[%parallel_loop3A_372] : memref<64xf32, #tpu.memory_space<vmem>>[vector<16xi32>], vector<16xf32>,
      %parallel_loop3A_374 = arith.constant 0 : i32
      %parallel_loop3A_375 = arith.index_cast %parallel_loop3A_330 : i32 to index
      %parallel_loop3A_376 = arith.index_cast %parallel_loop3A_374 : i32 to index
      %parallel_loop3A_377 = arith.constant 32 : index
      %parallel_loop3A_378 = tpu.vector_load %arg10[%parallel_loop3A_375, %parallel_loop3A_376, %parallel_loop3A_377] {strides = array<i32>} : memref<61x1x128xf32, #tpu.memory_space<vmem>>, vector<16xf32>,
      %parallel_loop3A_379 = arith.addf %parallel_loop3A_378, %parallel_loop3A_373 : vector<16xf32>
      %parallel_loop3A_380 = arith.constant 0 : i32
      %parallel_loop3A_381 = arith.index_cast %parallel_loop3A_330 : i32 to index
      %parallel_loop3A_382 = arith.index_cast %parallel_loop3A_380 : i32 to index
      %parallel_loop3A_383 = arith.constant 32 : index
      %parallel_loop3A_384 = tpu.vector_load %arg12[%parallel_loop3A_381, %parallel_loop3A_382, %parallel_loop3A_383] {strides = array<i32>} : memref<61x1x128xf32, #tpu.memory_space<vmem>>, vector<16xf32>,
      tpu.vector_store %arg12[%parallel_loop3A_381, %parallel_loop3A_382, %parallel_loop3A_383], %parallel_loop3A_379 {strides = array<i32>} : memref<61x1x128xf32, #tpu.memory_space<vmem>>, vector<16xf32>,
      %parallel_loop3A_385 = arith.constant 128 : i32
      %parallel_loop3A_386 = arith.muli %parallel_loop3A_330, %parallel_loop3A_385 : i32
      %parallel_loop3A_387 = arith.constant 48 : i32
      %parallel_loop3A_388 = arith.addi %parallel_loop3A_386, %parallel_loop3A_387 : i32
      %parallel_loop3A_389 = arith.index_cast %parallel_loop3A_388 : i32 to index
      %parallel_loop3A_390 = tpu.vector_load %arg8[%parallel_loop3A_389] {strides = array<i32>} : memref<7808xi32, #tpu.memory_space<vmem>>, vector<16xi32>,
      %parallel_loop3A_391 = tpu.vector_load_idx %arg6[%parallel_loop3A_390] : memref<64xf32, #tpu.memory_space<vmem>>[vector<16xi32>], vector<16xf32>,
      %parallel_loop3A_392 = arith.constant 0 : i32
      %parallel_loop3A_393 = arith.index_cast %parallel_loop3A_330 : i32 to index
      %parallel_loop3A_394 = arith.index_cast %parallel_loop3A_392 : i32 to index
      %parallel_loop3A_395 = arith.constant 48 : index
      %parallel_loop3A_396 = tpu.vector_load %arg10[%parallel_loop3A_393, %parallel_loop3A_394, %parallel_loop3A_395] {strides = array<i32>} : memref<61x1x128xf32, #tpu.memory_space<vmem>>, vector<16xf32>,
      %parallel_loop3A_397 = arith.addf %parallel_loop3A_396, %parallel_loop3A_391 : vector<16xf32>
      %parallel_loop3A_398 = arith.constant 0 : i32
      %parallel_loop3A_399 = arith.index_cast %parallel_loop3A_330 : i32 to index
      %parallel_loop3A_400 = arith.index_cast %parallel_loop3A_398 : i32 to index
      %parallel_loop3A_401 = arith.constant 48 : index
      %parallel_loop3A_402 = tpu.vector_load %arg12[%parallel_loop3A_399, %parallel_loop3A_400, %parallel_loop3A_401] {strides = array<i32>} : memref<61x1x128xf32, #tpu.memory_space<vmem>>, vector<16xf32>,
      tpu.vector_store %arg12[%parallel_loop3A_399, %parallel_loop3A_400, %parallel_loop3A_401], %parallel_loop3A_397 {strides = array<i32>} : memref<61x1x128xf32, #tpu.memory_space<vmem>>, vector<16xf32>,
      %parallel_loop3A_403 = arith.constant 128 : i32
      %parallel_loop3A_404 = arith.muli %parallel_loop3A_330, %parallel_loop3A_403 : i32
      %parallel_loop3A_405 = arith.constant 64 : i32
      %parallel_loop3A_406 = arith.addi %parallel_loop3A_404, %parallel_loop3A_405 : i32
      %parallel_loop3A_407 = arith.index_cast %parallel_loop3A_406 : i32 to index
      %parallel_loop3A_408 = tpu.vector_load %arg8[%parallel_loop3A_407] {strides = array<i32>} : memref<7808xi32, #tpu.memory_space<vmem>>, vector<16xi32>,
      %parallel_loop3A_409 = tpu.vector_load_idx %arg6[%parallel_loop3A_408] : memref<64xf32, #tpu.memory_space<vmem>>[vector<16xi32>], vector<16xf32>,
      %parallel_loop3A_410 = arith.constant 0 : i32
      %parallel_loop3A_411 = arith.index_cast %parallel_loop3A_330 : i32 to index
      %parallel_loop3A_412 = arith.index_cast %parallel_loop3A_410 : i32 to index
      %parallel_loop3A_413 = arith.constant 64 : index
      %parallel_loop3A_414 = tpu.vector_load %arg10[%parallel_loop3A_411, %parallel_loop3A_412, %parallel_loop3A_413] {strides = array<i32>} : memref<61x1x128xf32, #tpu.memory_space<vmem>>, vector<16xf32>,
      %parallel_loop3A_415 = arith.addf %parallel_loop3A_414, %parallel_loop3A_409 : vector<16xf32>
      %parallel_loop3A_416 = arith.constant 0 : i32
      %parallel_loop3A_417 = arith.index_cast %parallel_loop3A_330 : i32 to index
      %parallel_loop3A_418 = arith.index_cast %parallel_loop3A_416 : i32 to index
      %parallel_loop3A_419 = arith.constant 64 : index
      %parallel_loop3A_420 = tpu.vector_load %arg12[%parallel_loop3A_417, %parallel_loop3A_418, %parallel_loop3A_419] {strides = array<i32>} : memref<61x1x128xf32, #tpu.memory_space<vmem>>, vector<16xf32>,
      tpu.vector_store %arg12[%parallel_loop3A_417, %parallel_loop3A_418, %parallel_loop3A_419], %parallel_loop3A_415 {strides = array<i32>} : memref<61x1x128xf32, #tpu.memory_space<vmem>>, vector<16xf32>,
      %parallel_loop3A_421 = arith.constant 128 : i32
      %parallel_loop3A_422 = arith.muli %parallel_loop3A_330, %parallel_loop3A_421 : i32
      %parallel_loop3A_423 = arith.constant 80 : i32
      %parallel_loop3A_424 = arith.addi %parallel_loop3A_422, %parallel_loop3A_423 : i32
      %parallel_loop3A_425 = arith.index_cast %parallel_loop3A_424 : i32 to index
      %parallel_loop3A_426 = tpu.vector_load %arg8[%parallel_loop3A_425] {strides = array<i32>} : memref<7808xi32, #tpu.memory_space<vmem>>, vector<16xi32>,
      %parallel_loop3A_427 = tpu.vector_load_idx %arg6[%parallel_loop3A_426] : memref<64xf32, #tpu.memory_space<vmem>>[vector<16xi32>], vector<16xf32>,
      %parallel_loop3A_428 = arith.constant 0 : i32
      %parallel_loop3A_429 = arith.index_cast %parallel_loop3A_330 : i32 to index
      %parallel_loop3A_430 = arith.index_cast %parallel_loop3A_428 : i32 to index
      %parallel_loop3A_431 = arith.constant 80 : index
      %parallel_loop3A_432 = tpu.vector_load %arg10[%parallel_loop3A_429, %parallel_loop3A_430, %parallel_loop3A_431] {strides = array<i32>} : memref<61x1x128xf32, #tpu.memory_space<vmem>>, vector<16xf32>,
      %parallel_loop3A_433 = arith.addf %parallel_loop3A_432, %parallel_loop3A_427 : vector<16xf32>
      %parallel_loop3A_434 = arith.constant 0 : i32
      %parallel_loop3A_435 = arith.index_cast %parallel_loop3A_330 : i32 to index
      %parallel_loop3A_436 = arith.index_cast %parallel_loop3A_434 : i32 to index
      %parallel_loop3A_437 = arith.constant 80 : index
      %parallel_loop3A_438 = tpu.vector_load %arg12[%parallel_loop3A_435, %parallel_loop3A_436, %parallel_loop3A_437] {strides = array<i32>} : memref<61x1x128xf32, #tpu.memory_space<vmem>>, vector<16xf32>,
      tpu.vector_store %arg12[%parallel_loop3A_435, %parallel_loop3A_436, %parallel_loop3A_437], %parallel_loop3A_433 {strides = array<i32>} : memref<61x1x128xf32, #tpu.memory_space<vmem>>, vector<16xf32>,
      %parallel_loop3A_439 = arith.constant 128 : i32
      %parallel_loop3A_440 = arith.muli %parallel_loop3A_330, %parallel_loop3A_439 : i32
      %parallel_loop3A_441 = arith.constant 96 : i32
      %parallel_loop3A_442 = arith.addi %parallel_loop3A_440, %parallel_loop3A_441 : i32
      %parallel_loop3A_443 = arith.index_cast %parallel_loop3A_442 : i32 to index
      %parallel_loop3A_444 = tpu.vector_load %arg8[%parallel_loop3A_443] {strides = array<i32>} : memref<7808xi32, #tpu.memory_space<vmem>>, vector<16xi32>,
      %parallel_loop3A_445 = tpu.vector_load_idx %arg6[%parallel_loop3A_444] : memref<64xf32, #tpu.memory_space<vmem>>[vector<16xi32>], vector<16xf32>,
      %parallel_loop3A_446 = arith.constant 0 : i32
      %parallel_loop3A_447 = arith.index_cast %parallel_loop3A_330 : i32 to index
      %parallel_loop3A_448 = arith.index_cast %parallel_loop3A_446 : i32 to index
      %parallel_loop3A_449 = arith.constant 96 : index
      %parallel_loop3A_450 = tpu.vector_load %arg10[%parallel_loop3A_447, %parallel_loop3A_448, %parallel_loop3A_449] {strides = array<i32>} : memref<61x1x128xf32, #tpu.memory_space<vmem>>, vector<16xf32>,
      %parallel_loop3A_451 = arith.addf %parallel_loop3A_450, %parallel_loop3A_445 : vector<16xf32>
      %parallel_loop3A_452 = arith.constant 0 : i32
      %parallel_loop3A_453 = arith.index_cast %parallel_loop3A_330 : i32 to index
      %parallel_loop3A_454 = arith.index_cast %parallel_loop3A_452 : i32 to index
      %parallel_loop3A_455 = arith.constant 96 : index
      %parallel_loop3A_456 = tpu.vector_load %arg12[%parallel_loop3A_453, %parallel_loop3A_454, %parallel_loop3A_455] {strides = array<i32>} : memref<61x1x128xf32, #tpu.memory_space<vmem>>, vector<16xf32>,
      tpu.vector_store %arg12[%parallel_loop3A_453, %parallel_loop3A_454, %parallel_loop3A_455], %parallel_loop3A_451 {strides = array<i32>} : memref<61x1x128xf32, #tpu.memory_space<vmem>>, vector<16xf32>,
      %parallel_loop3A_457 = arith.constant 128 : i32
      %parallel_loop3A_458 = arith.muli %parallel_loop3A_330, %parallel_loop3A_457 : i32
      %parallel_loop3A_459 = arith.constant 112 : i32
      %parallel_loop3A_460 = arith.addi %parallel_loop3A_458, %parallel_loop3A_459 : i32
      %parallel_loop3A_461 = arith.index_cast %parallel_loop3A_460 : i32 to index
      %parallel_loop3A_462 = tpu.vector_load %arg8[%parallel_loop3A_461] {strides = array<i32>} : memref<7808xi32, #tpu.memory_space<vmem>>, vector<16xi32>,
      %parallel_loop3A_463 = tpu.vector_load_idx %arg6[%parallel_loop3A_462] : memref<64xf32, #tpu.memory_space<vmem>>[vector<16xi32>], vector<16xf32>,
      %parallel_loop3A_464 = arith.constant 0 : i32
      %parallel_loop3A_465 = arith.index_cast %parallel_loop3A_330 : i32 to index
      %parallel_loop3A_466 = arith.index_cast %parallel_loop3A_464 : i32 to index
      %parallel_loop3A_467 = arith.constant 112 : index
      %parallel_loop3A_468 = tpu.vector_load %arg10[%parallel_loop3A_465, %parallel_loop3A_466, %parallel_loop3A_467] {strides = array<i32>} : memref<61x1x128xf32, #tpu.memory_space<vmem>>, vector<16xf32>,
      %parallel_loop3A_469 = arith.addf %parallel_loop3A_468, %parallel_loop3A_463 : vector<16xf32>
      %parallel_loop3A_470 = arith.constant 0 : i32
      %parallel_loop3A_471 = arith.index_cast %parallel_loop3A_330 : i32 to index
      %parallel_loop3A_472 = arith.index_cast %parallel_loop3A_470 : i32 to index
      %parallel_loop3A_473 = arith.constant 112 : index
      %parallel_loop3A_474 = tpu.vector_load %arg12[%parallel_loop3A_471, %parallel_loop3A_472, %parallel_loop3A_473] {strides = array<i32>} : memref<61x1x128xf32, #tpu.memory_space<vmem>>, vector<16xf32>,
      tpu.vector_store %arg12[%parallel_loop3A_471, %parallel_loop3A_472, %parallel_loop3A_473], %parallel_loop3A_469 {strides = array<i32>} : memref<61x1x128xf32, #tpu.memory_space<vmem>>, vector<16xf32>,
    } {sc.loop_unroll_factor = 1 : i64, sc.parallel_access}
    %add3A_296 = arith.constant 427 : i32
    %add3A_297 = arith.addi %mul3A_17, %add3A_296 : i32
    %dma_start3A_298 = arith.constant 0 : i32
    %dma_start3A_299 = arith.constant 0 : i32
    %dma_start3A_300 = tpu.memref_slice %arg5[%add3A_297, %dma_start3A_298, %dma_start3A_299] : memref<15625x1x128xf32, #tpu.memory_space<hbm>> -> memref<61x1x128xf32, #tpu.memory_space<hbm>>
    %dma_start3A_301 = arith.constant 0 : i32
    %dma_start3A_302 = arith.constant 0 : i32
    %dma_start3A_303 = tpu.memref_slice %arg5[%add3A_297, %dma_start3A_301, %dma_start3A_302] : memref<15625x1x128xf32, #tpu.memory_space<hbm>> -> memref<61x1x128xf32, #tpu.memory_space<hbm>>
    tpu.enqueue_dma source(%arg12 : memref<61x1x128xf32, #tpu.memory_space<vmem>>) target(%dma_start3A_303 : memref<61x1x128xf32, #tpu.memory_space<hbm>>) target_semaphore(%arg20 : memref<!tpu.dma_semaphore, #tpu.memory_space<semaphore_mem>>)
    %dma_wait3A_304 = arith.constant 0 : i32
    %dma_wait3A_305 = arith.constant 0 : i32
    %dma_wait3A_306 = tpu.memref_slice %arg5[%add3A_272, %dma_wait3A_304, %dma_wait3A_305] : memref<15625x1x128xf32, #tpu.memory_space<hbm>> -> memref<61x1x128xf32, #tpu.memory_space<hbm>>
    %dma_wait3A_307 = arith.constant 0 : i32
    %dma_wait3A_308 = arith.constant 0 : i32
    %dma_wait3A_309 = tpu.memref_slice %arg5[%add3A_272, %dma_wait3A_307, %dma_wait3A_308] : memref<15625x1x128xf32, #tpu.memory_space<hbm>> -> memref<61x1x128xf32, #tpu.memory_space<hbm>>
    tpu.wait_dma2 semaphore(%arg19 : memref<!tpu.dma_semaphore, #tpu.memory_space<semaphore_mem>>) src(%arg11 : memref<61x1x128xf32, #tpu.memory_space<vmem>>) dst(%dma_wait3A_309 : memref<61x1x128xf32, #tpu.memory_space<hbm>>)
    %dma_wait3A_310 = arith.constant 0 : i32
    %dma_wait3A_311 = arith.constant 0 : i32
    %dma_wait3A_312 = tpu.memref_slice %arg5[%add3A_297, %dma_wait3A_310, %dma_wait3A_311] : memref<15625x1x128xf32, #tpu.memory_space<hbm>> -> memref<61x1x128xf32, #tpu.memory_space<hbm>>
    %dma_wait3A_313 = arith.constant 0 : i32
    %dma_wait3A_314 = arith.constant 0 : i32
    %dma_wait3A_315 = tpu.memref_slice %arg5[%add3A_297, %dma_wait3A_313, %dma_wait3A_314] : memref<15625x1x128xf32, #tpu.memory_space<hbm>> -> memref<61x1x128xf32, #tpu.memory_space<hbm>>
    tpu.wait_dma2 semaphore(%arg20 : memref<!tpu.dma_semaphore, #tpu.memory_space<semaphore_mem>>) src(%arg12 : memref<61x1x128xf32, #tpu.memory_space<vmem>>) dst(%dma_wait3A_315 : memref<61x1x128xf32, #tpu.memory_space<hbm>>)
    %dma_wait3A_316 = arith.constant 1998848 : i32
    %dma_wait3A_317 = tpu.memref_slice %arg3[%dma_wait3A_316] : memref<2000000xi32, #tpu.memory_space<hbm>> -> memref<1152xi32, #tpu.memory_space<hbm>>
    %dma_wait3A_318 = arith.constant 1998848 : i32
    %dma_wait3A_319 = tpu.memref_slice %arg3[%dma_wait3A_318] : memref<2000000xi32, #tpu.memory_space<hbm>> -> memref<1152xi32, #tpu.memory_space<hbm>>
    tpu.wait_dma2 semaphore(%arg22 : memref<!tpu.dma_semaphore, #tpu.memory_space<semaphore_mem>>) src(%dma_wait3A_319 : memref<1152xi32, #tpu.memory_space<hbm>>) dst(%arg13 : memref<1152xi32, #tpu.memory_space<vmem>>)
    %dma_wait3A_320 = arith.constant 15616 : i32
    %dma_wait3A_321 = arith.constant 0 : i32
    %dma_wait3A_322 = arith.constant 0 : i32
    %dma_wait3A_323 = tpu.memref_slice %arg2[%dma_wait3A_320, %dma_wait3A_321, %dma_wait3A_322] : memref<15625x1x128xf32, #tpu.memory_space<hbm>> -> memref<9x1x128xf32, #tpu.memory_space<hbm>>
    %dma_wait3A_324 = arith.constant 15616 : i32
    %dma_wait3A_325 = arith.constant 0 : i32
    %dma_wait3A_326 = arith.constant 0 : i32
    %dma_wait3A_327 = tpu.memref_slice %arg2[%dma_wait3A_324, %dma_wait3A_325, %dma_wait3A_326] : memref<15625x1x128xf32, #tpu.memory_space<hbm>> -> memref<9x1x128xf32, #tpu.memory_space<hbm>>
    tpu.wait_dma2 semaphore(%arg23 : memref<!tpu.dma_semaphore, #tpu.memory_space<semaphore_mem>>) src(%dma_wait3A_327 : memref<9x1x128xf32, #tpu.memory_space<hbm>>) dst(%arg14 : memref<9x1x128xf32, #tpu.memory_space<vmem>>)
    %eq3A = arith.constant 0 : i32
    %eq3A_328 = arith.cmpi eq, %add3A, %eq3A : i32
    %convert_element_type3A = arith.extui %eq3A_328 : i1 to i32
    %cond3A = arith.constant 0 : i32
    %cond3A_329 = arith.cmpi ne, %convert_element_type3A, %cond3A : i32
    scf.if %cond3A_329 {
      %parallel_loop3A_330 = arith.constant 0 : i32
      %parallel_loop3A_331 = arith.constant 9 : i32
      %parallel_loop3A_332 = arith.constant 1 : i32
      scf.for %parallel_loop3A_333 = %parallel_loop3A_330 to %parallel_loop3A_331 step %parallel_loop3A_332  : i32 {
        %parallel_loop3A_334 = arith.constant 128 : i32
        %parallel_loop3A_335 = arith.muli %parallel_loop3A_333, %parallel_loop3A_334 : i32
        %parallel_loop3A_336 = arith.constant 0 : i32
        %parallel_loop3A_337 = arith.addi %parallel_loop3A_335, %parallel_loop3A_336 : i32
        %parallel_loop3A_338 = arith.index_cast %parallel_loop3A_337 : i32 to index
        %parallel_loop3A_339 = tpu.vector_load %arg13[%parallel_loop3A_338] {strides = array<i32>} : memref<1152xi32, #tpu.memory_space<vmem>>, vector<16xi32>,
        %parallel_loop3A_340 = tpu.vector_load_idx %arg6[%parallel_loop3A_339] : memref<64xf32, #tpu.memory_space<vmem>>[vector<16xi32>], vector<16xf32>,
        %parallel_loop3A_341 = arith.constant 0 : i32
        %parallel_loop3A_342 = arith.index_cast %parallel_loop3A_333 : i32 to index
        %parallel_loop3A_343 = arith.index_cast %parallel_loop3A_341 : i32 to index
        %parallel_loop3A_344 = arith.constant 0 : index
        %parallel_loop3A_345 = tpu.vector_load %arg14[%parallel_loop3A_342, %parallel_loop3A_343, %parallel_loop3A_344] {strides = array<i32>} : memref<9x1x128xf32, #tpu.memory_space<vmem>>, vector<16xf32>,
        %parallel_loop3A_346 = arith.addf %parallel_loop3A_345, %parallel_loop3A_340 : vector<16xf32>
        %parallel_loop3A_347 = arith.constant 0 : i32
        %parallel_loop3A_348 = arith.index_cast %parallel_loop3A_333 : i32 to index
        %parallel_loop3A_349 = arith.index_cast %parallel_loop3A_347 : i32 to index
        %parallel_loop3A_350 = arith.constant 0 : index
        %parallel_loop3A_351 = tpu.vector_load %arg11[%parallel_loop3A_348, %parallel_loop3A_349, %parallel_loop3A_350] {strides = array<i32>} : memref<61x1x128xf32, #tpu.memory_space<vmem>>, vector<16xf32>,
        tpu.vector_store %arg11[%parallel_loop3A_348, %parallel_loop3A_349, %parallel_loop3A_350], %parallel_loop3A_346 {strides = array<i32>} : memref<61x1x128xf32, #tpu.memory_space<vmem>>, vector<16xf32>,
        %parallel_loop3A_352 = arith.constant 128 : i32
        %parallel_loop3A_353 = arith.muli %parallel_loop3A_333, %parallel_loop3A_352 : i32
        %parallel_loop3A_354 = arith.constant 16 : i32
        %parallel_loop3A_355 = arith.addi %parallel_loop3A_353, %parallel_loop3A_354 : i32
        %parallel_loop3A_356 = arith.index_cast %parallel_loop3A_355 : i32 to index
        %parallel_loop3A_357 = tpu.vector_load %arg13[%parallel_loop3A_356] {strides = array<i32>} : memref<1152xi32, #tpu.memory_space<vmem>>, vector<16xi32>,
        %parallel_loop3A_358 = tpu.vector_load_idx %arg6[%parallel_loop3A_357] : memref<64xf32, #tpu.memory_space<vmem>>[vector<16xi32>], vector<16xf32>,
        %parallel_loop3A_359 = arith.constant 0 : i32
        %parallel_loop3A_360 = arith.index_cast %parallel_loop3A_333 : i32 to index
        %parallel_loop3A_361 = arith.index_cast %parallel_loop3A_359 : i32 to index
        %parallel_loop3A_362 = arith.constant 16 : index
        %parallel_loop3A_363 = tpu.vector_load %arg14[%parallel_loop3A_360, %parallel_loop3A_361, %parallel_loop3A_362] {strides = array<i32>} : memref<9x1x128xf32, #tpu.memory_space<vmem>>, vector<16xf32>,
        %parallel_loop3A_364 = arith.addf %parallel_loop3A_363, %parallel_loop3A_358 : vector<16xf32>
        %parallel_loop3A_365 = arith.constant 0 : i32
        %parallel_loop3A_366 = arith.index_cast %parallel_loop3A_333 : i32 to index
        %parallel_loop3A_367 = arith.index_cast %parallel_loop3A_365 : i32 to index
        %parallel_loop3A_368 = arith.constant 16 : index
        %parallel_loop3A_369 = tpu.vector_load %arg11[%parallel_loop3A_366, %parallel_loop3A_367, %parallel_loop3A_368] {strides = array<i32>} : memref<61x1x128xf32, #tpu.memory_space<vmem>>, vector<16xf32>,
        tpu.vector_store %arg11[%parallel_loop3A_366, %parallel_loop3A_367, %parallel_loop3A_368], %parallel_loop3A_364 {strides = array<i32>} : memref<61x1x128xf32, #tpu.memory_space<vmem>>, vector<16xf32>,
        %parallel_loop3A_370 = arith.constant 128 : i32
        %parallel_loop3A_371 = arith.muli %parallel_loop3A_333, %parallel_loop3A_370 : i32
        %parallel_loop3A_372 = arith.constant 32 : i32
        %parallel_loop3A_373 = arith.addi %parallel_loop3A_371, %parallel_loop3A_372 : i32
        %parallel_loop3A_374 = arith.index_cast %parallel_loop3A_373 : i32 to index
        %parallel_loop3A_375 = tpu.vector_load %arg13[%parallel_loop3A_374] {strides = array<i32>} : memref<1152xi32, #tpu.memory_space<vmem>>, vector<16xi32>,
        %parallel_loop3A_376 = tpu.vector_load_idx %arg6[%parallel_loop3A_375] : memref<64xf32, #tpu.memory_space<vmem>>[vector<16xi32>], vector<16xf32>,
        %parallel_loop3A_377 = arith.constant 0 : i32
        %parallel_loop3A_378 = arith.index_cast %parallel_loop3A_333 : i32 to index
        %parallel_loop3A_379 = arith.index_cast %parallel_loop3A_377 : i32 to index
        %parallel_loop3A_380 = arith.constant 32 : index
        %parallel_loop3A_381 = tpu.vector_load %arg14[%parallel_loop3A_378, %parallel_loop3A_379, %parallel_loop3A_380] {strides = array<i32>} : memref<9x1x128xf32, #tpu.memory_space<vmem>>, vector<16xf32>,
        %parallel_loop3A_382 = arith.addf %parallel_loop3A_381, %parallel_loop3A_376 : vector<16xf32>
        %parallel_loop3A_383 = arith.constant 0 : i32
        %parallel_loop3A_384 = arith.index_cast %parallel_loop3A_333 : i32 to index
        %parallel_loop3A_385 = arith.index_cast %parallel_loop3A_383 : i32 to index
        %parallel_loop3A_386 = arith.constant 32 : index
        %parallel_loop3A_387 = tpu.vector_load %arg11[%parallel_loop3A_384, %parallel_loop3A_385, %parallel_loop3A_386] {strides = array<i32>} : memref<61x1x128xf32, #tpu.memory_space<vmem>>, vector<16xf32>,
        tpu.vector_store %arg11[%parallel_loop3A_384, %parallel_loop3A_385, %parallel_loop3A_386], %parallel_loop3A_382 {strides = array<i32>} : memref<61x1x128xf32, #tpu.memory_space<vmem>>, vector<16xf32>,
        %parallel_loop3A_388 = arith.constant 128 : i32
        %parallel_loop3A_389 = arith.muli %parallel_loop3A_333, %parallel_loop3A_388 : i32
        %parallel_loop3A_390 = arith.constant 48 : i32
        %parallel_loop3A_391 = arith.addi %parallel_loop3A_389, %parallel_loop3A_390 : i32
        %parallel_loop3A_392 = arith.index_cast %parallel_loop3A_391 : i32 to index
        %parallel_loop3A_393 = tpu.vector_load %arg13[%parallel_loop3A_392] {strides = array<i32>} : memref<1152xi32, #tpu.memory_space<vmem>>, vector<16xi32>,
        %parallel_loop3A_394 = tpu.vector_load_idx %arg6[%parallel_loop3A_393] : memref<64xf32, #tpu.memory_space<vmem>>[vector<16xi32>], vector<16xf32>,
        %parallel_loop3A_395 = arith.constant 0 : i32
        %parallel_loop3A_396 = arith.index_cast %parallel_loop3A_333 : i32 to index
        %parallel_loop3A_397 = arith.index_cast %parallel_loop3A_395 : i32 to index
        %parallel_loop3A_398 = arith.constant 48 : index
        %parallel_loop3A_399 = tpu.vector_load %arg14[%parallel_loop3A_396, %parallel_loop3A_397, %parallel_loop3A_398] {strides = array<i32>} : memref<9x1x128xf32, #tpu.memory_space<vmem>>, vector<16xf32>,
        %parallel_loop3A_400 = arith.addf %parallel_loop3A_399, %parallel_loop3A_394 : vector<16xf32>
        %parallel_loop3A_401 = arith.constant 0 : i32
        %parallel_loop3A_402 = arith.index_cast %parallel_loop3A_333 : i32 to index
        %parallel_loop3A_403 = arith.index_cast %parallel_loop3A_401 : i32 to index
        %parallel_loop3A_404 = arith.constant 48 : index
        %parallel_loop3A_405 = tpu.vector_load %arg11[%parallel_loop3A_402, %parallel_loop3A_403, %parallel_loop3A_404] {strides = array<i32>} : memref<61x1x128xf32, #tpu.memory_space<vmem>>, vector<16xf32>,
        tpu.vector_store %arg11[%parallel_loop3A_402, %parallel_loop3A_403, %parallel_loop3A_404], %parallel_loop3A_400 {strides = array<i32>} : memref<61x1x128xf32, #tpu.memory_space<vmem>>, vector<16xf32>,
        %parallel_loop3A_406 = arith.constant 128 : i32
        %parallel_loop3A_407 = arith.muli %parallel_loop3A_333, %parallel_loop3A_406 : i32
        %parallel_loop3A_408 = arith.constant 64 : i32
        %parallel_loop3A_409 = arith.addi %parallel_loop3A_407, %parallel_loop3A_408 : i32
        %parallel_loop3A_410 = arith.index_cast %parallel_loop3A_409 : i32 to index
        %parallel_loop3A_411 = tpu.vector_load %arg13[%parallel_loop3A_410] {strides = array<i32>} : memref<1152xi32, #tpu.memory_space<vmem>>, vector<16xi32>,
        %parallel_loop3A_412 = tpu.vector_load_idx %arg6[%parallel_loop3A_411] : memref<64xf32, #tpu.memory_space<vmem>>[vector<16xi32>], vector<16xf32>,
        %parallel_loop3A_413 = arith.constant 0 : i32
        %parallel_loop3A_414 = arith.index_cast %parallel_loop3A_333 : i32 to index
        %parallel_loop3A_415 = arith.index_cast %parallel_loop3A_413 : i32 to index
        %parallel_loop3A_416 = arith.constant 64 : index
        %parallel_loop3A_417 = tpu.vector_load %arg14[%parallel_loop3A_414, %parallel_loop3A_415, %parallel_loop3A_416] {strides = array<i32>} : memref<9x1x128xf32, #tpu.memory_space<vmem>>, vector<16xf32>,
        %parallel_loop3A_418 = arith.addf %parallel_loop3A_417, %parallel_loop3A_412 : vector<16xf32>
        %parallel_loop3A_419 = arith.constant 0 : i32
        %parallel_loop3A_420 = arith.index_cast %parallel_loop3A_333 : i32 to index
        %parallel_loop3A_421 = arith.index_cast %parallel_loop3A_419 : i32 to index
        %parallel_loop3A_422 = arith.constant 64 : index
        %parallel_loop3A_423 = tpu.vector_load %arg11[%parallel_loop3A_420, %parallel_loop3A_421, %parallel_loop3A_422] {strides = array<i32>} : memref<61x1x128xf32, #tpu.memory_space<vmem>>, vector<16xf32>,
        tpu.vector_store %arg11[%parallel_loop3A_420, %parallel_loop3A_421, %parallel_loop3A_422], %parallel_loop3A_418 {strides = array<i32>} : memref<61x1x128xf32, #tpu.memory_space<vmem>>, vector<16xf32>,
        %parallel_loop3A_424 = arith.constant 128 : i32
        %parallel_loop3A_425 = arith.muli %parallel_loop3A_333, %parallel_loop3A_424 : i32
        %parallel_loop3A_426 = arith.constant 80 : i32
        %parallel_loop3A_427 = arith.addi %parallel_loop3A_425, %parallel_loop3A_426 : i32
        %parallel_loop3A_428 = arith.index_cast %parallel_loop3A_427 : i32 to index
        %parallel_loop3A_429 = tpu.vector_load %arg13[%parallel_loop3A_428] {strides = array<i32>} : memref<1152xi32, #tpu.memory_space<vmem>>, vector<16xi32>,
        %parallel_loop3A_430 = tpu.vector_load_idx %arg6[%parallel_loop3A_429] : memref<64xf32, #tpu.memory_space<vmem>>[vector<16xi32>], vector<16xf32>,
        %parallel_loop3A_431 = arith.constant 0 : i32
        %parallel_loop3A_432 = arith.index_cast %parallel_loop3A_333 : i32 to index
        %parallel_loop3A_433 = arith.index_cast %parallel_loop3A_431 : i32 to index
        %parallel_loop3A_434 = arith.constant 80 : index
        %parallel_loop3A_435 = tpu.vector_load %arg14[%parallel_loop3A_432, %parallel_loop3A_433, %parallel_loop3A_434] {strides = array<i32>} : memref<9x1x128xf32, #tpu.memory_space<vmem>>, vector<16xf32>,
        %parallel_loop3A_436 = arith.addf %parallel_loop3A_435, %parallel_loop3A_430 : vector<16xf32>
        %parallel_loop3A_437 = arith.constant 0 : i32
        %parallel_loop3A_438 = arith.index_cast %parallel_loop3A_333 : i32 to index
        %parallel_loop3A_439 = arith.index_cast %parallel_loop3A_437 : i32 to index
        %parallel_loop3A_440 = arith.constant 80 : index
        %parallel_loop3A_441 = tpu.vector_load %arg11[%parallel_loop3A_438, %parallel_loop3A_439, %parallel_loop3A_440] {strides = array<i32>} : memref<61x1x128xf32, #tpu.memory_space<vmem>>, vector<16xf32>,
        tpu.vector_store %arg11[%parallel_loop3A_438, %parallel_loop3A_439, %parallel_loop3A_440], %parallel_loop3A_436 {strides = array<i32>} : memref<61x1x128xf32, #tpu.memory_space<vmem>>, vector<16xf32>,
        %parallel_loop3A_442 = arith.constant 128 : i32
        %parallel_loop3A_443 = arith.muli %parallel_loop3A_333, %parallel_loop3A_442 : i32
        %parallel_loop3A_444 = arith.constant 96 : i32
        %parallel_loop3A_445 = arith.addi %parallel_loop3A_443, %parallel_loop3A_444 : i32
        %parallel_loop3A_446 = arith.index_cast %parallel_loop3A_445 : i32 to index
        %parallel_loop3A_447 = tpu.vector_load %arg13[%parallel_loop3A_446] {strides = array<i32>} : memref<1152xi32, #tpu.memory_space<vmem>>, vector<16xi32>,
        %parallel_loop3A_448 = tpu.vector_load_idx %arg6[%parallel_loop3A_447] : memref<64xf32, #tpu.memory_space<vmem>>[vector<16xi32>], vector<16xf32>,
        %parallel_loop3A_449 = arith.constant 0 : i32
        %parallel_loop3A_450 = arith.index_cast %parallel_loop3A_333 : i32 to index
        %parallel_loop3A_451 = arith.index_cast %parallel_loop3A_449 : i32 to index
        %parallel_loop3A_452 = arith.constant 96 : index
        %parallel_loop3A_453 = tpu.vector_load %arg14[%parallel_loop3A_450, %parallel_loop3A_451, %parallel_loop3A_452] {strides = array<i32>} : memref<9x1x128xf32, #tpu.memory_space<vmem>>, vector<16xf32>,
        %parallel_loop3A_454 = arith.addf %parallel_loop3A_453, %parallel_loop3A_448 : vector<16xf32>
        %parallel_loop3A_455 = arith.constant 0 : i32
        %parallel_loop3A_456 = arith.index_cast %parallel_loop3A_333 : i32 to index
        %parallel_loop3A_457 = arith.index_cast %parallel_loop3A_455 : i32 to index
        %parallel_loop3A_458 = arith.constant 96 : index
        %parallel_loop3A_459 = tpu.vector_load %arg11[%parallel_loop3A_456, %parallel_loop3A_457, %parallel_loop3A_458] {strides = array<i32>} : memref<61x1x128xf32, #tpu.memory_space<vmem>>, vector<16xf32>,
        tpu.vector_store %arg11[%parallel_loop3A_456, %parallel_loop3A_457, %parallel_loop3A_458], %parallel_loop3A_454 {strides = array<i32>} : memref<61x1x128xf32, #tpu.memory_space<vmem>>, vector<16xf32>,
        %parallel_loop3A_460 = arith.constant 128 : i32
        %parallel_loop3A_461 = arith.muli %parallel_loop3A_333, %parallel_loop3A_460 : i32
        %parallel_loop3A_462 = arith.constant 112 : i32
        %parallel_loop3A_463 = arith.addi %parallel_loop3A_461, %parallel_loop3A_462 : i32
        %parallel_loop3A_464 = arith.index_cast %parallel_loop3A_463 : i32 to index
        %parallel_loop3A_465 = tpu.vector_load %arg13[%parallel_loop3A_464] {strides = array<i32>} : memref<1152xi32, #tpu.memory_space<vmem>>, vector<16xi32>,
        %parallel_loop3A_466 = tpu.vector_load_idx %arg6[%parallel_loop3A_465] : memref<64xf32, #tpu.memory_space<vmem>>[vector<16xi32>], vector<16xf32>,
        %parallel_loop3A_467 = arith.constant 0 : i32
        %parallel_loop3A_468 = arith.index_cast %parallel_loop3A_333 : i32 to index
        %parallel_loop3A_469 = arith.index_cast %parallel_loop3A_467 : i32 to index
        %parallel_loop3A_470 = arith.constant 112 : index
        %parallel_loop3A_471 = tpu.vector_load %arg14[%parallel_loop3A_468, %parallel_loop3A_469, %parallel_loop3A_470] {strides = array<i32>} : memref<9x1x128xf32, #tpu.memory_space<vmem>>, vector<16xf32>,
        %parallel_loop3A_472 = arith.addf %parallel_loop3A_471, %parallel_loop3A_466 : vector<16xf32>
        %parallel_loop3A_473 = arith.constant 0 : i32
        %parallel_loop3A_474 = arith.index_cast %parallel_loop3A_333 : i32 to index
        %parallel_loop3A_475 = arith.index_cast %parallel_loop3A_473 : i32 to index
        %parallel_loop3A_476 = arith.constant 112 : index
        %parallel_loop3A_477 = tpu.vector_load %arg11[%parallel_loop3A_474, %parallel_loop3A_475, %parallel_loop3A_476] {strides = array<i32>} : memref<61x1x128xf32, #tpu.memory_space<vmem>>, vector<16xf32>,
        tpu.vector_store %arg11[%parallel_loop3A_474, %parallel_loop3A_475, %parallel_loop3A_476], %parallel_loop3A_472 {strides = array<i32>} : memref<61x1x128xf32, #tpu.memory_space<vmem>>, vector<16xf32>,
      } {sc.loop_unroll_factor = 1 : i64, sc.parallel_access}
      "tpu.region"() ({
        %run_scoped3A = tpu.sem_alloc : memref<!tpu.dma_semaphore, #tpu.memory_space<semaphore_mem>>
        %dma_start3A_333 = arith.constant 0 : i32
        %dma_start3A_334 = arith.constant 0 : i32
        %dma_start3A_335 = arith.constant 0 : i32
        %dma_start3A_336 = tpu.memref_slice %arg11[%dma_start3A_333, %dma_start3A_334, %dma_start3A_335] : memref<61x1x128xf32, #tpu.memory_space<vmem>> -> memref<9x1x128xf32, #tpu.memory_space<vmem>>
        %dma_start3A_337 = arith.constant 15616 : i32
        %dma_start3A_338 = arith.constant 0 : i32
        %dma_start3A_339 = arith.constant 0 : i32
        %dma_start3A_340 = tpu.memref_slice %arg5[%dma_start3A_337, %dma_start3A_338, %dma_start3A_339] : memref<15625x1x128xf32, #tpu.memory_space<hbm>> -> memref<9x1x128xf32, #tpu.memory_space<hbm>>
        %dma_start3A_341 = arith.constant 15616 : i32
        %dma_start3A_342 = arith.constant 0 : i32
        %dma_start3A_343 = arith.constant 0 : i32
        %dma_start3A_344 = tpu.memref_slice %arg5[%dma_start3A_341, %dma_start3A_342, %dma_start3A_343] : memref<15625x1x128xf32, #tpu.memory_space<hbm>> -> memref<9x1x128xf32, #tpu.memory_space<hbm>>
        %dma_start3A_345 = arith.constant 0 : i32
        %dma_start3A_346 = arith.constant 0 : i32
        %dma_start3A_347 = arith.constant 0 : i32
        %dma_start3A_348 = tpu.memref_slice %arg11[%dma_start3A_345, %dma_start3A_346, %dma_start3A_347] : memref<61x1x128xf32, #tpu.memory_space<vmem>> -> memref<9x1x128xf32, #tpu.memory_space<vmem>>
        tpu.enqueue_dma source(%dma_start3A_348 : memref<9x1x128xf32, #tpu.memory_space<vmem>>) target(%dma_start3A_344 : memref<9x1x128xf32, #tpu.memory_space<hbm>>) target_semaphore(%run_scoped3A : memref<!tpu.dma_semaphore, #tpu.memory_space<semaphore_mem>>)
        %dma_wait3A_349 = arith.constant 0 : i32
        %dma_wait3A_350 = arith.constant 0 : i32
        %dma_wait3A_351 = arith.constant 0 : i32
        %dma_wait3A_352 = tpu.memref_slice %arg11[%dma_wait3A_349, %dma_wait3A_350, %dma_wait3A_351] : memref<61x1x128xf32, #tpu.memory_space<vmem>> -> memref<9x1x128xf32, #tpu.memory_space<vmem>>
        %dma_wait3A_353 = arith.constant 15616 : i32
        %dma_wait3A_354 = arith.constant 0 : i32
        %dma_wait3A_355 = arith.constant 0 : i32
        %dma_wait3A_356 = tpu.memref_slice %arg5[%dma_wait3A_353, %dma_wait3A_354, %dma_wait3A_355] : memref<15625x1x128xf32, #tpu.memory_space<hbm>> -> memref<9x1x128xf32, #tpu.memory_space<hbm>>
        %dma_wait3A_357 = arith.constant 15616 : i32
        %dma_wait3A_358 = arith.constant 0 : i32
        %dma_wait3A_359 = arith.constant 0 : i32
        %dma_wait3A_360 = tpu.memref_slice %arg5[%dma_wait3A_357, %dma_wait3A_358, %dma_wait3A_359] : memref<15625x1x128xf32, #tpu.memory_space<hbm>> -> memref<9x1x128xf32, #tpu.memory_space<hbm>>
        %dma_wait3A_361 = arith.constant 0 : i32
        %dma_wait3A_362 = arith.constant 0 : i32
        %dma_wait3A_363 = arith.constant 0 : i32
        %dma_wait3A_364 = tpu.memref_slice %arg11[%dma_wait3A_361, %dma_wait3A_362, %dma_wait3A_363] : memref<61x1x128xf32, #tpu.memory_space<vmem>> -> memref<9x1x128xf32, #tpu.memory_space<vmem>>
        tpu.wait_dma2 semaphore(%run_scoped3A : memref<!tpu.dma_semaphore, #tpu.memory_space<semaphore_mem>>) src(%dma_wait3A_364 : memref<9x1x128xf32, #tpu.memory_space<vmem>>) dst(%dma_wait3A_360 : memref<9x1x128xf32, #tpu.memory_space<hbm>>)
        tpu.yield
      }) : () -> ()
    } else {
    }
    return
  }
}

</mosaic_0001>

<sc_bundles>
// kernel: kernel.3.cloned.1.call-start
scs
__scs_entry_jumppad:
0x0: {  	(pc) =	sbr.rel $0x88, $3  }
0x1: {  	(tag) =	ssettag $0x0;
	lr =	simm.s32 $0x1  }
0x2: {  	[smem:$0x3F9E] =	sst lr;
	_ =	strace $0xD0000000  }
0x3: {  	_ = 	snop  }
0x4: {  	_ = 	snop  }
0x5: {  	_ = 	snop  }
0x6: {  	_ = 	snop  }
0x7: {  	_ = 	snop  }
__scs_overlays_trampoline_lowered:
0x8: {  	[smem:$0x3FAD] =	sst s0  }
0x9: {  	[smem:$0x3FAE] =	sst s1  }
0xa: {  	[smem:$0x3FAF] =	sst s2  }
0xb: {  	[smem:$0x3FB0] =	sst s3  }
0xc: {  	[smem:$0x3FB1] =	sst s4  }
0xd: {  	[smem:$0x3FB2] =	sst s5  }
0xe: {  	[smem:$0x3FB3] =	sst s6  }
0xf: {  	[smem:$0x3FB4] =	sst s7  }
0x10: {  	[smem:$0x3FB5] =	sst s8  }
0x11: {  	[smem:$0x3FB6] =	sst s9;
	s0 =	simm.s32 @!p0 $0x0  }
0x12: {  	s1 =	sld [smem:$0x3F9C];
	s0 =	simm.s32 @p0 $0x1  }
0x13: {  	[smem:$0x3FB7] =	sst s0;
	s0 =	simm.s32 @!p1 $0x0  }
0x14: {  	s2 =	sld [smem:$0x3F9B];
	s0 =	simm.s32 @p1 $0x1  }
0x15: {  	[smem:$0x3FB8] =	sst s0;
	s0 =	simm.s32 @!p2 $0x0  }
0x16: {  	s3 =	sld [smem:$0x3FDB];
	s0 =	simm.s32 @p2 $0x1  }
0x17: {  	s4 =	simm.s32 $0x1BF5;
	[smem:$0x3FBA] =	sst s0  }
0x18: {  	s0 =	sld [smem:$0x3F9D];
	_ =	swait.ge [sflag:s4], $0x0  }
0x19: {  	s7 =	sld [smem:$0x3F9E]  }
0x1a: {  	s8 =	sadd.s32 $0xFFFFE003, lr  }
0x1b: {  	s9 =	sadd.s32 $0xFFFFFEF7, lr;
	s5 =	simm.s32 $0xFFFFFFFF;
	p2 =	slt.u32 s8, $0xFFFFF086  }
0x1c: {  	p1 =	slt.u32 s9, $0xF7A;
	s5 =	simm.s32 @!p2 $0x0  }
0x1d: {  	s5 =	simm.s32 @p1 $0x1;
	p0 =	seq.s32 s7, s2  }
0x1e: {  	s7 =	smul.u32 @!p0 $0xF7A, s2;
	p2 =	seq.s32 @!p0 s5, $0x0  }
0x1f: {  	s9 =	smul.u32 $0xF7A, s1;
	s8 =	simm.s32 @!p0 $0x1BF5;
	p2 =	por !p2, p0  }
0x20: {  	[sflag:s8] =	ssyncset.s32 @!p0 $0xFFFFF086;
	s6 =	sadd.s32 @!p0 s3, s7;
	s7 =	simm.s32 @!p0 $0x108  }
0x21: {  	s3 =	sadd.s32 s3, s9;
	s6 =	sadd.s32 @!p0 $0x88, s6;
	s7 =	simm.s32 @p2 $0x1082  }
0x22: {  	[simem:s7], [sflag:s8] =	dma.local @!p0 [hbm:s6], $0xF7A  }
0x23: {  	s9 =	sor.u32 $0xD0000000, s2;
	s6 =	simm.s32 $0x108;
	_ =	swait.ge @!p0 [sflag:s8], $0x0  }
0x24: {  	s3 =	sadd.s32 $0x88, s3;
	s6 =	simm.s32 @!p1 $0x1082;
	[sflag:s4] =	ssyncset.s32 $0xFFFFF086  }
0x25: {  	[simem:s6], [sflag:s4] =	dma.local [hbm:s3], $0xF7A  }
0x26: {  	[smem:$0x3F9E] =	sst s1;
	(tag) =	ssettag s2;
	_ =	strace s9  }
0x27: {  	s1 =	sld [smem:$0x3FAE]  }
0x28: {  	s2 =	sld [smem:$0x3FAF]  }
0x29: {  	s4 =	sld [smem:$0x3FB1]  }
0x2a: {  	p0 =	seq.s32 s5, $0x0;
	s5 =	sld [smem:$0x3FB2]  }
0x2b: {  	s6 =	sld [smem:$0x3FB3]  }
0x2c: {  	s7 =	sld [smem:$0x3FB4]  }
0x2d: {  	s3 =	simm.s32 $0x108;
	s8 =	sld [smem:$0x3FB5]  }
0x2e: {  	s3 =	simm.s32 @!p0 $0x1082;
	s9 =	sld [smem:$0x3FB6]  }
0x2f: {  	lr =	sadd.s32 s0, s3;
	s0 =	sld [smem:$0x3FAD]  }
0x30: {  	s3 =	sld [smem:$0x3FB0]  }
0x31: {  	[smem:$0x3FB9] =	sst s10  }
0x32: {  	s10 =	sld [smem:$0x3FB7];
	_ =	sdelay $0x3  }
0x33: {  	p0 =	seq.s32 s10, $0x1;
	s10 =	sld [smem:$0x3FB9];
	_ =	sdelay $0x3  }
0x34: {  	[smem:$0x3FB9] =	sst s10  }
0x35: {  	s10 =	sld [smem:$0x3FB8];
	_ =	sdelay $0x3  }
0x36: {  	p1 =	seq.s32 s10, $0x1;
	s10 =	sld [smem:$0x3FB9];
	_ =	sdelay $0x3  }
0x37: {  	[smem:$0x3FB9] =	sst s10  }
0x38: {  	s10 =	sld [smem:$0x3FBA]  }
0x39: {  	_ = 	snop;
	(pc) =	sbr.ind lr, $3  }
0x3a: {  	_ = 	snop  }
0x3b: {  	_ = 	snop  }
0x3c: {  	p2 =	seq.s32 s10, $0x1;
	s10 =	sld [smem:$0x3FB9]  }
0x3d: {  	_ =	shalt  }
0x3e: {  	_ =	shalt  }
0x3f: {  	_ =	shalt  }
0x40: {  	_ =	shalt  }
0x41: {  	_ =	shalt  }
0x42: {  	_ =	shalt  }
0x43: {  	_ =	shalt  }
0x44: {  	_ =	shalt  }
0x45: {  	_ =	shalt  }
0x46: {  	_ =	shalt  }
0x47: {  	_ =	shalt  }
0x48: {  	_ =	shalt  }
0x49: {  	_ =	shalt  }
0x4a: {  	_ =	shalt  }
0x4b: {  	_ =	shalt  }
0x4c: {  	_ =	shalt  }
0x4d: {  	_ =	shalt  }
0x4e: {  	_ =	shalt  }
0x4f: {  	_ =	shalt  }
0x50: {  	_ =	shalt  }
0x51: {  	_ =	shalt  }
0x52: {  	_ =	shalt  }
0x53: {  	_ =	shalt  }
0x54: {  	_ =	shalt  }
0x55: {  	_ =	shalt  }
0x56: {  	_ =	shalt  }
0x57: {  	_ =	shalt  }
0x58: {  	_ =	shalt  }
0x59: {  	_ =	shalt  }
0x5a: {  	_ =	shalt  }
0x5b: {  	_ =	shalt  }
0x5c: {  	_ =	shalt  }
0x5d: {  	_ =	shalt  }
0x5e: {  	_ =	shalt  }
0x5f: {  	_ =	shalt  }
0x60: {  	_ =	shalt  }
0x61: {  	_ =	shalt  }
0x62: {  	_ =	shalt  }
0x63: {  	_ =	shalt  }
0x64: {  	_ =	shalt  }
0x65: {  	_ =	shalt  }
0x66: {  	_ =	shalt  }
0x67: {  	_ =	shalt  }
0x68: {  	_ =	shalt  }
0x69: {  	_ =	shalt  }
0x6a: {  	_ =	shalt  }
0x6b: {  	_ =	shalt  }
0x6c: {  	_ =	shalt  }
0x6d: {  	_ =	shalt  }
0x6e: {  	_ =	shalt  }
0x6f: {  	_ =	shalt  }
0x70: {  	_ =	shalt  }
0x71: {  	_ =	shalt  }
0x72: {  	_ =	shalt  }
0x73: {  	_ =	shalt  }
0x74: {  	_ =	shalt  }
0x75: {  	_ =	shalt  }
0x76: {  	_ =	shalt  }
0x77: {  	_ =	shalt  }
0x78: {  	_ =	shalt  }
0x79: {  	_ =	shalt  }
0x7a: {  	_ =	shalt  }
0x7b: {  	_ =	shalt  }
0x7c: {  	_ =	shalt  }
0x7d: {  	_ =	shalt  }
0x7e: {  	_ =	shalt  }
0x7f: {  	_ =	shalt  }
0x80: {  	_ =	shalt  }
0x81: {  	_ =	shalt  }
0x82: {  	_ =	shalt  }
0x83: {  	_ =	shalt  }
0x84: {  	_ =	shalt  }
0x85: {  	_ =	shalt  }
0x86: {  	_ =	shalt  }
0x87: {  	_ =	shalt  }
.Lfunc_end0:
.L_simem_size_0:
called_computation_lowered:
.L_overlay_start_0:
0x88: {  	s2 =	sld [smem:$0x3FD9]  }
0x89: {  	s3 =	sld [smem:$0x3FFE];
	_ =	sdelay $0x1  }
0x8a: {  	s1 =	srdreg.scid  }
0x8b: {  	s0 =	sand.u32 $0x1, s1  }
0x8c: {  	s18 =	sshll.u32 s0, $0xA;
	s2 =	sadd.s32 s3, s2  }
0x8d: {  	s2 =	sadd.s32 s2, s18  }
0x8e: {  	[smem:$0x3FC5] =	sst s2  }
0x8f: {  	_ = 	snop  }
0x90: {  	s2 =	sld [smem:$0x3FC9]  }
0x91: {  	s19 =	sld [smem:$0x3FC8]  }
0x92: {  	s4 =	sld [smem:$0x3FC7]  }
0x93: {  	s5 =	sld [smem:$0x3FD0];
	(tm) =	ssettm $0x1  }
0x94: {  	s6 =	sld [smem:$0x3FFB];
	_ =	sdelay $0x3  }
0x95: {  	_ =	strace s6  }
0x96: {  	s6 =	sld [smem:$0x3FFC];
	_ =	sdelay $0x3  }
0x97: {  	_ =	strace s6  }
0x98: {  	s6 =	sld [smem:$0x3FFD];
	_ =	sdelay $0x3  }
0x99: {  	_ =	strace s6  }
0x9a: {  	_ =	strace $0x8FFFFFFF  }
0x9b: {  	s20 =	sld [smem:$0x3FDB];
	_ =	sdelay $0x1  }
0x9c: {  	s7 =	simm.s32 $_scs_section_size  }
0x9d: {  	s8 =	simm.s32 $_size__tile_overlayer_lowered;
	s9 =	simm.s32 $_tile_overlayer_lowered  }
0x9e: {  	s23 =	simm.s32 $0x1BFF;
	s22 =	sshll.u32 s9, $0x1;
	s6 =	sadd.s32 s7, s20  }
0x9f: {  	s10 =	simm.s32 $0x0;
	s21 =	sshll.u32 s8, $0x1;
	s8 =	sadd.s32 s22, s6  }
0xa0: {  	[timem:s10], [sflag:s23] =	dma.local [hbm:s8], s21  }
0xa1: {  	_ =	swait.ge [sflag:s23], s21  }
0xa2: {  	s7 =	ssub.s32 $0x0, s21;
	[sflag:s23] =	ssyncset.done $0x0  }
0xa3: {  	[sflag:s23] =	ssyncadd.s32 s7;
	_ =	sdelay $0x1  }
0xa4: {  	s24 =	simm.s32 $0x1B8B  }
0xa5: {  	_ =	swait.ge [sflag:s24], $0x1  }
0xa6: {  	[sflag:s24] =	ssyncset.done $0x0  }
0xa7: {  	s25 =	simm.s32 $0x1B8E;
	[sflag:s24] =	ssyncadd.s32 $0xFFFFFFFF  }
0xa8: {  	s26 =	simm.s32 $execute0_lowered;
	[smem:$0x3FD2] =	sst s25  }
0xa9: {  	s7 =	sshll.u32 s26, $0x1;
	_ =	strace $0x80000046;
	[dreg:$0x1] =	wrdreg $0xFFFFFFFF  }
0xaa: {  	s28 =	simm.s32 $_size_execute0_lowered;
	s6 =	sadd.s32 s6, s7;
	[dreg:$0x0] =	wrdreg $0x0  }
0xab: {  	s7 =	sshll.u32 s28, $0x1;
	[dreg:$0x2] =	wrdreg s6  }
0xac: {  	[dreg:$0x3] =	wrdreg s7  }
0xad: {  	[dreg:$0x4] =	wrdreg $0xC0  }
0xae: {  	_ =	task [dreg:s10], $0x5FFFF  }
0xaf: {  	[dreg:$0x1] =	wrdreg $0xFFFFFFFF  }
0xb0: {  	[dreg:$0x0] =	wrdreg $0x60  }
0xb1: {  	[dreg:$0x2] =	wrdreg s2  }
0xb2: {  	[dreg:$0x3] =	wrdreg s19  }
0xb3: {  	[dreg:$0x4] =	wrdreg s4  }
0xb4: {  	[dreg:$0x5] =	wrdreg s5  }
0xb5: {  	[dreg:$0x6] =	wrdreg $0x9  }
0xb6: {  	_ =	task.clear_ibuf [dreg:s10], $0x7FFFF;
	_ =	strace $0x90000046  }
0xb7: {  	s29 =	simm.s32 $0x9;
	_ =	strace $0x80000048  }
0xb8: {  	_ =	swait.ge [sflag:s29], $0x1  }
0xb9: {  	[sflag:s29] =	ssyncadd.s32 $0xFFFFFFFF  }
0xba: {  	_ =	strace $0x90000048  }
0xbb: {  	_ =	sfence  }
0xbc: {  	s30 =	sld [smem:$0x0];
	_ =	sdelay $0x2  }
0xbd: {  	s31 =	sshll.u32 s1, $0xD;
	s1 =	sshrl.u32 s1, $0x2  }
0xbe: {  	s3 =	sand.u32 $0x4000, s31;
	s1 =	sadd.s32 s1, s30  }
0xbf: {  	s0 =	sor.u32 s3, s0;
	s1 =	sshll.u32 s1, $0x11  }
0xc0: {  	s0 =	sor.u32 s1, s0  }
0xc1: {  	s0 =	sadd.s32 $0x8F2B, s0  }
0xc2: {  	[sflag:s0] =	ssyncadd.remote.s32 $0x1  }
0xc3: {  	_ =	sfence.sel $0xFFFF  }
0xc4: {  	[dreg:$0x0] =	wrdreg $0xFFFFFFFF;
	(pc) =	sbr.abs _section_cstart, $3  }
0xc5: {  	[dreg:$0x1] =	wrdreg $0xFFFFFFFF  }
0xc6: {  	_ =	task.clear_ibuf [dreg:s10], $0x2FFFF;
	_ =	strace $0x9FFFFFFF  }
0xc7: {  	(tm) =	ssettm $0x7FFFFFFF  }
tec
execute0_lowered:
.L_overlay_start_1:
0x0: {  	(tag) =	ssettag $0x1  }
0x1: {  	s0 =	rddreg [dreg:$0x0]  }
0x2: {  	s2 =	srdreg.scid;
	s3 =	stileid.u32  }
0x3: {  	s1 =	rddreg [dreg:$0x1];
	s2 =	sand.u32 $0x1, s2;
	s3 =	sshll.u32 s3, $0x1  }
0x4: {  	s4 =	rddreg [dreg:$0x3];
	s5 =	sor.u32 s2, s3  }
0x5: {  	s31 =	simm.s32 $0x7;
	s3 =	simm.s32 $0x0;
	s6 =	smul.u32 $0xF400, s5  }
0x6: {  	s2 =	ssub.s32 $0x2, s2;
	[smem:$0x7FF] =	sst s3;
	s8 =	smul.u32 $0x1E80, s5  }
0x7: {  	s7 =	sshrl.u32 s2, $0x1;
	p0 =	sne.s32 s5, $0x0;
	s5 =	simm.s32 $0x5C00  }
0x8: {  	_ =	strace $0x80000047;
	s2 =	ssub.s32 s2, s7;
	s9 =	sadd.s32 s1, s8  }
0x9: {  	s6 =	sshrl.u32 s6, $0x3;
	s20 =	sadd.s32 s0, s8;
	[dreg:$0x5] =	wrdreg s9  }
0xa: {  	s8 =	sadd.s32 s4, s8;
	s19 =	sadd.s32 $0x3D0, s6;
	[dreg:$0x6] =	wrdreg s20  }
0xb: {  	[dreg:$0x9] =	wrdreg s8;
	s23 =	sadd.s32 $0x7A0, s6;
	s21 =	sadd.s32 s1, s19  }
0xc: {  	s26 =	sadd.s32 $0xB70, s6;
	s22 =	sadd.s32 s0, s19;
	[dreg:$0x7] =	wrdreg s21  }
0xd: {  	s11 =	sadd.s32 $0xF40, s6;
	s24 =	sadd.s32 s1, s23;
	[dreg:$0x8] =	wrdreg s22  }
0xe: {  	s15 =	sadd.s32 $0x1310, s6;
	s25 =	sadd.s32 s0, s23;
	[dreg:$0xa] =	wrdreg s24  }
0xf: {  	s20 =	sadd.s32 $0x16E0, s6;
	s7 =	sadd.s32 s4, s19;
	[dreg:$0xb] =	wrdreg s25  }
0x10: {  	s6 =	sadd.s32 $0x1AB0, s6;
	s10 =	sadd.s32 s1, s26;
	[dreg:$0xc] =	wrdreg s7  }
0x11: {  	s9 =	simm.s32 $0x2;
	s8 =	sadd.s32 s4, s23;
	[dreg:$0xd] =	wrdreg s10  }
0x12: {  	s12 =	sadd.s32 s1, s11;
	s13 =	sadd.s32 s0, s11;
	[dreg:$0xf] =	wrdreg s8  }
0x13: {  	s14 =	sadd.s32 s4, s26;
	s16 =	sadd.s32 s1, s15;
	[dreg:$0x10] =	wrdreg s12  }
0x14: {  	s17 =	sadd.s32 s4, s11;
	s18 =	sadd.s32 s0, s15;
	[dreg:$0x11] =	wrdreg s13  }
0x15: {  	s19 =	sadd.s32 s4, s15;
	s23 =	sadd.s32 s1, s20;
	[dreg:$0x12] =	wrdreg s14  }
0x16: {  	s28 =	sadd.s32 s0, s6;
	s29 =	sadd.s32 s4, s20;
	[dreg:$0x13] =	wrdreg s16  }
0x17: {  	s30 =	sadd.s32 s4, s6;
	s11 =	simm.s32 $0x9900;
	[dreg:$0x14] =	wrdreg s17  }
0x18: {  	s15 =	simm.s32 $0x9;
	s10 =	sadd.s32 s0, s26;
	[dreg:$0x15] =	wrdreg s18  }
0x19: {  	[dreg:$0x16] =	wrdreg s19;
	s22 =	sadd.s32 $0x3D000, s1;
	s24 =	sadd.s32 s1, s6  }
0x1a: {  	s25 =	sadd.s32 $0x3D000, s0;
	s26 =	sadd.s32 s0, s20;
	s21 =	sadd.s32 $0x3D000, s4  }
.Ltmp0:
0x1b: {  	s1 =	smax.u32 s2, $0x1;
	s2 =	simm.s32 $0x80;
	(pc) =	sbr.rel .LBB2_1-.Ltmp0, $4  }
0x1c: {  	s0 =	simm.s32 $0x3D80;
	s4 =	simm.s32 $0x1F00;
	s6 =	simm.s32 $0x1  }
0x1d: {  	s7 =	simm.s32 $0x3;
	s8 =	simm.s32 $0x7A80;
	s12 =	simm.s32 $0x5  }
0x1e: {  	s13 =	simm.s32 $0x6;
	s14 =	simm.s32 $0x8;
	[dreg:$0xe] =	wrdreg s10  }
0x1f: {  	s16 =	simm.s32 $0x0;
	[dreg:$0x17] =	wrdreg s21;
	s10 =	simm.s32 $0x4  }
.LBB2_20:
0x20: {  	v7 =	vld [tilespmem:s20+$0xB780];
	_ =	sdelay $0x5  }
0x21: {  	v8 =	vld [tilespmem:s20+$0xBC00]  }
0x22: {  	v9 =	vld [tilespmem:s20+$0xB790]  }
0x23: {  	v7 =	vld.idx.msk [tilespmem:v7+s3+$0x0], $0xffff;
	_ =	sdelay $0x4  }
0x24: {  	v7 =	vadd.f32 v8, v7  }
0x25: {  	v24 =	vld [tilespmem:s20+$0xBC10]  }
0x26: {  	v26 =	vld [tilespmem:s20+$0xB7A0];
	[tilespmem:s20+$0x7A80] =	vst v7  }
0x27: {  	v25 =	vld.idx.msk [tilespmem:v9+s3+$0x0], $0xffff;
	_ =	sdelay $0x2  }
0x28: {  	v27 =	vld [tilespmem:s19+$0xBC20]  }
0x29: {  	v28 =	vld [tilespmem:s19+$0xB7B0]  }
0x2a: {  	v29 =	vld [tilespmem:s20+$0xBC20];
	v7 =	vadd.f32 v24, v25  }
0x2b: {  	[tilespmem:s19+$0x7A90] =	vst v6;
	v10 =	vld [tilespmem:s20+$0xB7B0]  }
0x2c: {  	v5 =	vld.idx.msk [tilespmem:v5+s3+$0x0], $0xffff;
	[tilespmem:s20+$0x7A90] =	vst v7  }
0x2d: {  	v9 =	vld.idx.msk [tilespmem:v26+s3+$0x0], $0xffff;
	_ =	sdelay $0x2  }
0x2e: {  	v30 =	vld [tilespmem:s19+$0xBC30]  }
0x2f: {  	v33 =	vld [tilespmem:s19+$0xB7C0];
	v5 =	vadd.f32 v27, v5  }
0x30: {  	v34 =	vld [tilespmem:s20+$0xBC30];
	v31 =	vadd.f32 v29, v9  }
0x31: {  	v36 =	vld [tilespmem:s20+$0xB7C0];
	[tilespmem:s19+$0x7AA0] =	vst v5  }
0x32: {  	v32 =	vld.idx.msk [tilespmem:v28+s3+$0x0], $0xffff;
	[tilespmem:s20+$0x7AA0] =	vst v31  }
0x33: {  	v35 =	vld.idx.msk [tilespmem:v10+s3+$0x0], $0xffff  }
0x34: {  	v37 =	vld [tilespmem:s19+$0xBC40]  }
0x35: {  	v39 =	vld [tilespmem:s19+$0xB7D0]  }
0x36: {  	v40 =	vld [tilespmem:s20+$0xBC40]  }
0x37: {  	v41 =	vld [tilespmem:s20+$0xB7D0];
	v5 =	vadd.f32 v30, v32  }
0x38: {  	v42 =	vld [tilespmem:s18+$0xBC50];
	v6 =	vadd.f32 v34, v35  }
0x39: {  	v43 =	vld [tilespmem:s18+$0xB7E0];
	[tilespmem:s19+$0x7AB0] =	vst v5  }
0x3a: {  	v38 =	vld.idx.msk [tilespmem:v33+s3+$0x0], $0xffff;
	[tilespmem:s20+$0x7AB0] =	vst v6  }
0x3b: {  	v6 =	vld.idx.msk [tilespmem:v36+s3+$0x0], $0xffff  }
0x3c: {  	v44 =	vld [tilespmem:s19+$0xBC50]  }
0x3d: {  	v46 =	vld [tilespmem:s19+$0xB7E0]  }
0x3e: {  	v3 =	vadd.f32 v3, v4;
	v47 =	vld [tilespmem:s20+$0xBC50]  }
0x3f: {  	v48 =	vld [tilespmem:s20+$0xB7E0];
	v5 =	vadd.f32 v37, v38  }
0x40: {  	v49 =	vld [tilespmem:s18+$0xBC60];
	[tilespmem:s18+$0x7AC0] =	vst v3;
	v4 =	vadd.f32 v40, v6  }
0x41: {  	v2 =	vld.idx.msk [tilespmem:v2+s3+$0x0], $0xffff;
	[tilespmem:s19+$0x7AC0] =	vst v5  }
0x42: {  	v45 =	vld.idx.msk [tilespmem:v39+s3+$0x0], $0xffff;
	[tilespmem:s20+$0x7AC0] =	vst v4  }
0x43: {  	v3 =	vld.idx.msk [tilespmem:v41+s3+$0x0], $0xffff  }
0x44: {  	v51 =	vld [tilespmem:s18+$0xB7F0]  }
0x45: {  	v52 =	vld [tilespmem:s19+$0xBC60]  }
0x46: {  	v54 =	vld [tilespmem:s19+$0xB7F0];
	v2 =	vadd.f32 v42, v2  }
0x47: {  	v55 =	vld [tilespmem:s20+$0xBC60];
	v5 =	vadd.f32 v44, v45  }
0x48: {  	v56 =	vld [tilespmem:s20+$0xB7F0];
	[tilespmem:s18+$0x7AD0] =	vst v2;
	v3 =	vadd.f32 v47, v3  }
0x49: {  	v50 =	vld.idx.msk [tilespmem:v43+s3+$0x0], $0xffff;
	[tilespmem:s19+$0x7AD0] =	vst v5  }
0x4a: {  	v53 =	vld.idx.msk [tilespmem:v46+s3+$0x0], $0xffff;
	[tilespmem:s20+$0x7AD0] =	vst v3  }
0x4b: {  	v2 =	vld.idx.msk [tilespmem:v48+s3+$0x0], $0xffff;
	_ =	sdelay $0x2  }
0x4c: {  	v57 =	vld [tilespmem:s18+$0xBC70];
	v6 =	vadd.f32 v49, v50  }
0x4d: {  	v58 =	vld [tilespmem:s19+$0xBC70];
	v4 =	vadd.f32 v52, v53  }
0x4e: {  	v59 =	vld [tilespmem:s20+$0xBC70];
	[tilespmem:s18+$0x7AE0] =	vst v6;
	v2 =	vadd.f32 v55, v2  }
0x4f: {  	v6 =	vld.idx.msk [tilespmem:v51+s3+$0x0], $0xffff;
	[tilespmem:s19+$0x7AE0] =	vst v4  }
0x50: {  	v4 =	vld.idx.msk [tilespmem:v54+s3+$0x0], $0xffff;
	[tilespmem:s20+$0x7AE0] =	vst v2  }
0x51: {  	v60 =	vld.idx.msk [tilespmem:v56+s3+$0x0], $0xffff;
	_ =	sdelay $0x1  }
0x52: {  	v0 =	vadd.f32 v0, v1  }
0x53: {  	v61 =	vadd.f32 v57, v6  }
0x54: {  	[tilespmem:s17+$0x7AF0] =	vst v0;
	v62 =	vadd.f32 v58, v4  }
0x55: {  	[tilespmem:s18+$0x7AF0] =	vst v61;
	v63 =	vadd.f32 v59, v60  }
0x56: {  	[tilespmem:s19+$0x7AF0] =	vst v62  }
0x57: {  	[tilespmem:s20+$0x7AF0] =	vst v63  }
0x58: {  	s21 =	simm.s32 $0xA;
	s17 =	rddreg [dreg:$0x17]  }
0x59: {  	[hbm4b:s17+s3] =	stream.linear.scatter [tilespmem:s8], [sflag:$0xA], $0x480, $0x38;
	[tilespmem:$0xC080] =	vst v63  }
0x5a: {  	_ =	swait.ge [sflag:s21], $0x480  }
0x5b: {  	[sflag:s21] =	ssyncset.done $0x0  }
0x5c: {  	[sflag:s21] =	ssyncadd.s32 $0xFFFFFB80  }
.LBB2_21:
0x5d: {  	s16 =	sadd.s32 $0x1, s16  }
0x5e: {  	p1 =	sne.s32 s16, s1  }
.Ltmp1:
0x5f: {  	_ = 	snop;
	(pc) =	sbr.rel @!p1 .LBB2_22-.Ltmp1, $1  }
0x60: {  	_ =	sdelay $0x3  }
.LBB2_1:
0x61: {  	s17 =	rddreg [dreg:$0x2]  }
0x62: {  	[tilespmem:s3], [sflag:$0x7] =	stream.linear.gather [hbm4b:s17+s3], $0x36, $0x38;
	[tilespmem:$0xC080] =	vst v63  }
0x63: {  	s20 =	simm.s32 $0xB780  }
0x64: {  	[tilespmem:s20], [sflag:$0x8] =	stream.linear.gather [hbm4b:s22+s3], $0x480, $0x38;
	[tilespmem:$0xC080] =	vst v63  }
0x65: {  	s21 =	simm.s32 $0xBC00  }
0x66: {  	[tilespmem:s21], [sflag:$0x9] =	stream.linear.gather [hbm4b:s25+s3], $0x480, $0x38;
	[tilespmem:$0xC080] =	vst v63  }
0x67: {  	s18 =	rddreg [dreg:$0x5]  }
0x68: {  	[tilespmem:s2], [sflag:$0x1] =	stream.linear.gather [hbm4b:s18+s3], $0x1E80, $0x38;
	[tilespmem:$0xC080] =	vst v63  }
0x69: {  	s19 =	rddreg [dreg:$0x6]  }
0x6a: {  	[tilespmem:s0], [sflag:$0x3] =	stream.linear.gather [hbm4b:s19+s3], $0x1E80, $0x38;
	[tilespmem:$0xC080] =	vst v63  }
0x6b: {  	_ =	swait.ge [sflag:s31], $0x36  }
0x6c: {  	[sflag:s31] =	ssyncset.done $0x0  }
0x6d: {  	s20 =	rddreg [dreg:$0x7];
	[sflag:s31] =	ssyncadd.s32 $0xFFFFFFCA  }
0x6e: {  	[tilespmem:s4], [sflag:$0x2] =	stream.linear.gather [hbm4b:s20+s3], $0x1E80, $0x38;
	[tilespmem:$0xC080] =	vst v63  }
0x6f: {  	s21 =	rddreg [dreg:$0x8]  }
0x70: {  	[tilespmem:s5], [sflag:$0x4] =	stream.linear.gather [hbm4b:s21+s3], $0x1E80, $0x38;
	[tilespmem:$0xC080] =	vst v63  }
0x71: {  	_ =	swait.ge [sflag:s6], $0x1E80  }
0x72: {  	[sflag:s6] =	ssyncset.done $0x0  }
0x73: {  	[sflag:s6] =	ssyncadd.s32 $0xFFFFE180  }
0x74: {  	_ =	swait.ge [sflag:s7], $0x1E80  }
0x75: {  	[sflag:s7] =	ssyncset.done $0x0  }
0x76: {  	s17 =	simm.s32 $0x0;
	[sflag:s7] =	ssyncadd.s32 $0xFFFFE180  }
0x77: {  	v0 =	vld [tilespmem:s17+$0x80];
	_ =	sdelay $0x5  }
0x78: {  	v1 =	vld [tilespmem:s17+$0x3D80]  }
0x79: {  	v2 =	vld [tilespmem:s17+$0x90]  }
0x7a: {  	v0 =	vld.idx.msk [tilespmem:v0+s3+$0x0], $0xffff;
	_ =	sdelay $0x4  }
0x7b: {  	v0 =	vadd.f32 v1, v0;
	_ =	sdelay $0x1  }
0x7c: {  	[tilespmem:s17+$0x7A80] =	vst v0;
	v0 =	vld [tilespmem:s17+$0x3D90]  }
0x7d: {  	v1 =	vld.idx.msk [tilespmem:v2+s3+$0x0], $0xffff  }
0x7e: {  	v2 =	vld [tilespmem:s17+$0xA0];
	_ =	sdelay $0x2  }
0x7f: {  	s18 =	simm.s32 $0x80  }
0x80: {  	v0 =	vadd.f32 v0, v1;
	v1 =	vld [tilespmem:s18+$0x80];
	_ =	sdelay $0x1  }
0x81: {  	v3 =	vld [tilespmem:s17+$0xB0]  }
0x82: {  	[tilespmem:s17+$0x7A90] =	vst v0;
	v0 =	vld [tilespmem:s17+$0x3DA0]  }
0x83: {  	v2 =	vld.idx.msk [tilespmem:v2+s3+$0x0], $0xffff;
	_ =	sdelay $0x2  }
0x84: {  	v4 =	vld [tilespmem:s18+$0x3D80]  }
0x85: {  	v1 =	vld.idx.msk [tilespmem:v1+s3+$0x0], $0xffff  }
0x86: {  	v0 =	vadd.f32 v0, v2;
	v2 =	vld [tilespmem:s18+$0x90]  }
0x87: {  	v5 =	vld [tilespmem:s17+$0xC0]  }
0x88: {  	[tilespmem:s17+$0x7AA0] =	vst v0;
	v0 =	vld [tilespmem:s17+$0x3DB0]  }
0x89: {  	v3 =	vld.idx.msk [tilespmem:v3+s3+$0x0], $0xffff;
	_ =	sdelay $0x1  }
0x8a: {  	v1 =	vadd.f32 v4, v1;
	_ =	sdelay $0x1  }
0x8b: {  	[tilespmem:s18+$0x7A80] =	vst v1;
	v1 =	vld [tilespmem:s18+$0x3D90]  }
0x8c: {  	v0 =	vadd.f32 v0, v3;
	v2 =	vld.idx.msk [tilespmem:v2+s3+$0x0], $0xffff  }
0x8d: {  	v3 =	vld [tilespmem:s18+$0xA0]  }
0x8e: {  	[tilespmem:s17+$0x7AB0] =	vst v0;
	v0 =	vld [tilespmem:s17+$0x3DC0]  }
0x8f: {  	v4 =	vld.idx.msk [tilespmem:v5+s3+$0x0], $0xffff  }
0x90: {  	v5 =	vld [tilespmem:s17+$0xD0];
	_ =	sdelay $0x1  }
0x91: {  	s19 =	simm.s32 $0x100;
	v6 =	vld [tilespmem:s17+$0xE0];
	v1 =	vadd.f32 v1, v2  }
0x92: {  	v2 =	vld [tilespmem:s19+$0x80]  }
0x93: {  	[tilespmem:s18+$0x7A90] =	vst v1;
	v1 =	vld [tilespmem:s18+$0x3DA0]  }
0x94: {  	v0 =	vadd.f32 v0, v4;
	v3 =	vld.idx.msk [tilespmem:v3+s3+$0x0], $0xffff  }
0x95: {  	v4 =	vld [tilespmem:s18+$0xB0]  }
0x96: {  	[tilespmem:s17+$0x7AC0] =	vst v0;
	v0 =	vld [tilespmem:s17+$0x3DD0]  }
0x97: {  	v5 =	vld.idx.msk [tilespmem:v5+s3+$0x0], $0xffff  }
0x98: {  	v7 =	vld [tilespmem:s19+$0x3D80]  }
0x99: {  	v8 =	vld [tilespmem:s18+$0xC0]  }
0x9a: {  	v1 =	vadd.f32 v1, v3;
	v2 =	vld.idx.msk [tilespmem:v2+s3+$0x0], $0xffff  }
0x9b: {  	v3 =	vld [tilespmem:s19+$0x90]  }
0x9c: {  	[tilespmem:s18+$0x7AA0] =	vst v1;
	v1 =	vld [tilespmem:s18+$0x3DB0];
	v0 =	vadd.f32 v0, v5  }
0x9d: {  	v4 =	vld.idx.msk [tilespmem:v4+s3+$0x0], $0xffff  }
0x9e: {  	[tilespmem:s17+$0x7AD0] =	vst v0;
	v0 =	vld [tilespmem:s17+$0x3DE0]  }
0x9f: {  	v2 =	vadd.f32 v7, v2;
	v7 =	vld [tilespmem:s17+$0xF0]  }
0xa0: {  	v6 =	vld.idx.msk [tilespmem:v6+s3+$0x0], $0xffff  }
0xa1: {  	v9 =	vld [tilespmem:s19+$0x3D90]  }
0xa2: {  	v5 =	vld [tilespmem:s19+$0xA0];
	[tilespmem:s19+$0x7A80] =	vst v2  }
0xa3: {  	v1 =	vadd.f32 v1, v4;
	v10 =	vld.idx.msk [tilespmem:v3+s3+$0x0], $0xffff  }
0xa4: {  	v2 =	vld [tilespmem:s18+$0xD0]  }
0xa5: {  	v3 =	vld [tilespmem:s18+$0x3DC0];
	[tilespmem:s18+$0x7AB0] =	vst v1;
	v0 =	vadd.f32 v0, v6  }
0xa6: {  	v4 =	vld.idx.msk [tilespmem:v8+s3+$0x0], $0xffff  }
0xa7: {  	[tilespmem:s17+$0x7AE0] =	vst v0;
	v0 =	vld [tilespmem:s17+$0x3DF0]  }
0xa8: {  	s20 =	simm.s32 $0x180;
	s21 =	simm.s32 $0x800;
	v6 =	vadd.f32 v9, v10;
	v1 =	vld.idx.msk [tilespmem:v7+s3+$0x0], $0xffff  }
.LBB2_2:
0xa9: {  	p1 =	sne.s32 s21, $0x7800;
	v7 =	vld [tilespmem:s20+$0x80]  }
0xaa: {  	[tilespmem:s19+$0x7A90] =	vst v6;
	v6 =	vld [tilespmem:s19+$0x3DA0]  }
0xab: {  	v3 =	vadd.f32 v3, v4;
	v5 =	vld.idx.msk [tilespmem:v5+s3+$0x0], $0xffff  }
0xac: {  	v4 =	vld [tilespmem:s19+$0xB0]  }
0xad: {  	[tilespmem:s18+$0x7AC0] =	vst v3;
	v3 =	vld [tilespmem:s18+$0x3DD0]  }
0xae: {  	v0 =	vadd.f32 v0, v1;
	v2 =	vld.idx.msk [tilespmem:v2+s3+$0x0], $0xffff  }
0xaf: {  	v1 =	vld [tilespmem:s18+$0xE0]  }
0xb0: {  	v8 =	vld [tilespmem:s20+$0x3D80];
	[tilespmem:s17+$0x7AF0] =	vst v0;
	s17 =	smov.u32 s18;
	s18 =	smov.u32 s19;
	s19 =	smov.u32 s20  }
0xb1: {  	v5 =	vadd.f32 v6, v5;
	v0 =	vld.idx.msk [tilespmem:v7+s3+$0x0], $0xffff  }
0xb2: {  	v6 =	vld [tilespmem:s19+$0x90]  }
0xb3: {  	[tilespmem:s18+$0x7AA0] =	vst v5;
	v5 =	vld [tilespmem:s18+$0x3DB0]  }
0xb4: {  	v2 =	vadd.f32 v3, v2;
	v4 =	vld.idx.msk [tilespmem:v4+s3+$0x0], $0xffff  }
0xb5: {  	v7 =	vld [tilespmem:s18+$0xC0]  }
0xb6: {  	[tilespmem:s17+$0x7AD0] =	vst v2;
	v2 =	vld [tilespmem:s17+$0x3DE0]  }
0xb7: {  	v0 =	vadd.f32 v8, v0;
	v1 =	vld.idx.msk [tilespmem:v1+s3+$0x0], $0xffff  }
0xb8: {  	v8 =	vld [tilespmem:s17+$0xF0]  }
0xb9: {  	[tilespmem:s19+$0x7A80] =	vst v0;
	v9 =	vld [tilespmem:s19+$0x3D90]  }
0xba: {  	v0 =	vadd.f32 v5, v4;
	v6 =	vld.idx.msk [tilespmem:v6+s3+$0x0], $0xffff  }
0xbb: {  	v5 =	vld [tilespmem:s19+$0xA0]  }
.Ltmp2:
0xbc: {  	[tilespmem:s18+$0x7AB0] =	vst v0;
	v3 =	vld [tilespmem:s18+$0x3DC0];
	(pc) =	sbr.rel @p1 .LBB2_2-.Ltmp2, $4  }
0xbd: {  	v0 =	vadd.f32 v2, v1;
	v4 =	vld.idx.msk [tilespmem:v7+s3+$0x0], $0xffff  }
0xbe: {  	v2 =	vld [tilespmem:s18+$0xD0]  }
0xbf: {  	[tilespmem:s17+$0x7AE0] =	vst v0;
	v0 =	vld [tilespmem:s17+$0x3DF0]  }
0xc0: {  	s20 =	sshra.s32 s21, $0x2;
	s21 =	sadd.s32 $0x200, s21;
	v6 =	vadd.f32 v9, v6;
	v1 =	vld.idx.msk [tilespmem:v8+s3+$0x0], $0xffff  }
0xc1: {  	v7 =	vld [tilespmem:s20+$0x80];
	_ =	sdelay $0x5  }
0xc2: {  	v8 =	vld [tilespmem:s20+$0x3D80]  }
0xc3: {  	v9 =	vld [tilespmem:s20+$0x90]  }
0xc4: {  	v7 =	vld.idx.msk [tilespmem:v7+s3+$0x0], $0xffff;
	_ =	sdelay $0x4  }
0xc5: {  	v7 =	vadd.f32 v8, v7  }
0xc6: {  	v56 =	vld [tilespmem:s20+$0xA0]  }
0xc7: {  	[tilespmem:s20+$0x7A80] =	vst v7;
	v7 =	vld [tilespmem:s20+$0x3D90]  }
0xc8: {  	v8 =	vld.idx.msk [tilespmem:v9+s3+$0x0], $0xffff;
	_ =	sdelay $0x2  }
0xc9: {  	[tilespmem:s19+$0x7A90] =	vst v6;
	v6 =	vld [tilespmem:s19+$0x3DA0]  }
0xca: {  	v5 =	vld.idx.msk [tilespmem:v5+s3+$0x0], $0xffff  }
0xcb: {  	v7 =	vadd.f32 v7, v8;
	v8 =	vld [tilespmem:s19+$0xB0];
	_ =	sdelay $0x1  }
0xcc: {  	[tilespmem:s20+$0x7A90] =	vst v7;
	v7 =	vld [tilespmem:s20+$0x3DA0]  }
0xcd: {  	v9 =	vld.idx.msk [tilespmem:v56+s3+$0x0], $0xffff;
	_ =	sdelay $0x1  }
0xce: {  	v10 =	vld [tilespmem:s20+$0xB0];
	v5 =	vadd.f32 v6, v5;
	_ =	sdelay $0x1  }
0xcf: {  	[tilespmem:s19+$0x7AA0] =	vst v5;
	v5 =	vld [tilespmem:s19+$0x3DB0]  }
0xd0: {  	v6 =	vadd.f32 v7, v9;
	v7 =	vld.idx.msk [tilespmem:v8+s3+$0x0], $0xffff  }
0xd1: {  	v8 =	vld [tilespmem:s19+$0xC0];
	_ =	sdelay $0x1  }
0xd2: {  	v58 =	vld [tilespmem:s20+$0xC0]  }
0xd3: {  	[tilespmem:s20+$0x7AA0] =	vst v6;
	v6 =	vld [tilespmem:s20+$0x3DB0]  }
0xd4: {  	v57 =	vld.idx.msk [tilespmem:v10+s3+$0x0], $0xffff  }
0xd5: {  	v5 =	vadd.f32 v5, v7  }
0xd6: {  	v59 =	vld [tilespmem:s18+$0x3DD0]  }
0xd7: {  	[tilespmem:s19+$0x7AB0] =	vst v5;
	v5 =	vld [tilespmem:s19+$0x3DC0]  }
0xd8: {  	v3 =	vadd.f32 v3, v4;
	v7 =	vld.idx.msk [tilespmem:v8+s3+$0x0], $0xffff  }
0xd9: {  	v6 =	vadd.f32 v6, v57;
	v8 =	vld [tilespmem:s19+$0xD0]  }
0xda: {  	v4 =	vld [tilespmem:s20+$0x3DC0];
	[tilespmem:s18+$0x7AC0] =	vst v3  }
0xdb: {  	v2 =	vld.idx.msk [tilespmem:v2+s3+$0x0], $0xffff;
	[tilespmem:s20+$0x7AB0] =	vst v6  }
0xdc: {  	v6 =	vld.idx.msk [tilespmem:v58+s3+$0x0], $0xffff  }
0xdd: {  	v3 =	vld [tilespmem:s20+$0xD0]  }
0xde: {  	v60 =	vld [tilespmem:s18+$0x3DE0];
	v5 =	vadd.f32 v5, v7  }
0xdf: {  	v7 =	vld [tilespmem:s18+$0xE0]  }
0xe0: {  	[tilespmem:s19+$0x7AC0] =	vst v5;
	v5 =	vld [tilespmem:s19+$0x3DD0]  }
0xe1: {  	v2 =	vadd.f32 v59, v2;
	v4 =	vadd.f32 v4, v6;
	v6 =	vld.idx.msk [tilespmem:v8+s3+$0x0], $0xffff  }
0xe2: {  	v8 =	vld [tilespmem:s19+$0xE0]  }
0xe3: {  	[tilespmem:s18+$0x7AD0] =	vst v2;
	v2 =	vld [tilespmem:s20+$0xE0]  }
0xe4: {  	[tilespmem:s20+$0x7AC0] =	vst v4;
	v4 =	vld [tilespmem:s20+$0x3DD0]  }
0xe5: {  	v3 =	vld.idx.msk [tilespmem:v3+s3+$0x0], $0xffff  }
0xe6: {  	v61 =	vld [tilespmem:s20+$0xF0]  }
0xe7: {  	v5 =	vadd.f32 v5, v6;
	v6 =	vld.idx.msk [tilespmem:v7+s3+$0x0], $0xffff  }
0xe8: {  	v7 =	vld [tilespmem:s18+$0xF0]  }
0xe9: {  	[tilespmem:s19+$0x7AD0] =	vst v5;
	v5 =	vld [tilespmem:s19+$0x3DE0]  }
0xea: {  	v3 =	vadd.f32 v4, v3;
	v4 =	vld.idx.msk [tilespmem:v8+s3+$0x0], $0xffff  }
0xeb: {  	v8 =	vld [tilespmem:s19+$0xF0]  }
0xec: {  	[tilespmem:s20+$0x7AD0] =	vst v3;
	v3 =	vld [tilespmem:s20+$0x3DE0]  }
0xed: {  	v2 =	vld.idx.msk [tilespmem:v2+s3+$0x0], $0xffff  }
0xee: {  	v6 =	vadd.f32 v60, v6;
	_ =	sdelay $0x1  }
0xef: {  	[tilespmem:s18+$0x7AE0] =	vst v6;
	v4 =	vadd.f32 v5, v4;
	v5 =	vld [tilespmem:s18+$0x3DF0]  }
0xf0: {  	v6 =	vld.idx.msk [tilespmem:v7+s3+$0x0], $0xffff  }
0xf1: {  	[tilespmem:s19+$0x7AE0] =	vst v4;
	v2 =	vadd.f32 v3, v2;
	v3 =	vld [tilespmem:s19+$0x3DF0]  }
0xf2: {  	v4 =	vld.idx.msk [tilespmem:v8+s3+$0x0], $0xffff  }
0xf3: {  	[tilespmem:s20+$0x7AE0] =	vst v2;
	v2 =	vld [tilespmem:s20+$0x3DF0]  }
0xf4: {  	v7 =	vld.idx.msk [tilespmem:v61+s3+$0x0], $0xffff;
	_ =	sdelay $0x1  }
0xf5: {  	v0 =	vadd.f32 v0, v1  }
0xf6: {  	v1 =	vadd.f32 v5, v6  }
0xf7: {  	[tilespmem:s17+$0x7AF0] =	vst v0;
	v0 =	vadd.f32 v3, v4  }
0xf8: {  	[tilespmem:s18+$0x7AF0] =	vst v1;
	v1 =	vadd.f32 v2, v7  }
0xf9: {  	[tilespmem:s19+$0x7AF0] =	vst v0  }
0xfa: {  	[tilespmem:s20+$0x7AF0] =	vst v1  }
0xfb: {  	s19 =	simm.s32 $0x0;
	s18 =	rddreg [dreg:$0x9]  }
0xfc: {  	[hbm4b:s18+s19] =	stream.linear.scatter [tilespmem:s8], [sflag:$0x5], $0x1E80, $0x38;
	[tilespmem:$0xC080] =	vst v63  }
0xfd: {  	s20 =	rddreg [dreg:$0xa]  }
0xfe: {  	[tilespmem:s2], [sflag:$0x1] =	stream.linear.gather [hbm4b:s20+s19], $0x1E80, $0x38;
	[tilespmem:$0xC080] =	vst v63  }
0xff: {  	s21 =	rddreg [dreg:$0xb]  }
0x100: {  	[tilespmem:s0], [sflag:$0x3] =	stream.linear.gather [hbm4b:s21+s19], $0x1E80, $0x38;
	[tilespmem:$0xC080] =	vst v63  }
0x101: {  	_ =	swait.ge [sflag:s9], $0x1E80  }
0x102: {  	[sflag:s9] =	ssyncset.done $0x0  }
0x103: {  	[sflag:s9] =	ssyncadd.s32 $0xFFFFE180  }
0x104: {  	_ =	swait.ge [sflag:s10], $0x1E80  }
0x105: {  	[sflag:s10] =	ssyncset.done $0x0  }
0x106: {  	s17 =	simm.s32 $0x0;
	[sflag:s10] =	ssyncadd.s32 $0xFFFFE180  }
0x107: {  	v0 =	vld [tilespmem:s17+$0x1F00];
	_ =	sdelay $0x5  }
0x108: {  	v1 =	vld [tilespmem:s17+$0x5C00]  }
0x109: {  	v2 =	vld [tilespmem:s17+$0x1F10]  }
0x10a: {  	v0 =	vld.idx.msk [tilespmem:v0+s3+$0x0], $0xffff;
	_ =	sdelay $0x4  }
0x10b: {  	v0 =	vadd.f32 v1, v0;
	_ =	sdelay $0x1  }
0x10c: {  	[tilespmem:s17+$0x9900] =	vst v0;
	v0 =	vld [tilespmem:s17+$0x5C10]  }
0x10d: {  	v1 =	vld.idx.msk [tilespmem:v2+s3+$0x0], $0xffff  }
0x10e: {  	v2 =	vld [tilespmem:s17+$0x1F20];
	_ =	sdelay $0x2  }
0x10f: {  	s18 =	simm.s32 $0x80  }
0x110: {  	v0 =	vadd.f32 v0, v1;
	v1 =	vld [tilespmem:s18+$0x1F00];
	_ =	sdelay $0x1  }
0x111: {  	v3 =	vld [tilespmem:s17+$0x1F30]  }
0x112: {  	[tilespmem:s17+$0x9910] =	vst v0;
	v0 =	vld [tilespmem:s17+$0x5C20]  }
0x113: {  	v2 =	vld.idx.msk [tilespmem:v2+s3+$0x0], $0xffff;
	_ =	sdelay $0x2  }
0x114: {  	v4 =	vld [tilespmem:s18+$0x5C00]  }
0x115: {  	v1 =	vld.idx.msk [tilespmem:v1+s3+$0x0], $0xffff  }
0x116: {  	v0 =	vadd.f32 v0, v2;
	v2 =	vld [tilespmem:s18+$0x1F10]  }
0x117: {  	v5 =	vld [tilespmem:s17+$0x1F40]  }
0x118: {  	[tilespmem:s17+$0x9920] =	vst v0;
	v0 =	vld [tilespmem:s17+$0x5C30]  }
0x119: {  	v3 =	vld.idx.msk [tilespmem:v3+s3+$0x0], $0xffff;
	_ =	sdelay $0x1  }
0x11a: {  	v1 =	vadd.f32 v4, v1;
	_ =	sdelay $0x1  }
0x11b: {  	[tilespmem:s18+$0x9900] =	vst v1;
	v1 =	vld [tilespmem:s18+$0x5C10]  }
0x11c: {  	v0 =	vadd.f32 v0, v3;
	v2 =	vld.idx.msk [tilespmem:v2+s3+$0x0], $0xffff  }
0x11d: {  	v3 =	vld [tilespmem:s18+$0x1F20]  }
0x11e: {  	[tilespmem:s17+$0x9930] =	vst v0;
	v0 =	vld [tilespmem:s17+$0x5C40]  }
0x11f: {  	v4 =	vld.idx.msk [tilespmem:v5+s3+$0x0], $0xffff  }
0x120: {  	v5 =	vld [tilespmem:s17+$0x1F50];
	_ =	sdelay $0x1  }
0x121: {  	s19 =	simm.s32 $0x100;
	v6 =	vld [tilespmem:s17+$0x1F60];
	v1 =	vadd.f32 v1, v2  }
0x122: {  	v2 =	vld [tilespmem:s19+$0x1F00]  }
0x123: {  	[tilespmem:s18+$0x9910] =	vst v1;
	v1 =	vld [tilespmem:s18+$0x5C20]  }
0x124: {  	v0 =	vadd.f32 v0, v4;
	v3 =	vld.idx.msk [tilespmem:v3+s3+$0x0], $0xffff  }
0x125: {  	v4 =	vld [tilespmem:s18+$0x1F30]  }
0x126: {  	[tilespmem:s17+$0x9940] =	vst v0;
	v0 =	vld [tilespmem:s17+$0x5C50]  }
0x127: {  	v5 =	vld.idx.msk [tilespmem:v5+s3+$0x0], $0xffff  }
0x128: {  	v7 =	vld [tilespmem:s19+$0x5C00]  }
0x129: {  	v8 =	vld [tilespmem:s18+$0x1F40]  }
0x12a: {  	v1 =	vadd.f32 v1, v3;
	v2 =	vld.idx.msk [tilespmem:v2+s3+$0x0], $0xffff  }
0x12b: {  	v3 =	vld [tilespmem:s19+$0x1F10]  }
0x12c: {  	[tilespmem:s18+$0x9920] =	vst v1;
	v1 =	vld [tilespmem:s18+$0x5C30];
	v0 =	vadd.f32 v0, v5  }
0x12d: {  	v4 =	vld.idx.msk [tilespmem:v4+s3+$0x0], $0xffff  }
0x12e: {  	[tilespmem:s17+$0x9950] =	vst v0;
	v0 =	vld [tilespmem:s17+$0x5C60]  }
0x12f: {  	v2 =	vadd.f32 v7, v2;
	v7 =	vld [tilespmem:s17+$0x1F70]  }
0x130: {  	v6 =	vld.idx.msk [tilespmem:v6+s3+$0x0], $0xffff  }
0x131: {  	v62 =	vld [tilespmem:s19+$0x5C10]  }
0x132: {  	v5 =	vld [tilespmem:s19+$0x1F20];
	[tilespmem:s19+$0x9900] =	vst v2  }
0x133: {  	v1 =	vadd.f32 v1, v4;
	v63 =	vld.idx.msk [tilespmem:v3+s3+$0x0], $0xffff  }
0x134: {  	v2 =	vld [tilespmem:s18+$0x1F50]  }
0x135: {  	v3 =	vld [tilespmem:s18+$0x5C40];
	[tilespmem:s18+$0x9930] =	vst v1;
	v0 =	vadd.f32 v0, v6  }
0x136: {  	v4 =	vld.idx.msk [tilespmem:v8+s3+$0x0], $0xffff  }
0x137: {  	[tilespmem:s17+$0x9960] =	vst v0;
	v0 =	vld [tilespmem:s17+$0x5C70]  }
0x138: {  	s20 =	simm.s32 $0x180;
	s21 =	simm.s32 $0x800;
	v6 =	vadd.f32 v62, v63;
	v1 =	vld.idx.msk [tilespmem:v7+s3+$0x0], $0xffff  }
.LBB2_4:
0x139: {  	p1 =	sne.s32 s21, $0x7800;
	v7 =	vld [tilespmem:s20+$0x1F00]  }
0x13a: {  	[tilespmem:s19+$0x9910] =	vst v6;
	v6 =	vld [tilespmem:s19+$0x5C20]  }
0x13b: {  	v3 =	vadd.f32 v3, v4;
	v5 =	vld.idx.msk [tilespmem:v5+s3+$0x0], $0xffff  }
0x13c: {  	v4 =	vld [tilespmem:s19+$0x1F30]  }
0x13d: {  	[tilespmem:s18+$0x9940] =	vst v3;
	v3 =	vld [tilespmem:s18+$0x5C50]  }
0x13e: {  	v0 =	vadd.f32 v0, v1;
	v2 =	vld.idx.msk [tilespmem:v2+s3+$0x0], $0xffff  }
0x13f: {  	v1 =	vld [tilespmem:s18+$0x1F60]  }
0x140: {  	v8 =	vld [tilespmem:s20+$0x5C00];
	[tilespmem:s17+$0x9970] =	vst v0;
	s17 =	smov.u32 s18;
	s18 =	smov.u32 s19;
	s19 =	smov.u32 s20  }
0x141: {  	v5 =	vadd.f32 v6, v5;
	v0 =	vld.idx.msk [tilespmem:v7+s3+$0x0], $0xffff  }
0x142: {  	v6 =	vld [tilespmem:s19+$0x1F10]  }
0x143: {  	[tilespmem:s18+$0x9920] =	vst v5;
	v5 =	vld [tilespmem:s18+$0x5C30]  }
0x144: {  	v2 =	vadd.f32 v3, v2;
	v4 =	vld.idx.msk [tilespmem:v4+s3+$0x0], $0xffff  }
0x145: {  	v7 =	vld [tilespmem:s18+$0x1F40]  }
0x146: {  	[tilespmem:s17+$0x9950] =	vst v2;
	v2 =	vld [tilespmem:s17+$0x5C60]  }
0x147: {  	v0 =	vadd.f32 v8, v0;
	v1 =	vld.idx.msk [tilespmem:v1+s3+$0x0], $0xffff  }
0x148: {  	v8 =	vld [tilespmem:s17+$0x1F70]  }
0x149: {  	[tilespmem:s19+$0x9900] =	vst v0;
	v9 =	vld [tilespmem:s19+$0x5C10]  }
0x14a: {  	v0 =	vadd.f32 v5, v4;
	v6 =	vld.idx.msk [tilespmem:v6+s3+$0x0], $0xffff  }
0x14b: {  	v5 =	vld [tilespmem:s19+$0x1F20]  }
.Ltmp3:
0x14c: {  	[tilespmem:s18+$0x9930] =	vst v0;
	v3 =	vld [tilespmem:s18+$0x5C40];
	(pc) =	sbr.rel @p1 .LBB2_4-.Ltmp3, $4  }
0x14d: {  	v0 =	vadd.f32 v2, v1;
	v4 =	vld.idx.msk [tilespmem:v7+s3+$0x0], $0xffff  }
0x14e: {  	v2 =	vld [tilespmem:s18+$0x1F50]  }
0x14f: {  	[tilespmem:s17+$0x9960] =	vst v0;
	v0 =	vld [tilespmem:s17+$0x5C70]  }
0x150: {  	s20 =	sshra.s32 s21, $0x2;
	s21 =	sadd.s32 $0x200, s21;
	v6 =	vadd.f32 v9, v6;
	v1 =	vld.idx.msk [tilespmem:v8+s3+$0x0], $0xffff  }
0x151: {  	v7 =	vld [tilespmem:s20+$0x1F00];
	_ =	sdelay $0x5  }
0x152: {  	v8 =	vld [tilespmem:s20+$0x5C00]  }
0x153: {  	v9 =	vld [tilespmem:s20+$0x1F10]  }
0x154: {  	v7 =	vld.idx.msk [tilespmem:v7+s3+$0x0], $0xffff;
	_ =	sdelay $0x4  }
0x155: {  	v7 =	vadd.f32 v8, v7  }
0x156: {  	v56 =	vld [tilespmem:s20+$0x1F20]  }
0x157: {  	[tilespmem:s20+$0x9900] =	vst v7;
	v7 =	vld [tilespmem:s20+$0x5C10]  }
0x158: {  	v8 =	vld.idx.msk [tilespmem:v9+s3+$0x0], $0xffff;
	_ =	sdelay $0x2  }
0x159: {  	[tilespmem:s19+$0x9910] =	vst v6;
	v6 =	vld [tilespmem:s19+$0x5C20]  }
0x15a: {  	v5 =	vld.idx.msk [tilespmem:v5+s3+$0x0], $0xffff  }
0x15b: {  	v7 =	vadd.f32 v7, v8;
	v8 =	vld [tilespmem:s19+$0x1F30];
	_ =	sdelay $0x1  }
0x15c: {  	[tilespmem:s20+$0x9910] =	vst v7;
	v7 =	vld [tilespmem:s20+$0x5C20]  }
0x15d: {  	v9 =	vld.idx.msk [tilespmem:v56+s3+$0x0], $0xffff;
	_ =	sdelay $0x1  }
0x15e: {  	v10 =	vld [tilespmem:s20+$0x1F30];
	v5 =	vadd.f32 v6, v5;
	_ =	sdelay $0x1  }
0x15f: {  	[tilespmem:s19+$0x9920] =	vst v5;
	v5 =	vld [tilespmem:s19+$0x5C30]  }
0x160: {  	v6 =	vadd.f32 v7, v9;
	v7 =	vld.idx.msk [tilespmem:v8+s3+$0x0], $0xffff  }
0x161: {  	v8 =	vld [tilespmem:s19+$0x1F40];
	_ =	sdelay $0x1  }
0x162: {  	v58 =	vld [tilespmem:s20+$0x1F40]  }
0x163: {  	[tilespmem:s20+$0x9920] =	vst v6;
	v6 =	vld [tilespmem:s20+$0x5C30]  }
0x164: {  	v57 =	vld.idx.msk [tilespmem:v10+s3+$0x0], $0xffff  }
0x165: {  	v5 =	vadd.f32 v5, v7  }
0x166: {  	v59 =	vld [tilespmem:s18+$0x5C50]  }
0x167: {  	[tilespmem:s19+$0x9930] =	vst v5;
	v5 =	vld [tilespmem:s19+$0x5C40]  }
0x168: {  	v3 =	vadd.f32 v3, v4;
	v7 =	vld.idx.msk [tilespmem:v8+s3+$0x0], $0xffff  }
0x169: {  	v6 =	vadd.f32 v6, v57;
	v8 =	vld [tilespmem:s19+$0x1F50]  }
0x16a: {  	v4 =	vld [tilespmem:s20+$0x5C40];
	[tilespmem:s18+$0x9940] =	vst v3  }
0x16b: {  	v2 =	vld.idx.msk [tilespmem:v2+s3+$0x0], $0xffff;
	[tilespmem:s20+$0x9930] =	vst v6  }
0x16c: {  	v6 =	vld.idx.msk [tilespmem:v58+s3+$0x0], $0xffff  }
0x16d: {  	v3 =	vld [tilespmem:s20+$0x1F50]  }
0x16e: {  	v60 =	vld [tilespmem:s18+$0x5C60];
	v5 =	vadd.f32 v5, v7  }
0x16f: {  	v7 =	vld [tilespmem:s18+$0x1F60]  }
0x170: {  	[tilespmem:s19+$0x9940] =	vst v5;
	v5 =	vld [tilespmem:s19+$0x5C50]  }
0x171: {  	v2 =	vadd.f32 v59, v2;
	v4 =	vadd.f32 v4, v6;
	v6 =	vld.idx.msk [tilespmem:v8+s3+$0x0], $0xffff  }
0x172: {  	v8 =	vld [tilespmem:s19+$0x1F60]  }
0x173: {  	[tilespmem:s18+$0x9950] =	vst v2;
	v2 =	vld [tilespmem:s20+$0x1F60]  }
0x174: {  	[tilespmem:s20+$0x9940] =	vst v4;
	v4 =	vld [tilespmem:s20+$0x5C50]  }
0x175: {  	v3 =	vld.idx.msk [tilespmem:v3+s3+$0x0], $0xffff  }
0x176: {  	v61 =	vld [tilespmem:s20+$0x1F70]  }
0x177: {  	v5 =	vadd.f32 v5, v6;
	v6 =	vld.idx.msk [tilespmem:v7+s3+$0x0], $0xffff  }
0x178: {  	v7 =	vld [tilespmem:s18+$0x1F70]  }
0x179: {  	[tilespmem:s19+$0x9950] =	vst v5;
	v5 =	vld [tilespmem:s19+$0x5C60]  }
0x17a: {  	v3 =	vadd.f32 v4, v3;
	v4 =	vld.idx.msk [tilespmem:v8+s3+$0x0], $0xffff  }
0x17b: {  	v8 =	vld [tilespmem:s19+$0x1F70]  }
0x17c: {  	[tilespmem:s20+$0x9950] =	vst v3;
	v3 =	vld [tilespmem:s20+$0x5C60]  }
0x17d: {  	v2 =	vld.idx.msk [tilespmem:v2+s3+$0x0], $0xffff  }
0x17e: {  	v6 =	vadd.f32 v60, v6;
	_ =	sdelay $0x1  }
0x17f: {  	[tilespmem:s18+$0x9960] =	vst v6;
	v4 =	vadd.f32 v5, v4;
	v5 =	vld [tilespmem:s18+$0x5C70]  }
0x180: {  	v6 =	vld.idx.msk [tilespmem:v7+s3+$0x0], $0xffff  }
0x181: {  	[tilespmem:s19+$0x9960] =	vst v4;
	v2 =	vadd.f32 v3, v2;
	v3 =	vld [tilespmem:s19+$0x5C70]  }
0x182: {  	v4 =	vld.idx.msk [tilespmem:v8+s3+$0x0], $0xffff  }
0x183: {  	[tilespmem:s20+$0x9960] =	vst v2;
	v2 =	vld [tilespmem:s20+$0x5C70]  }
0x184: {  	v7 =	vld.idx.msk [tilespmem:v61+s3+$0x0], $0xffff;
	_ =	sdelay $0x1  }
0x185: {  	v0 =	vadd.f32 v0, v1  }
0x186: {  	v1 =	vadd.f32 v5, v6  }
0x187: {  	[tilespmem:s17+$0x9970] =	vst v0;
	v0 =	vadd.f32 v3, v4  }
0x188: {  	[tilespmem:s18+$0x9970] =	vst v1;
	v1 =	vadd.f32 v2, v7  }
0x189: {  	[tilespmem:s19+$0x9970] =	vst v0  }
0x18a: {  	[tilespmem:s20+$0x9970] =	vst v1  }
0x18b: {  	s19 =	simm.s32 $0x0;
	s18 =	rddreg [dreg:$0xc]  }
0x18c: {  	[hbm4b:s18+s19] =	stream.linear.scatter [tilespmem:s11], [sflag:$0x6], $0x1E80, $0x38;
	[tilespmem:$0xC080] =	vst v63  }
0x18d: {  	s20 =	rddreg [dreg:$0xd]  }
0x18e: {  	[tilespmem:s4], [sflag:$0x2] =	stream.linear.gather [hbm4b:s20+s19], $0x1E80, $0x38;
	[tilespmem:$0xC080] =	vst v63  }
0x18f: {  	s21 =	rddreg [dreg:$0xe]  }
0x190: {  	[tilespmem:s5], [sflag:$0x4] =	stream.linear.gather [hbm4b:s21+s19], $0x1E80, $0x38;
	[tilespmem:$0xC080] =	vst v63  }
0x191: {  	_ =	swait.ge [sflag:s6], $0x1E80  }
0x192: {  	[sflag:s6] =	ssyncset.done $0x0  }
0x193: {  	[sflag:s6] =	ssyncadd.s32 $0xFFFFE180  }
0x194: {  	_ =	swait.ge [sflag:s7], $0x1E80  }
0x195: {  	[sflag:s7] =	ssyncset.done $0x0  }
0x196: {  	[sflag:s7] =	ssyncadd.s32 $0xFFFFE180  }
0x197: {  	_ =	swait.ge [sflag:s12], $0x1E80  }
0x198: {  	[sflag:s12] =	ssyncset.done $0x0  }
0x199: {  	s17 =	simm.s32 $0x0;
	[sflag:s12] =	ssyncadd.s32 $0xFFFFE180  }
0x19a: {  	v0 =	vld [tilespmem:s17+$0x80];
	_ =	sdelay $0x5  }
0x19b: {  	v1 =	vld [tilespmem:s17+$0x3D80]  }
0x19c: {  	v2 =	vld [tilespmem:s17+$0x90]  }
0x19d: {  	v0 =	vld.idx.msk [tilespmem:v0+s3+$0x0], $0xffff;
	_ =	sdelay $0x4  }
0x19e: {  	v0 =	vadd.f32 v1, v0;
	_ =	sdelay $0x1  }
0x19f: {  	[tilespmem:s17+$0x7A80] =	vst v0;
	v0 =	vld [tilespmem:s17+$0x3D90]  }
0x1a0: {  	v1 =	vld.idx.msk [tilespmem:v2+s3+$0x0], $0xffff  }
0x1a1: {  	v2 =	vld [tilespmem:s17+$0xA0];
	_ =	sdelay $0x2  }
0x1a2: {  	s18 =	simm.s32 $0x80  }
0x1a3: {  	v0 =	vadd.f32 v0, v1;
	v1 =	vld [tilespmem:s18+$0x80];
	_ =	sdelay $0x1  }
0x1a4: {  	v3 =	vld [tilespmem:s17+$0xB0]  }
0x1a5: {  	[tilespmem:s17+$0x7A90] =	vst v0;
	v0 =	vld [tilespmem:s17+$0x3DA0]  }
0x1a6: {  	v2 =	vld.idx.msk [tilespmem:v2+s3+$0x0], $0xffff;
	_ =	sdelay $0x2  }
0x1a7: {  	v4 =	vld [tilespmem:s18+$0x3D80]  }
0x1a8: {  	v1 =	vld.idx.msk [tilespmem:v1+s3+$0x0], $0xffff  }
0x1a9: {  	v0 =	vadd.f32 v0, v2;
	v2 =	vld [tilespmem:s18+$0x90]  }
0x1aa: {  	v5 =	vld [tilespmem:s17+$0xC0]  }
0x1ab: {  	[tilespmem:s17+$0x7AA0] =	vst v0;
	v0 =	vld [tilespmem:s17+$0x3DB0]  }
0x1ac: {  	v3 =	vld.idx.msk [tilespmem:v3+s3+$0x0], $0xffff;
	_ =	sdelay $0x1  }
0x1ad: {  	v1 =	vadd.f32 v4, v1;
	_ =	sdelay $0x1  }
0x1ae: {  	[tilespmem:s18+$0x7A80] =	vst v1;
	v1 =	vld [tilespmem:s18+$0x3D90]  }
0x1af: {  	v0 =	vadd.f32 v0, v3;
	v2 =	vld.idx.msk [tilespmem:v2+s3+$0x0], $0xffff  }
0x1b0: {  	v3 =	vld [tilespmem:s18+$0xA0]  }
0x1b1: {  	[tilespmem:s17+$0x7AB0] =	vst v0;
	v0 =	vld [tilespmem:s17+$0x3DC0]  }
0x1b2: {  	v4 =	vld.idx.msk [tilespmem:v5+s3+$0x0], $0xffff  }
0x1b3: {  	v5 =	vld [tilespmem:s17+$0xD0];
	_ =	sdelay $0x1  }
0x1b4: {  	s19 =	simm.s32 $0x100;
	v6 =	vld [tilespmem:s17+$0xE0];
	v1 =	vadd.f32 v1, v2  }
0x1b5: {  	v2 =	vld [tilespmem:s19+$0x80]  }
0x1b6: {  	[tilespmem:s18+$0x7A90] =	vst v1;
	v1 =	vld [tilespmem:s18+$0x3DA0]  }
0x1b7: {  	v0 =	vadd.f32 v0, v4;
	v3 =	vld.idx.msk [tilespmem:v3+s3+$0x0], $0xffff  }
0x1b8: {  	v4 =	vld [tilespmem:s18+$0xB0]  }
0x1b9: {  	[tilespmem:s17+$0x7AC0] =	vst v0;
	v0 =	vld [tilespmem:s17+$0x3DD0]  }
0x1ba: {  	v5 =	vld.idx.msk [tilespmem:v5+s3+$0x0], $0xffff  }
0x1bb: {  	v7 =	vld [tilespmem:s19+$0x3D80]  }
0x1bc: {  	v8 =	vld [tilespmem:s18+$0xC0]  }
0x1bd: {  	v1 =	vadd.f32 v1, v3;
	v2 =	vld.idx.msk [tilespmem:v2+s3+$0x0], $0xffff  }
0x1be: {  	v3 =	vld [tilespmem:s19+$0x90]  }
0x1bf: {  	[tilespmem:s18+$0x7AA0] =	vst v1;
	v1 =	vld [tilespmem:s18+$0x3DB0];
	v0 =	vadd.f32 v0, v5  }
0x1c0: {  	v4 =	vld.idx.msk [tilespmem:v4+s3+$0x0], $0xffff  }
0x1c1: {  	[tilespmem:s17+$0x7AD0] =	vst v0;
	v0 =	vld [tilespmem:s17+$0x3DE0]  }
0x1c2: {  	v2 =	vadd.f32 v7, v2;
	v7 =	vld [tilespmem:s17+$0xF0]  }
0x1c3: {  	v6 =	vld.idx.msk [tilespmem:v6+s3+$0x0], $0xffff  }
0x1c4: {  	v62 =	vld [tilespmem:s19+$0x3D90]  }
0x1c5: {  	v5 =	vld [tilespmem:s19+$0xA0];
	[tilespmem:s19+$0x7A80] =	vst v2  }
0x1c6: {  	v1 =	vadd.f32 v1, v4;
	v63 =	vld.idx.msk [tilespmem:v3+s3+$0x0], $0xffff  }
0x1c7: {  	v2 =	vld [tilespmem:s18+$0xD0]  }
0x1c8: {  	v3 =	vld [tilespmem:s18+$0x3DC0];
	[tilespmem:s18+$0x7AB0] =	vst v1;
	v0 =	vadd.f32 v0, v6  }
0x1c9: {  	v4 =	vld.idx.msk [tilespmem:v8+s3+$0x0], $0xffff  }
0x1ca: {  	[tilespmem:s17+$0x7AE0] =	vst v0;
	v0 =	vld [tilespmem:s17+$0x3DF0]  }
0x1cb: {  	s20 =	simm.s32 $0x180;
	s21 =	simm.s32 $0x800;
	v6 =	vadd.f32 v62, v63;
	v1 =	vld.idx.msk [tilespmem:v7+s3+$0x0], $0xffff  }
.LBB2_6:
0x1cc: {  	p1 =	sne.s32 s21, $0x7800;
	v7 =	vld [tilespmem:s20+$0x80]  }
0x1cd: {  	[tilespmem:s19+$0x7A90] =	vst v6;
	v6 =	vld [tilespmem:s19+$0x3DA0]  }
0x1ce: {  	v3 =	vadd.f32 v3, v4;
	v5 =	vld.idx.msk [tilespmem:v5+s3+$0x0], $0xffff  }
0x1cf: {  	v4 =	vld [tilespmem:s19+$0xB0]  }
0x1d0: {  	[tilespmem:s18+$0x7AC0] =	vst v3;
	v3 =	vld [tilespmem:s18+$0x3DD0]  }
0x1d1: {  	v0 =	vadd.f32 v0, v1;
	v2 =	vld.idx.msk [tilespmem:v2+s3+$0x0], $0xffff  }
0x1d2: {  	v1 =	vld [tilespmem:s18+$0xE0]  }
0x1d3: {  	v8 =	vld [tilespmem:s20+$0x3D80];
	[tilespmem:s17+$0x7AF0] =	vst v0;
	s17 =	smov.u32 s18;
	s18 =	smov.u32 s19;
	s19 =	smov.u32 s20  }
0x1d4: {  	v5 =	vadd.f32 v6, v5;
	v0 =	vld.idx.msk [tilespmem:v7+s3+$0x0], $0xffff  }
0x1d5: {  	v6 =	vld [tilespmem:s19+$0x90]  }
0x1d6: {  	[tilespmem:s18+$0x7AA0] =	vst v5;
	v5 =	vld [tilespmem:s18+$0x3DB0]  }
0x1d7: {  	v2 =	vadd.f32 v3, v2;
	v4 =	vld.idx.msk [tilespmem:v4+s3+$0x0], $0xffff  }
0x1d8: {  	v7 =	vld [tilespmem:s18+$0xC0]  }
0x1d9: {  	[tilespmem:s17+$0x7AD0] =	vst v2;
	v2 =	vld [tilespmem:s17+$0x3DE0]  }
0x1da: {  	v0 =	vadd.f32 v8, v0;
	v1 =	vld.idx.msk [tilespmem:v1+s3+$0x0], $0xffff  }
0x1db: {  	v8 =	vld [tilespmem:s17+$0xF0]  }
0x1dc: {  	[tilespmem:s19+$0x7A80] =	vst v0;
	v9 =	vld [tilespmem:s19+$0x3D90]  }
0x1dd: {  	v0 =	vadd.f32 v5, v4;
	v6 =	vld.idx.msk [tilespmem:v6+s3+$0x0], $0xffff  }
0x1de: {  	v5 =	vld [tilespmem:s19+$0xA0]  }
.Ltmp4:
0x1df: {  	[tilespmem:s18+$0x7AB0] =	vst v0;
	v3 =	vld [tilespmem:s18+$0x3DC0];
	(pc) =	sbr.rel @p1 .LBB2_6-.Ltmp4, $4  }
0x1e0: {  	v0 =	vadd.f32 v2, v1;
	v4 =	vld.idx.msk [tilespmem:v7+s3+$0x0], $0xffff  }
0x1e1: {  	v2 =	vld [tilespmem:s18+$0xD0]  }
0x1e2: {  	[tilespmem:s17+$0x7AE0] =	vst v0;
	v0 =	vld [tilespmem:s17+$0x3DF0]  }
0x1e3: {  	s20 =	sshra.s32 s21, $0x2;
	s21 =	sadd.s32 $0x200, s21;
	v6 =	vadd.f32 v9, v6;
	v1 =	vld.idx.msk [tilespmem:v8+s3+$0x0], $0xffff  }
0x1e4: {  	v7 =	vld [tilespmem:s20+$0x80];
	_ =	sdelay $0x5  }
0x1e5: {  	v8 =	vld [tilespmem:s20+$0x3D80]  }
0x1e6: {  	v9 =	vld [tilespmem:s20+$0x90]  }
0x1e7: {  	v7 =	vld.idx.msk [tilespmem:v7+s3+$0x0], $0xffff;
	_ =	sdelay $0x4  }
0x1e8: {  	v7 =	vadd.f32 v8, v7  }
0x1e9: {  	v56 =	vld [tilespmem:s20+$0xA0]  }
0x1ea: {  	[tilespmem:s20+$0x7A80] =	vst v7;
	v7 =	vld [tilespmem:s20+$0x3D90]  }
0x1eb: {  	v8 =	vld.idx.msk [tilespmem:v9+s3+$0x0], $0xffff;
	_ =	sdelay $0x2  }
0x1ec: {  	[tilespmem:s19+$0x7A90] =	vst v6;
	v6 =	vld [tilespmem:s19+$0x3DA0]  }
0x1ed: {  	v5 =	vld.idx.msk [tilespmem:v5+s3+$0x0], $0xffff  }
0x1ee: {  	v7 =	vadd.f32 v7, v8;
	v8 =	vld [tilespmem:s19+$0xB0];
	_ =	sdelay $0x1  }
0x1ef: {  	[tilespmem:s20+$0x7A90] =	vst v7;
	v7 =	vld [tilespmem:s20+$0x3DA0]  }
0x1f0: {  	v9 =	vld.idx.msk [tilespmem:v56+s3+$0x0], $0xffff;
	_ =	sdelay $0x1  }
0x1f1: {  	v10 =	vld [tilespmem:s20+$0xB0];
	v5 =	vadd.f32 v6, v5;
	_ =	sdelay $0x1  }
0x1f2: {  	[tilespmem:s19+$0x7AA0] =	vst v5;
	v5 =	vld [tilespmem:s19+$0x3DB0]  }
0x1f3: {  	v6 =	vadd.f32 v7, v9;
	v7 =	vld.idx.msk [tilespmem:v8+s3+$0x0], $0xffff  }
0x1f4: {  	v8 =	vld [tilespmem:s19+$0xC0];
	_ =	sdelay $0x1  }
0x1f5: {  	v58 =	vld [tilespmem:s20+$0xC0]  }
0x1f6: {  	[tilespmem:s20+$0x7AA0] =	vst v6;
	v6 =	vld [tilespmem:s20+$0x3DB0]  }
0x1f7: {  	v57 =	vld.idx.msk [tilespmem:v10+s3+$0x0], $0xffff  }
0x1f8: {  	v5 =	vadd.f32 v5, v7  }
0x1f9: {  	v59 =	vld [tilespmem:s18+$0x3DD0]  }
0x1fa: {  	[tilespmem:s19+$0x7AB0] =	vst v5;
	v5 =	vld [tilespmem:s19+$0x3DC0]  }
0x1fb: {  	v3 =	vadd.f32 v3, v4;
	v7 =	vld.idx.msk [tilespmem:v8+s3+$0x0], $0xffff  }
0x1fc: {  	v6 =	vadd.f32 v6, v57;
	v8 =	vld [tilespmem:s19+$0xD0]  }
0x1fd: {  	v4 =	vld [tilespmem:s20+$0x3DC0];
	[tilespmem:s18+$0x7AC0] =	vst v3  }
0x1fe: {  	v2 =	vld.idx.msk [tilespmem:v2+s3+$0x0], $0xffff;
	[tilespmem:s20+$0x7AB0] =	vst v6  }
0x1ff: {  	v6 =	vld.idx.msk [tilespmem:v58+s3+$0x0], $0xffff  }
0x200: {  	v3 =	vld [tilespmem:s20+$0xD0]  }
0x201: {  	v60 =	vld [tilespmem:s18+$0x3DE0];
	v5 =	vadd.f32 v5, v7  }
0x202: {  	v7 =	vld [tilespmem:s18+$0xE0]  }
0x203: {  	[tilespmem:s19+$0x7AC0] =	vst v5;
	v5 =	vld [tilespmem:s19+$0x3DD0]  }
0x204: {  	v2 =	vadd.f32 v59, v2;
	v4 =	vadd.f32 v4, v6;
	v6 =	vld.idx.msk [tilespmem:v8+s3+$0x0], $0xffff  }
0x205: {  	v8 =	vld [tilespmem:s19+$0xE0]  }
0x206: {  	[tilespmem:s18+$0x7AD0] =	vst v2;
	v2 =	vld [tilespmem:s20+$0xE0]  }
0x207: {  	[tilespmem:s20+$0x7AC0] =	vst v4;
	v4 =	vld [tilespmem:s20+$0x3DD0]  }
0x208: {  	v3 =	vld.idx.msk [tilespmem:v3+s3+$0x0], $0xffff  }
0x209: {  	v61 =	vld [tilespmem:s20+$0xF0]  }
0x20a: {  	v5 =	vadd.f32 v5, v6;
	v6 =	vld.idx.msk [tilespmem:v7+s3+$0x0], $0xffff  }
0x20b: {  	v7 =	vld [tilespmem:s18+$0xF0]  }
0x20c: {  	[tilespmem:s19+$0x7AD0] =	vst v5;
	v5 =	vld [tilespmem:s19+$0x3DE0]  }
0x20d: {  	v3 =	vadd.f32 v4, v3;
	v4 =	vld.idx.msk [tilespmem:v8+s3+$0x0], $0xffff  }
0x20e: {  	v8 =	vld [tilespmem:s19+$0xF0]  }
0x20f: {  	[tilespmem:s20+$0x7AD0] =	vst v3;
	v3 =	vld [tilespmem:s20+$0x3DE0]  }
0x210: {  	v2 =	vld.idx.msk [tilespmem:v2+s3+$0x0], $0xffff  }
0x211: {  	v6 =	vadd.f32 v60, v6;
	_ =	sdelay $0x1  }
0x212: {  	[tilespmem:s18+$0x7AE0] =	vst v6;
	v4 =	vadd.f32 v5, v4;
	v5 =	vld [tilespmem:s18+$0x3DF0]  }
0x213: {  	v6 =	vld.idx.msk [tilespmem:v7+s3+$0x0], $0xffff  }
0x214: {  	[tilespmem:s19+$0x7AE0] =	vst v4;
	v2 =	vadd.f32 v3, v2;
	v3 =	vld [tilespmem:s19+$0x3DF0]  }
0x215: {  	v4 =	vld.idx.msk [tilespmem:v8+s3+$0x0], $0xffff  }
0x216: {  	[tilespmem:s20+$0x7AE0] =	vst v2;
	v2 =	vld [tilespmem:s20+$0x3DF0]  }
0x217: {  	v7 =	vld.idx.msk [tilespmem:v61+s3+$0x0], $0xffff;
	_ =	sdelay $0x1  }
0x218: {  	v0 =	vadd.f32 v0, v1  }
0x219: {  	v1 =	vadd.f32 v5, v6  }
0x21a: {  	[tilespmem:s17+$0x7AF0] =	vst v0;
	v0 =	vadd.f32 v3, v4  }
0x21b: {  	[tilespmem:s18+$0x7AF0] =	vst v1;
	v1 =	vadd.f32 v2, v7  }
0x21c: {  	[tilespmem:s19+$0x7AF0] =	vst v0  }
0x21d: {  	[tilespmem:s20+$0x7AF0] =	vst v1  }
0x21e: {  	s19 =	simm.s32 $0x0;
	s18 =	rddreg [dreg:$0xf]  }
0x21f: {  	[hbm4b:s18+s19] =	stream.linear.scatter [tilespmem:s8], [sflag:$0x5], $0x1E80, $0x38;
	[tilespmem:$0xC080] =	vst v63  }
0x220: {  	s20 =	rddreg [dreg:$0x10]  }
0x221: {  	[tilespmem:s2], [sflag:$0x1] =	stream.linear.gather [hbm4b:s20+s19], $0x1E80, $0x38;
	[tilespmem:$0xC080] =	vst v63  }
0x222: {  	s21 =	rddreg [dreg:$0x11]  }
0x223: {  	[tilespmem:s0], [sflag:$0x3] =	stream.linear.gather [hbm4b:s21+s19], $0x1E80, $0x38;
	[tilespmem:$0xC080] =	vst v63  }
0x224: {  	_ =	swait.ge [sflag:s9], $0x1E80  }
0x225: {  	[sflag:s9] =	ssyncset.done $0x0  }
0x226: {  	[sflag:s9] =	ssyncadd.s32 $0xFFFFE180  }
0x227: {  	_ =	swait.ge [sflag:s10], $0x1E80  }
0x228: {  	[sflag:s10] =	ssyncset.done $0x0  }
0x229: {  	[sflag:s10] =	ssyncadd.s32 $0xFFFFE180  }
0x22a: {  	_ =	swait.ge [sflag:s13], $0x1E80  }
0x22b: {  	[sflag:s13] =	ssyncset.done $0x0  }
0x22c: {  	s17 =	simm.s32 $0x0;
	[sflag:s13] =	ssyncadd.s32 $0xFFFFE180  }
0x22d: {  	v0 =	vld [tilespmem:s17+$0x1F00];
	_ =	sdelay $0x5  }
0x22e: {  	v1 =	vld [tilespmem:s17+$0x5C00]  }
0x22f: {  	v2 =	vld [tilespmem:s17+$0x1F10]  }
0x230: {  	v0 =	vld.idx.msk [tilespmem:v0+s3+$0x0], $0xffff;
	_ =	sdelay $0x4  }
0x231: {  	v0 =	vadd.f32 v1, v0;
	_ =	sdelay $0x1  }
0x232: {  	[tilespmem:s17+$0x9900] =	vst v0;
	v0 =	vld [tilespmem:s17+$0x5C10]  }
0x233: {  	v1 =	vld.idx.msk [tilespmem:v2+s3+$0x0], $0xffff  }
0x234: {  	v2 =	vld [tilespmem:s17+$0x1F20];
	_ =	sdelay $0x2  }
0x235: {  	s18 =	simm.s32 $0x80  }
0x236: {  	v0 =	vadd.f32 v0, v1;
	v1 =	vld [tilespmem:s18+$0x1F00];
	_ =	sdelay $0x1  }
0x237: {  	v3 =	vld [tilespmem:s17+$0x1F30]  }
0x238: {  	[tilespmem:s17+$0x9910] =	vst v0;
	v0 =	vld [tilespmem:s17+$0x5C20]  }
0x239: {  	v2 =	vld.idx.msk [tilespmem:v2+s3+$0x0], $0xffff;
	_ =	sdelay $0x2  }
0x23a: {  	v4 =	vld [tilespmem:s18+$0x5C00]  }
0x23b: {  	v1 =	vld.idx.msk [tilespmem:v1+s3+$0x0], $0xffff  }
0x23c: {  	v0 =	vadd.f32 v0, v2;
	v2 =	vld [tilespmem:s18+$0x1F10]  }
0x23d: {  	v5 =	vld [tilespmem:s17+$0x1F40]  }
0x23e: {  	[tilespmem:s17+$0x9920] =	vst v0;
	v0 =	vld [tilespmem:s17+$0x5C30]  }
0x23f: {  	v3 =	vld.idx.msk [tilespmem:v3+s3+$0x0], $0xffff;
	_ =	sdelay $0x1  }
0x240: {  	v1 =	vadd.f32 v4, v1;
	_ =	sdelay $0x1  }
0x241: {  	[tilespmem:s18+$0x9900] =	vst v1;
	v1 =	vld [tilespmem:s18+$0x5C10]  }
0x242: {  	v0 =	vadd.f32 v0, v3;
	v2 =	vld.idx.msk [tilespmem:v2+s3+$0x0], $0xffff  }
0x243: {  	v3 =	vld [tilespmem:s18+$0x1F20]  }
0x244: {  	[tilespmem:s17+$0x9930] =	vst v0;
	v0 =	vld [tilespmem:s17+$0x5C40]  }
0x245: {  	v4 =	vld.idx.msk [tilespmem:v5+s3+$0x0], $0xffff  }
0x246: {  	v5 =	vld [tilespmem:s17+$0x1F50];
	_ =	sdelay $0x1  }
0x247: {  	s19 =	simm.s32 $0x100;
	v6 =	vld [tilespmem:s17+$0x1F60];
	v1 =	vadd.f32 v1, v2  }
0x248: {  	v2 =	vld [tilespmem:s19+$0x1F00]  }
0x249: {  	[tilespmem:s18+$0x9910] =	vst v1;
	v1 =	vld [tilespmem:s18+$0x5C20]  }
0x24a: {  	v0 =	vadd.f32 v0, v4;
	v3 =	vld.idx.msk [tilespmem:v3+s3+$0x0], $0xffff  }
0x24b: {  	v4 =	vld [tilespmem:s18+$0x1F30]  }
0x24c: {  	[tilespmem:s17+$0x9940] =	vst v0;
	v0 =	vld [tilespmem:s17+$0x5C50]  }
0x24d: {  	v5 =	vld.idx.msk [tilespmem:v5+s3+$0x0], $0xffff  }
0x24e: {  	v7 =	vld [tilespmem:s19+$0x5C00]  }
0x24f: {  	v8 =	vld [tilespmem:s18+$0x1F40]  }
0x250: {  	v1 =	vadd.f32 v1, v3;
	v2 =	vld.idx.msk [tilespmem:v2+s3+$0x0], $0xffff  }
0x251: {  	v3 =	vld [tilespmem:s19+$0x1F10]  }
0x252: {  	[tilespmem:s18+$0x9920] =	vst v1;
	v1 =	vld [tilespmem:s18+$0x5C30];
	v0 =	vadd.f32 v0, v5  }
0x253: {  	v4 =	vld.idx.msk [tilespmem:v4+s3+$0x0], $0xffff  }
0x254: {  	[tilespmem:s17+$0x9950] =	vst v0;
	v0 =	vld [tilespmem:s17+$0x5C60]  }
0x255: {  	v2 =	vadd.f32 v7, v2;
	v7 =	vld [tilespmem:s17+$0x1F70]  }
0x256: {  	v6 =	vld.idx.msk [tilespmem:v6+s3+$0x0], $0xffff  }
0x257: {  	v62 =	vld [tilespmem:s19+$0x5C10]  }
0x258: {  	v5 =	vld [tilespmem:s19+$0x1F20];
	[tilespmem:s19+$0x9900] =	vst v2  }
0x259: {  	v1 =	vadd.f32 v1, v4;
	v63 =	vld.idx.msk [tilespmem:v3+s3+$0x0], $0xffff  }
0x25a: {  	v2 =	vld [tilespmem:s18+$0x1F50]  }
0x25b: {  	v3 =	vld [tilespmem:s18+$0x5C40];
	[tilespmem:s18+$0x9930] =	vst v1;
	v0 =	vadd.f32 v0, v6  }
0x25c: {  	v4 =	vld.idx.msk [tilespmem:v8+s3+$0x0], $0xffff  }
0x25d: {  	[tilespmem:s17+$0x9960] =	vst v0;
	v0 =	vld [tilespmem:s17+$0x5C70]  }
0x25e: {  	s20 =	simm.s32 $0x180;
	s21 =	simm.s32 $0x800;
	v6 =	vadd.f32 v62, v63;
	v1 =	vld.idx.msk [tilespmem:v7+s3+$0x0], $0xffff  }
.LBB2_8:
0x25f: {  	p1 =	sne.s32 s21, $0x7800;
	v7 =	vld [tilespmem:s20+$0x1F00]  }
0x260: {  	[tilespmem:s19+$0x9910] =	vst v6;
	v6 =	vld [tilespmem:s19+$0x5C20]  }
0x261: {  	v3 =	vadd.f32 v3, v4;
	v5 =	vld.idx.msk [tilespmem:v5+s3+$0x0], $0xffff  }
0x262: {  	v4 =	vld [tilespmem:s19+$0x1F30]  }
0x263: {  	[tilespmem:s18+$0x9940] =	vst v3;
	v3 =	vld [tilespmem:s18+$0x5C50]  }
0x264: {  	v0 =	vadd.f32 v0, v1;
	v2 =	vld.idx.msk [tilespmem:v2+s3+$0x0], $0xffff  }
0x265: {  	v1 =	vld [tilespmem:s18+$0x1F60]  }
0x266: {  	v8 =	vld [tilespmem:s20+$0x5C00];
	[tilespmem:s17+$0x9970] =	vst v0;
	s17 =	smov.u32 s18;
	s18 =	smov.u32 s19;
	s19 =	smov.u32 s20  }
0x267: {  	v5 =	vadd.f32 v6, v5;
	v0 =	vld.idx.msk [tilespmem:v7+s3+$0x0], $0xffff  }
0x268: {  	v6 =	vld [tilespmem:s19+$0x1F10]  }
0x269: {  	[tilespmem:s18+$0x9920] =	vst v5;
	v5 =	vld [tilespmem:s18+$0x5C30]  }
0x26a: {  	v2 =	vadd.f32 v3, v2;
	v4 =	vld.idx.msk [tilespmem:v4+s3+$0x0], $0xffff  }
0x26b: {  	v7 =	vld [tilespmem:s18+$0x1F40]  }
0x26c: {  	[tilespmem:s17+$0x9950] =	vst v2;
	v2 =	vld [tilespmem:s17+$0x5C60]  }
0x26d: {  	v0 =	vadd.f32 v8, v0;
	v1 =	vld.idx.msk [tilespmem:v1+s3+$0x0], $0xffff  }
0x26e: {  	v8 =	vld [tilespmem:s17+$0x1F70]  }
0x26f: {  	[tilespmem:s19+$0x9900] =	vst v0;
	v9 =	vld [tilespmem:s19+$0x5C10]  }
0x270: {  	v0 =	vadd.f32 v5, v4;
	v6 =	vld.idx.msk [tilespmem:v6+s3+$0x0], $0xffff  }
0x271: {  	v5 =	vld [tilespmem:s19+$0x1F20]  }
.Ltmp5:
0x272: {  	[tilespmem:s18+$0x9930] =	vst v0;
	v3 =	vld [tilespmem:s18+$0x5C40];
	(pc) =	sbr.rel @p1 .LBB2_8-.Ltmp5, $4  }
0x273: {  	v0 =	vadd.f32 v2, v1;
	v4 =	vld.idx.msk [tilespmem:v7+s3+$0x0], $0xffff  }
0x274: {  	v2 =	vld [tilespmem:s18+$0x1F50]  }
0x275: {  	[tilespmem:s17+$0x9960] =	vst v0;
	v0 =	vld [tilespmem:s17+$0x5C70]  }
0x276: {  	s20 =	sshra.s32 s21, $0x2;
	s21 =	sadd.s32 $0x200, s21;
	v6 =	vadd.f32 v9, v6;
	v1 =	vld.idx.msk [tilespmem:v8+s3+$0x0], $0xffff  }
0x277: {  	v7 =	vld [tilespmem:s20+$0x1F00];
	_ =	sdelay $0x5  }
0x278: {  	v8 =	vld [tilespmem:s20+$0x5C00]  }
0x279: {  	v9 =	vld [tilespmem:s20+$0x1F10]  }
0x27a: {  	v7 =	vld.idx.msk [tilespmem:v7+s3+$0x0], $0xffff;
	_ =	sdelay $0x4  }
0x27b: {  	v7 =	vadd.f32 v8, v7  }
0x27c: {  	v56 =	vld [tilespmem:s20+$0x1F20]  }
0x27d: {  	[tilespmem:s20+$0x9900] =	vst v7;
	v7 =	vld [tilespmem:s20+$0x5C10]  }
0x27e: {  	v8 =	vld.idx.msk [tilespmem:v9+s3+$0x0], $0xffff;
	_ =	sdelay $0x2  }
0x27f: {  	[tilespmem:s19+$0x9910] =	vst v6;
	v6 =	vld [tilespmem:s19+$0x5C20]  }
0x280: {  	v5 =	vld.idx.msk [tilespmem:v5+s3+$0x0], $0xffff  }
0x281: {  	v7 =	vadd.f32 v7, v8;
	v8 =	vld [tilespmem:s19+$0x1F30];
	_ =	sdelay $0x1  }
0x282: {  	[tilespmem:s20+$0x9910] =	vst v7;
	v7 =	vld [tilespmem:s20+$0x5C20]  }
0x283: {  	v9 =	vld.idx.msk [tilespmem:v56+s3+$0x0], $0xffff;
	_ =	sdelay $0x1  }
0x284: {  	v10 =	vld [tilespmem:s20+$0x1F30];
	v5 =	vadd.f32 v6, v5;
	_ =	sdelay $0x1  }
0x285: {  	[tilespmem:s19+$0x9920] =	vst v5;
	v5 =	vld [tilespmem:s19+$0x5C30]  }
0x286: {  	v6 =	vadd.f32 v7, v9;
	v7 =	vld.idx.msk [tilespmem:v8+s3+$0x0], $0xffff  }
0x287: {  	v8 =	vld [tilespmem:s19+$0x1F40];
	_ =	sdelay $0x1  }
0x288: {  	v58 =	vld [tilespmem:s20+$0x1F40]  }
0x289: {  	[tilespmem:s20+$0x9920] =	vst v6;
	v6 =	vld [tilespmem:s20+$0x5C30]  }
0x28a: {  	v57 =	vld.idx.msk [tilespmem:v10+s3+$0x0], $0xffff  }
0x28b: {  	v5 =	vadd.f32 v5, v7  }
0x28c: {  	v59 =	vld [tilespmem:s18+$0x5C50]  }
0x28d: {  	[tilespmem:s19+$0x9930] =	vst v5;
	v5 =	vld [tilespmem:s19+$0x5C40]  }
0x28e: {  	v3 =	vadd.f32 v3, v4;
	v7 =	vld.idx.msk [tilespmem:v8+s3+$0x0], $0xffff  }
0x28f: {  	v6 =	vadd.f32 v6, v57;
	v8 =	vld [tilespmem:s19+$0x1F50]  }
0x290: {  	v4 =	vld [tilespmem:s20+$0x5C40];
	[tilespmem:s18+$0x9940] =	vst v3  }
0x291: {  	v2 =	vld.idx.msk [tilespmem:v2+s3+$0x0], $0xffff;
	[tilespmem:s20+$0x9930] =	vst v6  }
0x292: {  	v6 =	vld.idx.msk [tilespmem:v58+s3+$0x0], $0xffff  }
0x293: {  	v3 =	vld [tilespmem:s20+$0x1F50]  }
0x294: {  	v60 =	vld [tilespmem:s18+$0x5C60];
	v5 =	vadd.f32 v5, v7  }
0x295: {  	v7 =	vld [tilespmem:s18+$0x1F60]  }
0x296: {  	[tilespmem:s19+$0x9940] =	vst v5;
	v5 =	vld [tilespmem:s19+$0x5C50]  }
0x297: {  	v2 =	vadd.f32 v59, v2;
	v4 =	vadd.f32 v4, v6;
	v6 =	vld.idx.msk [tilespmem:v8+s3+$0x0], $0xffff  }
0x298: {  	v8 =	vld [tilespmem:s19+$0x1F60]  }
0x299: {  	[tilespmem:s18+$0x9950] =	vst v2;
	v2 =	vld [tilespmem:s20+$0x1F60]  }
0x29a: {  	[tilespmem:s20+$0x9940] =	vst v4;
	v4 =	vld [tilespmem:s20+$0x5C50]  }
0x29b: {  	v3 =	vld.idx.msk [tilespmem:v3+s3+$0x0], $0xffff  }
0x29c: {  	v61 =	vld [tilespmem:s20+$0x1F70]  }
0x29d: {  	v5 =	vadd.f32 v5, v6;
	v6 =	vld.idx.msk [tilespmem:v7+s3+$0x0], $0xffff  }
0x29e: {  	v7 =	vld [tilespmem:s18+$0x1F70]  }
0x29f: {  	[tilespmem:s19+$0x9950] =	vst v5;
	v5 =	vld [tilespmem:s19+$0x5C60]  }
0x2a0: {  	v3 =	vadd.f32 v4, v3;
	v4 =	vld.idx.msk [tilespmem:v8+s3+$0x0], $0xffff  }
0x2a1: {  	v8 =	vld [tilespmem:s19+$0x1F70]  }
0x2a2: {  	[tilespmem:s20+$0x9950] =	vst v3;
	v3 =	vld [tilespmem:s20+$0x5C60]  }
0x2a3: {  	v2 =	vld.idx.msk [tilespmem:v2+s3+$0x0], $0xffff  }
0x2a4: {  	v6 =	vadd.f32 v60, v6;
	_ =	sdelay $0x1  }
0x2a5: {  	[tilespmem:s18+$0x9960] =	vst v6;
	v4 =	vadd.f32 v5, v4;
	v5 =	vld [tilespmem:s18+$0x5C70]  }
0x2a6: {  	v6 =	vld.idx.msk [tilespmem:v7+s3+$0x0], $0xffff  }
0x2a7: {  	[tilespmem:s19+$0x9960] =	vst v4;
	v2 =	vadd.f32 v3, v2;
	v3 =	vld [tilespmem:s19+$0x5C70]  }
0x2a8: {  	v4 =	vld.idx.msk [tilespmem:v8+s3+$0x0], $0xffff  }
0x2a9: {  	[tilespmem:s20+$0x9960] =	vst v2;
	v2 =	vld [tilespmem:s20+$0x5C70]  }
0x2aa: {  	v7 =	vld.idx.msk [tilespmem:v61+s3+$0x0], $0xffff;
	_ =	sdelay $0x1  }
0x2ab: {  	v0 =	vadd.f32 v0, v1  }
0x2ac: {  	v1 =	vadd.f32 v5, v6  }
0x2ad: {  	[tilespmem:s17+$0x9970] =	vst v0;
	v0 =	vadd.f32 v3, v4  }
0x2ae: {  	[tilespmem:s18+$0x9970] =	vst v1;
	v1 =	vadd.f32 v2, v7  }
0x2af: {  	[tilespmem:s19+$0x9970] =	vst v0  }
0x2b0: {  	[tilespmem:s20+$0x9970] =	vst v1  }
0x2b1: {  	s19 =	simm.s32 $0x0;
	s18 =	rddreg [dreg:$0x12]  }
0x2b2: {  	[hbm4b:s18+s19] =	stream.linear.scatter [tilespmem:s11], [sflag:$0x6], $0x1E80, $0x38;
	[tilespmem:$0xC080] =	vst v63  }
0x2b3: {  	s20 =	rddreg [dreg:$0x13]  }
0x2b4: {  	[tilespmem:s4], [sflag:$0x2] =	stream.linear.gather [hbm4b:s20+s19], $0x1E80, $0x38;
	[tilespmem:$0xC080] =	vst v63  }
0x2b5: {  	s21 =	rddreg [dreg:$0x15]  }
0x2b6: {  	[tilespmem:s5], [sflag:$0x4] =	stream.linear.gather [hbm4b:s21+s19], $0x1E80, $0x38;
	[tilespmem:$0xC080] =	vst v63  }
0x2b7: {  	_ =	swait.ge [sflag:s6], $0x1E80  }
0x2b8: {  	[sflag:s6] =	ssyncset.done $0x0  }
0x2b9: {  	[sflag:s6] =	ssyncadd.s32 $0xFFFFE180  }
0x2ba: {  	_ =	swait.ge [sflag:s7], $0x1E80  }
0x2bb: {  	[sflag:s7] =	ssyncset.done $0x0  }
0x2bc: {  	[sflag:s7] =	ssyncadd.s32 $0xFFFFE180  }
0x2bd: {  	_ =	swait.ge [sflag:s12], $0x1E80  }
0x2be: {  	[sflag:s12] =	ssyncset.done $0x0  }
0x2bf: {  	s17 =	simm.s32 $0x0;
	[sflag:s12] =	ssyncadd.s32 $0xFFFFE180  }
0x2c0: {  	v0 =	vld [tilespmem:s17+$0x80];
	_ =	sdelay $0x5  }
0x2c1: {  	v1 =	vld [tilespmem:s17+$0x3D80]  }
0x2c2: {  	v2 =	vld [tilespmem:s17+$0x90]  }
0x2c3: {  	v0 =	vld.idx.msk [tilespmem:v0+s3+$0x0], $0xffff;
	_ =	sdelay $0x4  }
0x2c4: {  	v0 =	vadd.f32 v1, v0;
	_ =	sdelay $0x1  }
0x2c5: {  	[tilespmem:s17+$0x7A80] =	vst v0;
	v0 =	vld [tilespmem:s17+$0x3D90]  }
0x2c6: {  	v1 =	vld.idx.msk [tilespmem:v2+s3+$0x0], $0xffff  }
0x2c7: {  	v2 =	vld [tilespmem:s17+$0xA0];
	_ =	sdelay $0x2  }
0x2c8: {  	s18 =	simm.s32 $0x80  }
0x2c9: {  	v0 =	vadd.f32 v0, v1;
	v1 =	vld [tilespmem:s18+$0x80];
	_ =	sdelay $0x1  }
0x2ca: {  	v3 =	vld [tilespmem:s17+$0xB0]  }
0x2cb: {  	[tilespmem:s17+$0x7A90] =	vst v0;
	v0 =	vld [tilespmem:s17+$0x3DA0]  }
0x2cc: {  	v2 =	vld.idx.msk [tilespmem:v2+s3+$0x0], $0xffff;
	_ =	sdelay $0x2  }
0x2cd: {  	v4 =	vld [tilespmem:s18+$0x3D80]  }
0x2ce: {  	v1 =	vld.idx.msk [tilespmem:v1+s3+$0x0], $0xffff  }
0x2cf: {  	v0 =	vadd.f32 v0, v2;
	v2 =	vld [tilespmem:s18+$0x90]  }
0x2d0: {  	v5 =	vld [tilespmem:s17+$0xC0]  }
0x2d1: {  	[tilespmem:s17+$0x7AA0] =	vst v0;
	v0 =	vld [tilespmem:s17+$0x3DB0]  }
0x2d2: {  	v3 =	vld.idx.msk [tilespmem:v3+s3+$0x0], $0xffff;
	_ =	sdelay $0x1  }
0x2d3: {  	v1 =	vadd.f32 v4, v1;
	_ =	sdelay $0x1  }
0x2d4: {  	[tilespmem:s18+$0x7A80] =	vst v1;
	v1 =	vld [tilespmem:s18+$0x3D90]  }
0x2d5: {  	v0 =	vadd.f32 v0, v3;
	v2 =	vld.idx.msk [tilespmem:v2+s3+$0x0], $0xffff  }
0x2d6: {  	v3 =	vld [tilespmem:s18+$0xA0]  }
0x2d7: {  	[tilespmem:s17+$0x7AB0] =	vst v0;
	v0 =	vld [tilespmem:s17+$0x3DC0]  }
0x2d8: {  	v4 =	vld.idx.msk [tilespmem:v5+s3+$0x0], $0xffff  }
0x2d9: {  	v5 =	vld [tilespmem:s17+$0xD0];
	_ =	sdelay $0x1  }
0x2da: {  	s19 =	simm.s32 $0x100;
	v6 =	vld [tilespmem:s17+$0xE0];
	v1 =	vadd.f32 v1, v2  }
0x2db: {  	v2 =	vld [tilespmem:s19+$0x80]  }
0x2dc: {  	[tilespmem:s18+$0x7A90] =	vst v1;
	v1 =	vld [tilespmem:s18+$0x3DA0]  }
0x2dd: {  	v0 =	vadd.f32 v0, v4;
	v3 =	vld.idx.msk [tilespmem:v3+s3+$0x0], $0xffff  }
0x2de: {  	v4 =	vld [tilespmem:s18+$0xB0]  }
0x2df: {  	[tilespmem:s17+$0x7AC0] =	vst v0;
	v0 =	vld [tilespmem:s17+$0x3DD0]  }
0x2e0: {  	v5 =	vld.idx.msk [tilespmem:v5+s3+$0x0], $0xffff  }
0x2e1: {  	v7 =	vld [tilespmem:s19+$0x3D80]  }
0x2e2: {  	v8 =	vld [tilespmem:s18+$0xC0]  }
0x2e3: {  	v1 =	vadd.f32 v1, v3;
	v2 =	vld.idx.msk [tilespmem:v2+s3+$0x0], $0xffff  }
0x2e4: {  	v3 =	vld [tilespmem:s19+$0x90]  }
0x2e5: {  	[tilespmem:s18+$0x7AA0] =	vst v1;
	v1 =	vld [tilespmem:s18+$0x3DB0];
	v0 =	vadd.f32 v0, v5  }
0x2e6: {  	v4 =	vld.idx.msk [tilespmem:v4+s3+$0x0], $0xffff  }
0x2e7: {  	[tilespmem:s17+$0x7AD0] =	vst v0;
	v0 =	vld [tilespmem:s17+$0x3DE0]  }
0x2e8: {  	v2 =	vadd.f32 v7, v2;
	v7 =	vld [tilespmem:s17+$0xF0]  }
0x2e9: {  	v6 =	vld.idx.msk [tilespmem:v6+s3+$0x0], $0xffff  }
0x2ea: {  	v62 =	vld [tilespmem:s19+$0x3D90]  }
0x2eb: {  	v5 =	vld [tilespmem:s19+$0xA0];
	[tilespmem:s19+$0x7A80] =	vst v2  }
0x2ec: {  	v1 =	vadd.f32 v1, v4;
	v63 =	vld.idx.msk [tilespmem:v3+s3+$0x0], $0xffff  }
0x2ed: {  	v2 =	vld [tilespmem:s18+$0xD0]  }
0x2ee: {  	v3 =	vld [tilespmem:s18+$0x3DC0];
	[tilespmem:s18+$0x7AB0] =	vst v1;
	v0 =	vadd.f32 v0, v6  }
0x2ef: {  	v4 =	vld.idx.msk [tilespmem:v8+s3+$0x0], $0xffff  }
0x2f0: {  	[tilespmem:s17+$0x7AE0] =	vst v0;
	v0 =	vld [tilespmem:s17+$0x3DF0]  }
0x2f1: {  	s20 =	simm.s32 $0x180;
	s21 =	simm.s32 $0x800;
	v6 =	vadd.f32 v62, v63;
	v1 =	vld.idx.msk [tilespmem:v7+s3+$0x0], $0xffff  }
.LBB2_10:
0x2f2: {  	p1 =	sne.s32 s21, $0x7800;
	v7 =	vld [tilespmem:s20+$0x80]  }
0x2f3: {  	[tilespmem:s19+$0x7A90] =	vst v6;
	v6 =	vld [tilespmem:s19+$0x3DA0]  }
0x2f4: {  	v3 =	vadd.f32 v3, v4;
	v5 =	vld.idx.msk [tilespmem:v5+s3+$0x0], $0xffff  }
0x2f5: {  	v4 =	vld [tilespmem:s19+$0xB0]  }
0x2f6: {  	[tilespmem:s18+$0x7AC0] =	vst v3;
	v3 =	vld [tilespmem:s18+$0x3DD0]  }
0x2f7: {  	v0 =	vadd.f32 v0, v1;
	v2 =	vld.idx.msk [tilespmem:v2+s3+$0x0], $0xffff  }
0x2f8: {  	v1 =	vld [tilespmem:s18+$0xE0]  }
0x2f9: {  	v8 =	vld [tilespmem:s20+$0x3D80];
	[tilespmem:s17+$0x7AF0] =	vst v0;
	s17 =	smov.u32 s18;
	s18 =	smov.u32 s19;
	s19 =	smov.u32 s20  }
0x2fa: {  	v5 =	vadd.f32 v6, v5;
	v0 =	vld.idx.msk [tilespmem:v7+s3+$0x0], $0xffff  }
0x2fb: {  	v6 =	vld [tilespmem:s19+$0x90]  }
0x2fc: {  	[tilespmem:s18+$0x7AA0] =	vst v5;
	v5 =	vld [tilespmem:s18+$0x3DB0]  }
0x2fd: {  	v2 =	vadd.f32 v3, v2;
	v4 =	vld.idx.msk [tilespmem:v4+s3+$0x0], $0xffff  }
0x2fe: {  	v7 =	vld [tilespmem:s18+$0xC0]  }
0x2ff: {  	[tilespmem:s17+$0x7AD0] =	vst v2;
	v2 =	vld [tilespmem:s17+$0x3DE0]  }
0x300: {  	v0 =	vadd.f32 v8, v0;
	v1 =	vld.idx.msk [tilespmem:v1+s3+$0x0], $0xffff  }
0x301: {  	v8 =	vld [tilespmem:s17+$0xF0]  }
0x302: {  	[tilespmem:s19+$0x7A80] =	vst v0;
	v9 =	vld [tilespmem:s19+$0x3D90]  }
0x303: {  	v0 =	vadd.f32 v5, v4;
	v6 =	vld.idx.msk [tilespmem:v6+s3+$0x0], $0xffff  }
0x304: {  	v5 =	vld [tilespmem:s19+$0xA0]  }
.Ltmp6:
0x305: {  	[tilespmem:s18+$0x7AB0] =	vst v0;
	v3 =	vld [tilespmem:s18+$0x3DC0];
	(pc) =	sbr.rel @p1 .LBB2_10-.Ltmp6, $4  }
0x306: {  	v0 =	vadd.f32 v2, v1;
	v4 =	vld.idx.msk [tilespmem:v7+s3+$0x0], $0xffff  }
0x307: {  	v2 =	vld [tilespmem:s18+$0xD0]  }
0x308: {  	[tilespmem:s17+$0x7AE0] =	vst v0;
	v0 =	vld [tilespmem:s17+$0x3DF0]  }
0x309: {  	s20 =	sshra.s32 s21, $0x2;
	s21 =	sadd.s32 $0x200, s21;
	v6 =	vadd.f32 v9, v6;
	v1 =	vld.idx.msk [tilespmem:v8+s3+$0x0], $0xffff  }
0x30a: {  	v7 =	vld [tilespmem:s20+$0x80];
	_ =	sdelay $0x5  }
0x30b: {  	v8 =	vld [tilespmem:s20+$0x3D80]  }
0x30c: {  	v9 =	vld [tilespmem:s20+$0x90]  }
0x30d: {  	v7 =	vld.idx.msk [tilespmem:v7+s3+$0x0], $0xffff;
	_ =	sdelay $0x4  }
0x30e: {  	v7 =	vadd.f32 v8, v7  }
0x30f: {  	v56 =	vld [tilespmem:s20+$0xA0]  }
0x310: {  	[tilespmem:s20+$0x7A80] =	vst v7;
	v7 =	vld [tilespmem:s20+$0x3D90]  }
0x311: {  	v8 =	vld.idx.msk [tilespmem:v9+s3+$0x0], $0xffff;
	_ =	sdelay $0x2  }
0x312: {  	[tilespmem:s19+$0x7A90] =	vst v6;
	v6 =	vld [tilespmem:s19+$0x3DA0]  }
0x313: {  	v5 =	vld.idx.msk [tilespmem:v5+s3+$0x0], $0xffff  }
0x314: {  	v7 =	vadd.f32 v7, v8;
	v8 =	vld [tilespmem:s19+$0xB0];
	_ =	sdelay $0x1  }
0x315: {  	[tilespmem:s20+$0x7A90] =	vst v7;
	v7 =	vld [tilespmem:s20+$0x3DA0]  }
0x316: {  	v9 =	vld.idx.msk [tilespmem:v56+s3+$0x0], $0xffff;
	_ =	sdelay $0x1  }
0x317: {  	v10 =	vld [tilespmem:s20+$0xB0];
	v5 =	vadd.f32 v6, v5;
	_ =	sdelay $0x1  }
0x318: {  	[tilespmem:s19+$0x7AA0] =	vst v5;
	v5 =	vld [tilespmem:s19+$0x3DB0]  }
0x319: {  	v6 =	vadd.f32 v7, v9;
	v7 =	vld.idx.msk [tilespmem:v8+s3+$0x0], $0xffff  }
0x31a: {  	v8 =	vld [tilespmem:s19+$0xC0];
	_ =	sdelay $0x1  }
0x31b: {  	v58 =	vld [tilespmem:s20+$0xC0]  }
0x31c: {  	[tilespmem:s20+$0x7AA0] =	vst v6;
	v6 =	vld [tilespmem:s20+$0x3DB0]  }
0x31d: {  	v57 =	vld.idx.msk [tilespmem:v10+s3+$0x0], $0xffff  }
0x31e: {  	v5 =	vadd.f32 v5, v7  }
0x31f: {  	v59 =	vld [tilespmem:s18+$0x3DD0]  }
0x320: {  	[tilespmem:s19+$0x7AB0] =	vst v5;
	v5 =	vld [tilespmem:s19+$0x3DC0]  }
0x321: {  	v3 =	vadd.f32 v3, v4;
	v7 =	vld.idx.msk [tilespmem:v8+s3+$0x0], $0xffff  }
0x322: {  	v6 =	vadd.f32 v6, v57;
	v8 =	vld [tilespmem:s19+$0xD0]  }
0x323: {  	v4 =	vld [tilespmem:s20+$0x3DC0];
	[tilespmem:s18+$0x7AC0] =	vst v3  }
0x324: {  	v2 =	vld.idx.msk [tilespmem:v2+s3+$0x0], $0xffff;
	[tilespmem:s20+$0x7AB0] =	vst v6  }
0x325: {  	v6 =	vld.idx.msk [tilespmem:v58+s3+$0x0], $0xffff  }
0x326: {  	v3 =	vld [tilespmem:s20+$0xD0]  }
0x327: {  	v60 =	vld [tilespmem:s18+$0x3DE0];
	v5 =	vadd.f32 v5, v7  }
0x328: {  	v7 =	vld [tilespmem:s18+$0xE0]  }
0x329: {  	[tilespmem:s19+$0x7AC0] =	vst v5;
	v5 =	vld [tilespmem:s19+$0x3DD0]  }
0x32a: {  	v2 =	vadd.f32 v59, v2;
	v4 =	vadd.f32 v4, v6;
	v6 =	vld.idx.msk [tilespmem:v8+s3+$0x0], $0xffff  }
0x32b: {  	v8 =	vld [tilespmem:s19+$0xE0]  }
0x32c: {  	[tilespmem:s18+$0x7AD0] =	vst v2;
	v2 =	vld [tilespmem:s20+$0xE0]  }
0x32d: {  	[tilespmem:s20+$0x7AC0] =	vst v4;
	v4 =	vld [tilespmem:s20+$0x3DD0]  }
0x32e: {  	v3 =	vld.idx.msk [tilespmem:v3+s3+$0x0], $0xffff  }
0x32f: {  	v61 =	vld [tilespmem:s20+$0xF0]  }
0x330: {  	v5 =	vadd.f32 v5, v6;
	v6 =	vld.idx.msk [tilespmem:v7+s3+$0x0], $0xffff  }
0x331: {  	v7 =	vld [tilespmem:s18+$0xF0]  }
0x332: {  	[tilespmem:s19+$0x7AD0] =	vst v5;
	v5 =	vld [tilespmem:s19+$0x3DE0]  }
0x333: {  	v3 =	vadd.f32 v4, v3;
	v4 =	vld.idx.msk [tilespmem:v8+s3+$0x0], $0xffff  }
0x334: {  	v8 =	vld [tilespmem:s19+$0xF0]  }
0x335: {  	[tilespmem:s20+$0x7AD0] =	vst v3;
	v3 =	vld [tilespmem:s20+$0x3DE0]  }
0x336: {  	v2 =	vld.idx.msk [tilespmem:v2+s3+$0x0], $0xffff  }
0x337: {  	v6 =	vadd.f32 v60, v6;
	_ =	sdelay $0x1  }
0x338: {  	[tilespmem:s18+$0x7AE0] =	vst v6;
	v4 =	vadd.f32 v5, v4;
	v5 =	vld [tilespmem:s18+$0x3DF0]  }
0x339: {  	v6 =	vld.idx.msk [tilespmem:v7+s3+$0x0], $0xffff  }
0x33a: {  	[tilespmem:s19+$0x7AE0] =	vst v4;
	v2 =	vadd.f32 v3, v2;
	v3 =	vld [tilespmem:s19+$0x3DF0]  }
0x33b: {  	v4 =	vld.idx.msk [tilespmem:v8+s3+$0x0], $0xffff  }
0x33c: {  	[tilespmem:s20+$0x7AE0] =	vst v2;
	v2 =	vld [tilespmem:s20+$0x3DF0]  }
0x33d: {  	v7 =	vld.idx.msk [tilespmem:v61+s3+$0x0], $0xffff;
	_ =	sdelay $0x1  }
0x33e: {  	v0 =	vadd.f32 v0, v1  }
0x33f: {  	v1 =	vadd.f32 v5, v6  }
0x340: {  	[tilespmem:s17+$0x7AF0] =	vst v0;
	v0 =	vadd.f32 v3, v4  }
0x341: {  	[tilespmem:s18+$0x7AF0] =	vst v1;
	v1 =	vadd.f32 v2, v7  }
0x342: {  	[tilespmem:s19+$0x7AF0] =	vst v0  }
0x343: {  	[tilespmem:s20+$0x7AF0] =	vst v1  }
0x344: {  	s21 =	simm.s32 $0x0;
	s18 =	rddreg [dreg:$0x14]  }
0x345: {  	[hbm4b:s18+s21] =	stream.linear.scatter [tilespmem:s8], [sflag:$0x5], $0x1E80, $0x38;
	[tilespmem:$0xC080] =	vst v63  }
0x346: {  	_ = 	snop  }
0x347: {  	[tilespmem:s2], [sflag:$0x1] =	stream.linear.gather [hbm4b:s23+s21], $0x1E80, $0x38;
	[tilespmem:$0xC080] =	vst v63  }
0x348: {  	_ = 	snop  }
0x349: {  	[tilespmem:s0], [sflag:$0x3] =	stream.linear.gather [hbm4b:s26+s21], $0x1E80, $0x38;
	[tilespmem:$0xC080] =	vst v63  }
0x34a: {  	_ =	swait.ge [sflag:s9], $0x1E80  }
0x34b: {  	[sflag:s9] =	ssyncset.done $0x0  }
0x34c: {  	[sflag:s9] =	ssyncadd.s32 $0xFFFFE180  }
0x34d: {  	_ =	swait.ge [sflag:s10], $0x1E80  }
0x34e: {  	[sflag:s10] =	ssyncset.done $0x0  }
0x34f: {  	[sflag:s10] =	ssyncadd.s32 $0xFFFFE180  }
0x350: {  	_ =	swait.ge [sflag:s13], $0x1E80  }
0x351: {  	[sflag:s13] =	ssyncset.done $0x0  }
0x352: {  	s17 =	simm.s32 $0x0;
	[sflag:s13] =	ssyncadd.s32 $0xFFFFE180  }
0x353: {  	v0 =	vld [tilespmem:s17+$0x1F00];
	_ =	sdelay $0x5  }
0x354: {  	v1 =	vld [tilespmem:s17+$0x5C00]  }
0x355: {  	v2 =	vld [tilespmem:s17+$0x1F10]  }
0x356: {  	v0 =	vld.idx.msk [tilespmem:v0+s3+$0x0], $0xffff;
	_ =	sdelay $0x4  }
0x357: {  	v0 =	vadd.f32 v1, v0;
	_ =	sdelay $0x1  }
0x358: {  	[tilespmem:s17+$0x9900] =	vst v0;
	v0 =	vld [tilespmem:s17+$0x5C10]  }
0x359: {  	v1 =	vld.idx.msk [tilespmem:v2+s3+$0x0], $0xffff  }
0x35a: {  	v2 =	vld [tilespmem:s17+$0x1F20];
	_ =	sdelay $0x2  }
0x35b: {  	s18 =	simm.s32 $0x80  }
0x35c: {  	v0 =	vadd.f32 v0, v1;
	v1 =	vld [tilespmem:s18+$0x1F00];
	_ =	sdelay $0x1  }
0x35d: {  	v3 =	vld [tilespmem:s17+$0x1F30]  }
0x35e: {  	[tilespmem:s17+$0x9910] =	vst v0;
	v0 =	vld [tilespmem:s17+$0x5C20]  }
0x35f: {  	v2 =	vld.idx.msk [tilespmem:v2+s3+$0x0], $0xffff;
	_ =	sdelay $0x2  }
0x360: {  	v4 =	vld [tilespmem:s18+$0x5C00]  }
0x361: {  	v1 =	vld.idx.msk [tilespmem:v1+s3+$0x0], $0xffff  }
0x362: {  	v0 =	vadd.f32 v0, v2;
	v2 =	vld [tilespmem:s18+$0x1F10]  }
0x363: {  	v5 =	vld [tilespmem:s17+$0x1F40]  }
0x364: {  	[tilespmem:s17+$0x9920] =	vst v0;
	v0 =	vld [tilespmem:s17+$0x5C30]  }
0x365: {  	v3 =	vld.idx.msk [tilespmem:v3+s3+$0x0], $0xffff;
	_ =	sdelay $0x1  }
0x366: {  	v1 =	vadd.f32 v4, v1;
	_ =	sdelay $0x1  }
0x367: {  	[tilespmem:s18+$0x9900] =	vst v1;
	v1 =	vld [tilespmem:s18+$0x5C10]  }
0x368: {  	v0 =	vadd.f32 v0, v3;
	v2 =	vld.idx.msk [tilespmem:v2+s3+$0x0], $0xffff  }
0x369: {  	v3 =	vld [tilespmem:s18+$0x1F20]  }
0x36a: {  	[tilespmem:s17+$0x9930] =	vst v0;
	v0 =	vld [tilespmem:s17+$0x5C40]  }
0x36b: {  	v4 =	vld.idx.msk [tilespmem:v5+s3+$0x0], $0xffff  }
0x36c: {  	v5 =	vld [tilespmem:s17+$0x1F50];
	_ =	sdelay $0x1  }
0x36d: {  	s19 =	simm.s32 $0x100;
	v6 =	vld [tilespmem:s17+$0x1F60];
	v1 =	vadd.f32 v1, v2  }
0x36e: {  	v2 =	vld [tilespmem:s19+$0x1F00]  }
0x36f: {  	[tilespmem:s18+$0x9910] =	vst v1;
	v1 =	vld [tilespmem:s18+$0x5C20]  }
0x370: {  	v0 =	vadd.f32 v0, v4;
	v3 =	vld.idx.msk [tilespmem:v3+s3+$0x0], $0xffff  }
0x371: {  	v4 =	vld [tilespmem:s18+$0x1F30]  }
0x372: {  	[tilespmem:s17+$0x9940] =	vst v0;
	v0 =	vld [tilespmem:s17+$0x5C50]  }
0x373: {  	v5 =	vld.idx.msk [tilespmem:v5+s3+$0x0], $0xffff  }
0x374: {  	v7 =	vld [tilespmem:s19+$0x5C00]  }
0x375: {  	v8 =	vld [tilespmem:s18+$0x1F40]  }
0x376: {  	v1 =	vadd.f32 v1, v3;
	v2 =	vld.idx.msk [tilespmem:v2+s3+$0x0], $0xffff  }
0x377: {  	v3 =	vld [tilespmem:s19+$0x1F10]  }
0x378: {  	[tilespmem:s18+$0x9920] =	vst v1;
	v1 =	vld [tilespmem:s18+$0x5C30];
	v0 =	vadd.f32 v0, v5  }
0x379: {  	v4 =	vld.idx.msk [tilespmem:v4+s3+$0x0], $0xffff  }
0x37a: {  	[tilespmem:s17+$0x9950] =	vst v0;
	v0 =	vld [tilespmem:s17+$0x5C60]  }
0x37b: {  	v2 =	vadd.f32 v7, v2;
	v7 =	vld [tilespmem:s17+$0x1F70]  }
0x37c: {  	v6 =	vld.idx.msk [tilespmem:v6+s3+$0x0], $0xffff  }
0x37d: {  	v62 =	vld [tilespmem:s19+$0x5C10]  }
0x37e: {  	v5 =	vld [tilespmem:s19+$0x1F20];
	[tilespmem:s19+$0x9900] =	vst v2  }
0x37f: {  	v1 =	vadd.f32 v1, v4;
	v63 =	vld.idx.msk [tilespmem:v3+s3+$0x0], $0xffff  }
0x380: {  	v2 =	vld [tilespmem:s18+$0x1F50]  }
0x381: {  	v3 =	vld [tilespmem:s18+$0x5C40];
	[tilespmem:s18+$0x9930] =	vst v1;
	v0 =	vadd.f32 v0, v6  }
0x382: {  	v4 =	vld.idx.msk [tilespmem:v8+s3+$0x0], $0xffff  }
0x383: {  	[tilespmem:s17+$0x9960] =	vst v0;
	v0 =	vld [tilespmem:s17+$0x5C70]  }
0x384: {  	s20 =	simm.s32 $0x180;
	s21 =	simm.s32 $0x800;
	v6 =	vadd.f32 v62, v63;
	v1 =	vld.idx.msk [tilespmem:v7+s3+$0x0], $0xffff  }
.LBB2_12:
0x385: {  	p1 =	sne.s32 s21, $0x7800;
	v7 =	vld [tilespmem:s20+$0x1F00]  }
0x386: {  	[tilespmem:s19+$0x9910] =	vst v6;
	v6 =	vld [tilespmem:s19+$0x5C20]  }
0x387: {  	v3 =	vadd.f32 v3, v4;
	v5 =	vld.idx.msk [tilespmem:v5+s3+$0x0], $0xffff  }
0x388: {  	v4 =	vld [tilespmem:s19+$0x1F30]  }
0x389: {  	[tilespmem:s18+$0x9940] =	vst v3;
	v3 =	vld [tilespmem:s18+$0x5C50]  }
0x38a: {  	v0 =	vadd.f32 v0, v1;
	v2 =	vld.idx.msk [tilespmem:v2+s3+$0x0], $0xffff  }
0x38b: {  	v1 =	vld [tilespmem:s18+$0x1F60]  }
0x38c: {  	v8 =	vld [tilespmem:s20+$0x5C00];
	[tilespmem:s17+$0x9970] =	vst v0;
	s17 =	smov.u32 s18;
	s18 =	smov.u32 s19;
	s19 =	smov.u32 s20  }
0x38d: {  	v5 =	vadd.f32 v6, v5;
	v0 =	vld.idx.msk [tilespmem:v7+s3+$0x0], $0xffff  }
0x38e: {  	v6 =	vld [tilespmem:s19+$0x1F10]  }
0x38f: {  	[tilespmem:s18+$0x9920] =	vst v5;
	v5 =	vld [tilespmem:s18+$0x5C30]  }
0x390: {  	v2 =	vadd.f32 v3, v2;
	v4 =	vld.idx.msk [tilespmem:v4+s3+$0x0], $0xffff  }
0x391: {  	v7 =	vld [tilespmem:s18+$0x1F40]  }
0x392: {  	[tilespmem:s17+$0x9950] =	vst v2;
	v2 =	vld [tilespmem:s17+$0x5C60]  }
0x393: {  	v0 =	vadd.f32 v8, v0;
	v1 =	vld.idx.msk [tilespmem:v1+s3+$0x0], $0xffff  }
0x394: {  	v8 =	vld [tilespmem:s17+$0x1F70]  }
0x395: {  	[tilespmem:s19+$0x9900] =	vst v0;
	v9 =	vld [tilespmem:s19+$0x5C10]  }
0x396: {  	v0 =	vadd.f32 v5, v4;
	v6 =	vld.idx.msk [tilespmem:v6+s3+$0x0], $0xffff  }
0x397: {  	v5 =	vld [tilespmem:s19+$0x1F20]  }
.Ltmp7:
0x398: {  	[tilespmem:s18+$0x9930] =	vst v0;
	v3 =	vld [tilespmem:s18+$0x5C40];
	(pc) =	sbr.rel @p1 .LBB2_12-.Ltmp7, $4  }
0x399: {  	v0 =	vadd.f32 v2, v1;
	v4 =	vld.idx.msk [tilespmem:v7+s3+$0x0], $0xffff  }
0x39a: {  	v2 =	vld [tilespmem:s18+$0x1F50]  }
0x39b: {  	[tilespmem:s17+$0x9960] =	vst v0;
	v0 =	vld [tilespmem:s17+$0x5C70]  }
0x39c: {  	s20 =	sshra.s32 s21, $0x2;
	s21 =	sadd.s32 $0x200, s21;
	v6 =	vadd.f32 v9, v6;
	v1 =	vld.idx.msk [tilespmem:v8+s3+$0x0], $0xffff  }
0x39d: {  	v7 =	vld [tilespmem:s20+$0x1F00];
	_ =	sdelay $0x5  }
0x39e: {  	v8 =	vld [tilespmem:s20+$0x5C00]  }
0x39f: {  	v9 =	vld [tilespmem:s20+$0x1F10]  }
0x3a0: {  	v7 =	vld.idx.msk [tilespmem:v7+s3+$0x0], $0xffff;
	_ =	sdelay $0x4  }
0x3a1: {  	v7 =	vadd.f32 v8, v7  }
0x3a2: {  	v56 =	vld [tilespmem:s20+$0x1F20]  }
0x3a3: {  	[tilespmem:s20+$0x9900] =	vst v7;
	v7 =	vld [tilespmem:s20+$0x5C10]  }
0x3a4: {  	v8 =	vld.idx.msk [tilespmem:v9+s3+$0x0], $0xffff;
	_ =	sdelay $0x2  }
0x3a5: {  	[tilespmem:s19+$0x9910] =	vst v6;
	v6 =	vld [tilespmem:s19+$0x5C20]  }
0x3a6: {  	v5 =	vld.idx.msk [tilespmem:v5+s3+$0x0], $0xffff  }
0x3a7: {  	v7 =	vadd.f32 v7, v8;
	v8 =	vld [tilespmem:s19+$0x1F30];
	_ =	sdelay $0x1  }
0x3a8: {  	[tilespmem:s20+$0x9910] =	vst v7;
	v7 =	vld [tilespmem:s20+$0x5C20]  }
0x3a9: {  	v9 =	vld.idx.msk [tilespmem:v56+s3+$0x0], $0xffff;
	_ =	sdelay $0x1  }
0x3aa: {  	v10 =	vld [tilespmem:s20+$0x1F30];
	v5 =	vadd.f32 v6, v5;
	_ =	sdelay $0x1  }
0x3ab: {  	[tilespmem:s19+$0x9920] =	vst v5;
	v5 =	vld [tilespmem:s19+$0x5C30]  }
0x3ac: {  	v6 =	vadd.f32 v7, v9;
	v7 =	vld.idx.msk [tilespmem:v8+s3+$0x0], $0xffff  }
0x3ad: {  	v8 =	vld [tilespmem:s19+$0x1F40];
	_ =	sdelay $0x1  }
0x3ae: {  	v58 =	vld [tilespmem:s20+$0x1F40]  }
0x3af: {  	[tilespmem:s20+$0x9920] =	vst v6;
	v6 =	vld [tilespmem:s20+$0x5C30]  }
0x3b0: {  	v57 =	vld.idx.msk [tilespmem:v10+s3+$0x0], $0xffff  }
0x3b1: {  	v5 =	vadd.f32 v5, v7  }
0x3b2: {  	v59 =	vld [tilespmem:s18+$0x5C50]  }
0x3b3: {  	[tilespmem:s19+$0x9930] =	vst v5;
	v5 =	vld [tilespmem:s19+$0x5C40]  }
0x3b4: {  	v3 =	vadd.f32 v3, v4;
	v7 =	vld.idx.msk [tilespmem:v8+s3+$0x0], $0xffff  }
0x3b5: {  	v6 =	vadd.f32 v6, v57;
	v8 =	vld [tilespmem:s19+$0x1F50]  }
0x3b6: {  	v4 =	vld [tilespmem:s20+$0x5C40];
	[tilespmem:s18+$0x9940] =	vst v3  }
0x3b7: {  	v2 =	vld.idx.msk [tilespmem:v2+s3+$0x0], $0xffff;
	[tilespmem:s20+$0x9930] =	vst v6  }
0x3b8: {  	v6 =	vld.idx.msk [tilespmem:v58+s3+$0x0], $0xffff  }
0x3b9: {  	v3 =	vld [tilespmem:s20+$0x1F50]  }
0x3ba: {  	v60 =	vld [tilespmem:s18+$0x5C60];
	v5 =	vadd.f32 v5, v7  }
0x3bb: {  	v7 =	vld [tilespmem:s18+$0x1F60]  }
0x3bc: {  	[tilespmem:s19+$0x9940] =	vst v5;
	v5 =	vld [tilespmem:s19+$0x5C50]  }
0x3bd: {  	v2 =	vadd.f32 v59, v2;
	v4 =	vadd.f32 v4, v6;
	v6 =	vld.idx.msk [tilespmem:v8+s3+$0x0], $0xffff  }
0x3be: {  	v8 =	vld [tilespmem:s19+$0x1F60]  }
0x3bf: {  	[tilespmem:s18+$0x9950] =	vst v2;
	v2 =	vld [tilespmem:s20+$0x1F60]  }
0x3c0: {  	[tilespmem:s20+$0x9940] =	vst v4;
	v4 =	vld [tilespmem:s20+$0x5C50]  }
0x3c1: {  	v3 =	vld.idx.msk [tilespmem:v3+s3+$0x0], $0xffff  }
0x3c2: {  	v61 =	vld [tilespmem:s20+$0x1F70]  }
0x3c3: {  	v5 =	vadd.f32 v5, v6;
	v6 =	vld.idx.msk [tilespmem:v7+s3+$0x0], $0xffff  }
0x3c4: {  	v7 =	vld [tilespmem:s18+$0x1F70]  }
0x3c5: {  	[tilespmem:s19+$0x9950] =	vst v5;
	v5 =	vld [tilespmem:s19+$0x5C60]  }
0x3c6: {  	v3 =	vadd.f32 v4, v3;
	v4 =	vld.idx.msk [tilespmem:v8+s3+$0x0], $0xffff  }
0x3c7: {  	v8 =	vld [tilespmem:s19+$0x1F70]  }
0x3c8: {  	[tilespmem:s20+$0x9950] =	vst v3;
	v3 =	vld [tilespmem:s20+$0x5C60]  }
0x3c9: {  	v2 =	vld.idx.msk [tilespmem:v2+s3+$0x0], $0xffff  }
0x3ca: {  	v6 =	vadd.f32 v60, v6;
	_ =	sdelay $0x1  }
0x3cb: {  	[tilespmem:s18+$0x9960] =	vst v6;
	v4 =	vadd.f32 v5, v4;
	v5 =	vld [tilespmem:s18+$0x5C70]  }
0x3cc: {  	v6 =	vld.idx.msk [tilespmem:v7+s3+$0x0], $0xffff  }
0x3cd: {  	[tilespmem:s19+$0x9960] =	vst v4;
	v2 =	vadd.f32 v3, v2;
	v3 =	vld [tilespmem:s19+$0x5C70]  }
0x3ce: {  	v4 =	vld.idx.msk [tilespmem:v8+s3+$0x0], $0xffff  }
0x3cf: {  	[tilespmem:s20+$0x9960] =	vst v2;
	v2 =	vld [tilespmem:s20+$0x5C70]  }
0x3d0: {  	v7 =	vld.idx.msk [tilespmem:v61+s3+$0x0], $0xffff;
	_ =	sdelay $0x1  }
0x3d1: {  	v0 =	vadd.f32 v0, v1  }
0x3d2: {  	v1 =	vadd.f32 v5, v6  }
0x3d3: {  	[tilespmem:s17+$0x9970] =	vst v0;
	v0 =	vadd.f32 v3, v4  }
0x3d4: {  	[tilespmem:s18+$0x9970] =	vst v1;
	v1 =	vadd.f32 v2, v7  }
0x3d5: {  	[tilespmem:s19+$0x9970] =	vst v0  }
0x3d6: {  	[tilespmem:s20+$0x9970] =	vst v1  }
0x3d7: {  	s21 =	simm.s32 $0x0;
	s18 =	rddreg [dreg:$0x16]  }
0x3d8: {  	[hbm4b:s18+s21] =	stream.linear.scatter [tilespmem:s11], [sflag:$0x6], $0x1E80, $0x38;
	[tilespmem:$0xC080] =	vst v63  }
0x3d9: {  	_ = 	snop  }
0x3da: {  	[tilespmem:s4], [sflag:$0x2] =	stream.linear.gather [hbm4b:s24+s21], $0x1E80, $0x38;
	[tilespmem:$0xC080] =	vst v63  }
0x3db: {  	_ = 	snop  }
0x3dc: {  	[tilespmem:s5], [sflag:$0x4] =	stream.linear.gather [hbm4b:s28+s21], $0x1E80, $0x38;
	[tilespmem:$0xC080] =	vst v63  }
0x3dd: {  	_ =	swait.ge [sflag:s6], $0x1E80  }
0x3de: {  	[sflag:s6] =	ssyncset.done $0x0  }
0x3df: {  	[sflag:s6] =	ssyncadd.s32 $0xFFFFE180  }
0x3e0: {  	_ =	swait.ge [sflag:s7], $0x1E80  }
0x3e1: {  	[sflag:s7] =	ssyncset.done $0x0  }
0x3e2: {  	[sflag:s7] =	ssyncadd.s32 $0xFFFFE180  }
0x3e3: {  	_ =	swait.ge [sflag:s12], $0x1E80  }
0x3e4: {  	[sflag:s12] =	ssyncset.done $0x0  }
0x3e5: {  	s17 =	simm.s32 $0x0;
	[sflag:s12] =	ssyncadd.s32 $0xFFFFE180  }
0x3e6: {  	v0 =	vld [tilespmem:s17+$0x80];
	_ =	sdelay $0x5  }
0x3e7: {  	v1 =	vld [tilespmem:s17+$0x3D80]  }
0x3e8: {  	v2 =	vld [tilespmem:s17+$0x90]  }
0x3e9: {  	v0 =	vld.idx.msk [tilespmem:v0+s3+$0x0], $0xffff;
	_ =	sdelay $0x4  }
0x3ea: {  	v0 =	vadd.f32 v1, v0;
	_ =	sdelay $0x1  }
0x3eb: {  	[tilespmem:s17+$0x7A80] =	vst v0;
	v0 =	vld [tilespmem:s17+$0x3D90]  }
0x3ec: {  	v1 =	vld.idx.msk [tilespmem:v2+s3+$0x0], $0xffff  }
0x3ed: {  	v2 =	vld [tilespmem:s17+$0xA0];
	_ =	sdelay $0x2  }
0x3ee: {  	s18 =	simm.s32 $0x80  }
0x3ef: {  	v0 =	vadd.f32 v0, v1;
	v1 =	vld [tilespmem:s18+$0x80];
	_ =	sdelay $0x1  }
0x3f0: {  	v3 =	vld [tilespmem:s17+$0xB0]  }
0x3f1: {  	[tilespmem:s17+$0x7A90] =	vst v0;
	v0 =	vld [tilespmem:s17+$0x3DA0]  }
0x3f2: {  	v2 =	vld.idx.msk [tilespmem:v2+s3+$0x0], $0xffff;
	_ =	sdelay $0x2  }
0x3f3: {  	v4 =	vld [tilespmem:s18+$0x3D80]  }
0x3f4: {  	v1 =	vld.idx.msk [tilespmem:v1+s3+$0x0], $0xffff  }
0x3f5: {  	v0 =	vadd.f32 v0, v2;
	v2 =	vld [tilespmem:s18+$0x90]  }
0x3f6: {  	v5 =	vld [tilespmem:s17+$0xC0]  }
0x3f7: {  	[tilespmem:s17+$0x7AA0] =	vst v0;
	v0 =	vld [tilespmem:s17+$0x3DB0]  }
0x3f8: {  	v3 =	vld.idx.msk [tilespmem:v3+s3+$0x0], $0xffff;
	_ =	sdelay $0x1  }
0x3f9: {  	v1 =	vadd.f32 v4, v1;
	_ =	sdelay $0x1  }
0x3fa: {  	[tilespmem:s18+$0x7A80] =	vst v1;
	v1 =	vld [tilespmem:s18+$0x3D90]  }
0x3fb: {  	v0 =	vadd.f32 v0, v3;
	v2 =	vld.idx.msk [tilespmem:v2+s3+$0x0], $0xffff  }
0x3fc: {  	v3 =	vld [tilespmem:s18+$0xA0]  }
0x3fd: {  	[tilespmem:s17+$0x7AB0] =	vst v0;
	v0 =	vld [tilespmem:s17+$0x3DC0]  }
0x3fe: {  	v4 =	vld.idx.msk [tilespmem:v5+s3+$0x0], $0xffff  }
0x3ff: {  	v5 =	vld [tilespmem:s17+$0xD0];
	_ =	sdelay $0x1  }
0x400: {  	s19 =	simm.s32 $0x100;
	v6 =	vld [tilespmem:s17+$0xE0];
	v1 =	vadd.f32 v1, v2  }
0x401: {  	v2 =	vld [tilespmem:s19+$0x80]  }
0x402: {  	[tilespmem:s18+$0x7A90] =	vst v1;
	v1 =	vld [tilespmem:s18+$0x3DA0]  }
0x403: {  	v0 =	vadd.f32 v0, v4;
	v3 =	vld.idx.msk [tilespmem:v3+s3+$0x0], $0xffff  }
0x404: {  	v4 =	vld [tilespmem:s18+$0xB0]  }
0x405: {  	[tilespmem:s17+$0x7AC0] =	vst v0;
	v0 =	vld [tilespmem:s17+$0x3DD0]  }
0x406: {  	v5 =	vld.idx.msk [tilespmem:v5+s3+$0x0], $0xffff  }
0x407: {  	v7 =	vld [tilespmem:s19+$0x3D80]  }
0x408: {  	v8 =	vld [tilespmem:s18+$0xC0]  }
0x409: {  	v1 =	vadd.f32 v1, v3;
	v2 =	vld.idx.msk [tilespmem:v2+s3+$0x0], $0xffff  }
0x40a: {  	v3 =	vld [tilespmem:s19+$0x90]  }
0x40b: {  	[tilespmem:s18+$0x7AA0] =	vst v1;
	v1 =	vld [tilespmem:s18+$0x3DB0];
	v0 =	vadd.f32 v0, v5  }
0x40c: {  	v4 =	vld.idx.msk [tilespmem:v4+s3+$0x0], $0xffff  }
0x40d: {  	[tilespmem:s17+$0x7AD0] =	vst v0;
	v0 =	vld [tilespmem:s17+$0x3DE0]  }
0x40e: {  	v2 =	vadd.f32 v7, v2;
	v7 =	vld [tilespmem:s17+$0xF0]  }
0x40f: {  	v6 =	vld.idx.msk [tilespmem:v6+s3+$0x0], $0xffff  }
0x410: {  	v62 =	vld [tilespmem:s19+$0x3D90]  }
0x411: {  	v5 =	vld [tilespmem:s19+$0xA0];
	[tilespmem:s19+$0x7A80] =	vst v2  }
0x412: {  	v1 =	vadd.f32 v1, v4;
	v63 =	vld.idx.msk [tilespmem:v3+s3+$0x0], $0xffff  }
0x413: {  	v2 =	vld [tilespmem:s18+$0xD0]  }
0x414: {  	v3 =	vld [tilespmem:s18+$0x3DC0];
	[tilespmem:s18+$0x7AB0] =	vst v1;
	v0 =	vadd.f32 v0, v6  }
0x415: {  	v4 =	vld.idx.msk [tilespmem:v8+s3+$0x0], $0xffff  }
0x416: {  	[tilespmem:s17+$0x7AE0] =	vst v0;
	v0 =	vld [tilespmem:s17+$0x3DF0]  }
0x417: {  	s20 =	simm.s32 $0x180;
	s21 =	simm.s32 $0x800;
	v6 =	vadd.f32 v62, v63;
	v1 =	vld.idx.msk [tilespmem:v7+s3+$0x0], $0xffff  }
.LBB2_14:
0x418: {  	p1 =	sne.s32 s21, $0x7800;
	v7 =	vld [tilespmem:s20+$0x80]  }
0x419: {  	[tilespmem:s19+$0x7A90] =	vst v6;
	v6 =	vld [tilespmem:s19+$0x3DA0]  }
0x41a: {  	v3 =	vadd.f32 v3, v4;
	v5 =	vld.idx.msk [tilespmem:v5+s3+$0x0], $0xffff  }
0x41b: {  	v4 =	vld [tilespmem:s19+$0xB0]  }
0x41c: {  	[tilespmem:s18+$0x7AC0] =	vst v3;
	v3 =	vld [tilespmem:s18+$0x3DD0]  }
0x41d: {  	v0 =	vadd.f32 v0, v1;
	v2 =	vld.idx.msk [tilespmem:v2+s3+$0x0], $0xffff  }
0x41e: {  	v1 =	vld [tilespmem:s18+$0xE0]  }
0x41f: {  	v8 =	vld [tilespmem:s20+$0x3D80];
	[tilespmem:s17+$0x7AF0] =	vst v0;
	s17 =	smov.u32 s18;
	s18 =	smov.u32 s19;
	s19 =	smov.u32 s20  }
0x420: {  	v5 =	vadd.f32 v6, v5;
	v0 =	vld.idx.msk [tilespmem:v7+s3+$0x0], $0xffff  }
0x421: {  	v6 =	vld [tilespmem:s19+$0x90]  }
0x422: {  	[tilespmem:s18+$0x7AA0] =	vst v5;
	v5 =	vld [tilespmem:s18+$0x3DB0]  }
0x423: {  	v2 =	vadd.f32 v3, v2;
	v4 =	vld.idx.msk [tilespmem:v4+s3+$0x0], $0xffff  }
0x424: {  	v7 =	vld [tilespmem:s18+$0xC0]  }
0x425: {  	[tilespmem:s17+$0x7AD0] =	vst v2;
	v2 =	vld [tilespmem:s17+$0x3DE0]  }
0x426: {  	v0 =	vadd.f32 v8, v0;
	v1 =	vld.idx.msk [tilespmem:v1+s3+$0x0], $0xffff  }
0x427: {  	v8 =	vld [tilespmem:s17+$0xF0]  }
0x428: {  	[tilespmem:s19+$0x7A80] =	vst v0;
	v9 =	vld [tilespmem:s19+$0x3D90]  }
0x429: {  	v0 =	vadd.f32 v5, v4;
	v6 =	vld.idx.msk [tilespmem:v6+s3+$0x0], $0xffff  }
0x42a: {  	v5 =	vld [tilespmem:s19+$0xA0]  }
.Ltmp8:
0x42b: {  	[tilespmem:s18+$0x7AB0] =	vst v0;
	v3 =	vld [tilespmem:s18+$0x3DC0];
	(pc) =	sbr.rel @p1 .LBB2_14-.Ltmp8, $4  }
0x42c: {  	v0 =	vadd.f32 v2, v1;
	v4 =	vld.idx.msk [tilespmem:v7+s3+$0x0], $0xffff  }
0x42d: {  	v2 =	vld [tilespmem:s18+$0xD0]  }
0x42e: {  	[tilespmem:s17+$0x7AE0] =	vst v0;
	v0 =	vld [tilespmem:s17+$0x3DF0]  }
0x42f: {  	s20 =	sshra.s32 s21, $0x2;
	s21 =	sadd.s32 $0x200, s21;
	v6 =	vadd.f32 v9, v6;
	v1 =	vld.idx.msk [tilespmem:v8+s3+$0x0], $0xffff  }
0x430: {  	v7 =	vld [tilespmem:s20+$0x80];
	_ =	sdelay $0x5  }
0x431: {  	v8 =	vld [tilespmem:s20+$0x3D80]  }
0x432: {  	v9 =	vld [tilespmem:s20+$0x90]  }
0x433: {  	v7 =	vld.idx.msk [tilespmem:v7+s3+$0x0], $0xffff;
	_ =	sdelay $0x4  }
0x434: {  	v7 =	vadd.f32 v8, v7  }
0x435: {  	v56 =	vld [tilespmem:s20+$0xA0]  }
0x436: {  	[tilespmem:s20+$0x7A80] =	vst v7;
	v7 =	vld [tilespmem:s20+$0x3D90]  }
0x437: {  	v8 =	vld.idx.msk [tilespmem:v9+s3+$0x0], $0xffff;
	_ =	sdelay $0x2  }
0x438: {  	[tilespmem:s19+$0x7A90] =	vst v6;
	v6 =	vld [tilespmem:s19+$0x3DA0]  }
0x439: {  	v5 =	vld.idx.msk [tilespmem:v5+s3+$0x0], $0xffff  }
0x43a: {  	v7 =	vadd.f32 v7, v8;
	v8 =	vld [tilespmem:s19+$0xB0];
	_ =	sdelay $0x1  }
0x43b: {  	[tilespmem:s20+$0x7A90] =	vst v7;
	v7 =	vld [tilespmem:s20+$0x3DA0]  }
0x43c: {  	v9 =	vld.idx.msk [tilespmem:v56+s3+$0x0], $0xffff;
	_ =	sdelay $0x1  }
0x43d: {  	v10 =	vld [tilespmem:s20+$0xB0];
	v5 =	vadd.f32 v6, v5;
	_ =	sdelay $0x1  }
0x43e: {  	[tilespmem:s19+$0x7AA0] =	vst v5;
	v5 =	vld [tilespmem:s19+$0x3DB0]  }
0x43f: {  	v6 =	vadd.f32 v7, v9;
	v7 =	vld.idx.msk [tilespmem:v8+s3+$0x0], $0xffff  }
0x440: {  	v8 =	vld [tilespmem:s19+$0xC0];
	_ =	sdelay $0x1  }
0x441: {  	v58 =	vld [tilespmem:s20+$0xC0]  }
0x442: {  	[tilespmem:s20+$0x7AA0] =	vst v6;
	v6 =	vld [tilespmem:s20+$0x3DB0]  }
0x443: {  	v57 =	vld.idx.msk [tilespmem:v10+s3+$0x0], $0xffff  }
0x444: {  	v5 =	vadd.f32 v5, v7  }
0x445: {  	v59 =	vld [tilespmem:s18+$0x3DD0]  }
0x446: {  	[tilespmem:s19+$0x7AB0] =	vst v5;
	v5 =	vld [tilespmem:s19+$0x3DC0]  }
0x447: {  	v3 =	vadd.f32 v3, v4;
	v7 =	vld.idx.msk [tilespmem:v8+s3+$0x0], $0xffff  }
0x448: {  	v6 =	vadd.f32 v6, v57;
	v8 =	vld [tilespmem:s19+$0xD0]  }
0x449: {  	v4 =	vld [tilespmem:s20+$0x3DC0];
	[tilespmem:s18+$0x7AC0] =	vst v3  }
0x44a: {  	v2 =	vld.idx.msk [tilespmem:v2+s3+$0x0], $0xffff;
	[tilespmem:s20+$0x7AB0] =	vst v6  }
0x44b: {  	v6 =	vld.idx.msk [tilespmem:v58+s3+$0x0], $0xffff  }
0x44c: {  	v3 =	vld [tilespmem:s20+$0xD0]  }
0x44d: {  	v60 =	vld [tilespmem:s18+$0x3DE0];
	v5 =	vadd.f32 v5, v7  }
0x44e: {  	v7 =	vld [tilespmem:s18+$0xE0]  }
0x44f: {  	[tilespmem:s19+$0x7AC0] =	vst v5;
	v5 =	vld [tilespmem:s19+$0x3DD0]  }
0x450: {  	v2 =	vadd.f32 v59, v2;
	v4 =	vadd.f32 v4, v6;
	v6 =	vld.idx.msk [tilespmem:v8+s3+$0x0], $0xffff  }
0x451: {  	v8 =	vld [tilespmem:s19+$0xE0]  }
0x452: {  	[tilespmem:s18+$0x7AD0] =	vst v2;
	v2 =	vld [tilespmem:s20+$0xE0]  }
0x453: {  	[tilespmem:s20+$0x7AC0] =	vst v4;
	v4 =	vld [tilespmem:s20+$0x3DD0]  }
0x454: {  	v3 =	vld.idx.msk [tilespmem:v3+s3+$0x0], $0xffff  }
0x455: {  	v61 =	vld [tilespmem:s20+$0xF0]  }
0x456: {  	v5 =	vadd.f32 v5, v6;
	v6 =	vld.idx.msk [tilespmem:v7+s3+$0x0], $0xffff  }
0x457: {  	v7 =	vld [tilespmem:s18+$0xF0]  }
0x458: {  	[tilespmem:s19+$0x7AD0] =	vst v5;
	v5 =	vld [tilespmem:s19+$0x3DE0]  }
0x459: {  	v3 =	vadd.f32 v4, v3;
	v4 =	vld.idx.msk [tilespmem:v8+s3+$0x0], $0xffff  }
0x45a: {  	v8 =	vld [tilespmem:s19+$0xF0]  }
0x45b: {  	[tilespmem:s20+$0x7AD0] =	vst v3;
	v3 =	vld [tilespmem:s20+$0x3DE0]  }
0x45c: {  	v2 =	vld.idx.msk [tilespmem:v2+s3+$0x0], $0xffff  }
0x45d: {  	v6 =	vadd.f32 v60, v6;
	_ =	sdelay $0x1  }
0x45e: {  	[tilespmem:s18+$0x7AE0] =	vst v6;
	v4 =	vadd.f32 v5, v4;
	v5 =	vld [tilespmem:s18+$0x3DF0]  }
0x45f: {  	v6 =	vld.idx.msk [tilespmem:v7+s3+$0x0], $0xffff  }
0x460: {  	[tilespmem:s19+$0x7AE0] =	vst v4;
	v2 =	vadd.f32 v3, v2;
	v3 =	vld [tilespmem:s19+$0x3DF0]  }
0x461: {  	v4 =	vld.idx.msk [tilespmem:v8+s3+$0x0], $0xffff  }
0x462: {  	[tilespmem:s20+$0x7AE0] =	vst v2;
	v2 =	vld [tilespmem:s20+$0x3DF0]  }
0x463: {  	v7 =	vld.idx.msk [tilespmem:v61+s3+$0x0], $0xffff;
	_ =	sdelay $0x1  }
0x464: {  	v0 =	vadd.f32 v0, v1  }
0x465: {  	v1 =	vadd.f32 v5, v6  }
0x466: {  	[tilespmem:s17+$0x7AF0] =	vst v0;
	v0 =	vadd.f32 v3, v4  }
0x467: {  	[tilespmem:s18+$0x7AF0] =	vst v1;
	v1 =	vadd.f32 v2, v7  }
0x468: {  	[tilespmem:s19+$0x7AF0] =	vst v0  }
0x469: {  	s21 =	simm.s32 $0x0;
	[tilespmem:s20+$0x7AF0] =	vst v1  }
0x46a: {  	[hbm4b:s29+s21] =	stream.linear.scatter [tilespmem:s8], [sflag:$0x5], $0x1E80, $0x38;
	[tilespmem:$0xC080] =	vst v63  }
0x46b: {  	_ =	swait.ge [sflag:s9], $0x1E80  }
0x46c: {  	[sflag:s9] =	ssyncset.done $0x0  }
0x46d: {  	[sflag:s9] =	ssyncadd.s32 $0xFFFFE180  }
0x46e: {  	_ =	swait.ge [sflag:s10], $0x1E80  }
0x46f: {  	[sflag:s10] =	ssyncset.done $0x0  }
0x470: {  	[sflag:s10] =	ssyncadd.s32 $0xFFFFE180  }
0x471: {  	_ =	swait.ge [sflag:s13], $0x1E80  }
0x472: {  	[sflag:s13] =	ssyncset.done $0x0  }
0x473: {  	s17 =	simm.s32 $0x0;
	[sflag:s13] =	ssyncadd.s32 $0xFFFFE180  }
0x474: {  	v0 =	vld [tilespmem:s17+$0x1F00];
	_ =	sdelay $0x5  }
0x475: {  	v1 =	vld [tilespmem:s17+$0x5C00]  }
0x476: {  	v2 =	vld [tilespmem:s17+$0x1F10]  }
0x477: {  	v0 =	vld.idx.msk [tilespmem:v0+s3+$0x0], $0xffff;
	_ =	sdelay $0x4  }
0x478: {  	v0 =	vadd.f32 v1, v0;
	_ =	sdelay $0x1  }
0x479: {  	[tilespmem:s17+$0x9900] =	vst v0;
	v0 =	vld [tilespmem:s17+$0x5C10]  }
0x47a: {  	v1 =	vld.idx.msk [tilespmem:v2+s3+$0x0], $0xffff  }
0x47b: {  	v2 =	vld [tilespmem:s17+$0x1F20];
	_ =	sdelay $0x2  }
0x47c: {  	s18 =	simm.s32 $0x80  }
0x47d: {  	v0 =	vadd.f32 v0, v1;
	v1 =	vld [tilespmem:s18+$0x1F00];
	_ =	sdelay $0x1  }
0x47e: {  	v3 =	vld [tilespmem:s17+$0x1F30]  }
0x47f: {  	[tilespmem:s17+$0x9910] =	vst v0;
	v0 =	vld [tilespmem:s17+$0x5C20]  }
0x480: {  	v2 =	vld.idx.msk [tilespmem:v2+s3+$0x0], $0xffff;
	_ =	sdelay $0x2  }
0x481: {  	v4 =	vld [tilespmem:s18+$0x5C00]  }
0x482: {  	v1 =	vld.idx.msk [tilespmem:v1+s3+$0x0], $0xffff  }
0x483: {  	v0 =	vadd.f32 v0, v2;
	v2 =	vld [tilespmem:s18+$0x1F10]  }
0x484: {  	v5 =	vld [tilespmem:s17+$0x1F40]  }
0x485: {  	[tilespmem:s17+$0x9920] =	vst v0;
	v0 =	vld [tilespmem:s17+$0x5C30]  }
0x486: {  	v3 =	vld.idx.msk [tilespmem:v3+s3+$0x0], $0xffff;
	_ =	sdelay $0x1  }
0x487: {  	v1 =	vadd.f32 v4, v1;
	_ =	sdelay $0x1  }
0x488: {  	[tilespmem:s18+$0x9900] =	vst v1;
	v1 =	vld [tilespmem:s18+$0x5C10]  }
0x489: {  	v0 =	vadd.f32 v0, v3;
	v2 =	vld.idx.msk [tilespmem:v2+s3+$0x0], $0xffff  }
0x48a: {  	v3 =	vld [tilespmem:s18+$0x1F20]  }
0x48b: {  	[tilespmem:s17+$0x9930] =	vst v0;
	v0 =	vld [tilespmem:s17+$0x5C40]  }
0x48c: {  	v4 =	vld.idx.msk [tilespmem:v5+s3+$0x0], $0xffff  }
0x48d: {  	v5 =	vld [tilespmem:s17+$0x1F50];
	_ =	sdelay $0x1  }
0x48e: {  	s19 =	simm.s32 $0x100;
	v6 =	vld [tilespmem:s17+$0x1F60];
	v1 =	vadd.f32 v1, v2  }
0x48f: {  	v2 =	vld [tilespmem:s19+$0x1F00]  }
0x490: {  	[tilespmem:s18+$0x9910] =	vst v1;
	v1 =	vld [tilespmem:s18+$0x5C20]  }
0x491: {  	v0 =	vadd.f32 v0, v4;
	v3 =	vld.idx.msk [tilespmem:v3+s3+$0x0], $0xffff  }
0x492: {  	v4 =	vld [tilespmem:s18+$0x1F30]  }
0x493: {  	[tilespmem:s17+$0x9940] =	vst v0;
	v0 =	vld [tilespmem:s17+$0x5C50]  }
0x494: {  	v5 =	vld.idx.msk [tilespmem:v5+s3+$0x0], $0xffff  }
0x495: {  	v7 =	vld [tilespmem:s19+$0x5C00]  }
0x496: {  	v8 =	vld [tilespmem:s18+$0x1F40]  }
0x497: {  	v1 =	vadd.f32 v1, v3;
	v2 =	vld.idx.msk [tilespmem:v2+s3+$0x0], $0xffff  }
0x498: {  	v3 =	vld [tilespmem:s19+$0x1F10]  }
0x499: {  	[tilespmem:s18+$0x9920] =	vst v1;
	v1 =	vld [tilespmem:s18+$0x5C30];
	v0 =	vadd.f32 v0, v5  }
0x49a: {  	v4 =	vld.idx.msk [tilespmem:v4+s3+$0x0], $0xffff  }
0x49b: {  	[tilespmem:s17+$0x9950] =	vst v0;
	v0 =	vld [tilespmem:s17+$0x5C60]  }
0x49c: {  	v2 =	vadd.f32 v7, v2;
	v7 =	vld [tilespmem:s17+$0x1F70]  }
0x49d: {  	v6 =	vld.idx.msk [tilespmem:v6+s3+$0x0], $0xffff  }
0x49e: {  	v62 =	vld [tilespmem:s19+$0x5C10]  }
0x49f: {  	v5 =	vld [tilespmem:s19+$0x1F20];
	[tilespmem:s19+$0x9900] =	vst v2  }
0x4a0: {  	v1 =	vadd.f32 v1, v4;
	v63 =	vld.idx.msk [tilespmem:v3+s3+$0x0], $0xffff  }
0x4a1: {  	v2 =	vld [tilespmem:s18+$0x1F50]  }
0x4a2: {  	v3 =	vld [tilespmem:s18+$0x5C40];
	[tilespmem:s18+$0x9930] =	vst v1;
	v0 =	vadd.f32 v0, v6  }
0x4a3: {  	v4 =	vld.idx.msk [tilespmem:v8+s3+$0x0], $0xffff  }
0x4a4: {  	[tilespmem:s17+$0x9960] =	vst v0;
	v0 =	vld [tilespmem:s17+$0x5C70]  }
0x4a5: {  	s20 =	simm.s32 $0x180;
	s21 =	simm.s32 $0x800;
	v6 =	vadd.f32 v62, v63;
	v1 =	vld.idx.msk [tilespmem:v7+s3+$0x0], $0xffff  }
.LBB2_16:
0x4a6: {  	p1 =	sne.s32 s21, $0x7800;
	v7 =	vld [tilespmem:s20+$0x1F00]  }
0x4a7: {  	[tilespmem:s19+$0x9910] =	vst v6;
	v6 =	vld [tilespmem:s19+$0x5C20]  }
0x4a8: {  	v3 =	vadd.f32 v3, v4;
	v5 =	vld.idx.msk [tilespmem:v5+s3+$0x0], $0xffff  }
0x4a9: {  	v4 =	vld [tilespmem:s19+$0x1F30]  }
0x4aa: {  	[tilespmem:s18+$0x9940] =	vst v3;
	v3 =	vld [tilespmem:s18+$0x5C50]  }
0x4ab: {  	v0 =	vadd.f32 v0, v1;
	v2 =	vld.idx.msk [tilespmem:v2+s3+$0x0], $0xffff  }
0x4ac: {  	v1 =	vld [tilespmem:s18+$0x1F60]  }
0x4ad: {  	v8 =	vld [tilespmem:s20+$0x5C00];
	[tilespmem:s17+$0x9970] =	vst v0;
	s17 =	smov.u32 s18;
	s18 =	smov.u32 s19;
	s19 =	smov.u32 s20  }
0x4ae: {  	v5 =	vadd.f32 v6, v5;
	v0 =	vld.idx.msk [tilespmem:v7+s3+$0x0], $0xffff  }
0x4af: {  	v6 =	vld [tilespmem:s19+$0x1F10]  }
0x4b0: {  	[tilespmem:s18+$0x9920] =	vst v5;
	v5 =	vld [tilespmem:s18+$0x5C30]  }
0x4b1: {  	v2 =	vadd.f32 v3, v2;
	v4 =	vld.idx.msk [tilespmem:v4+s3+$0x0], $0xffff  }
0x4b2: {  	v7 =	vld [tilespmem:s18+$0x1F40]  }
0x4b3: {  	[tilespmem:s17+$0x9950] =	vst v2;
	v2 =	vld [tilespmem:s17+$0x5C60]  }
0x4b4: {  	v0 =	vadd.f32 v8, v0;
	v1 =	vld.idx.msk [tilespmem:v1+s3+$0x0], $0xffff  }
0x4b5: {  	v8 =	vld [tilespmem:s17+$0x1F70]  }
0x4b6: {  	[tilespmem:s19+$0x9900] =	vst v0;
	v9 =	vld [tilespmem:s19+$0x5C10]  }
0x4b7: {  	v0 =	vadd.f32 v5, v4;
	v6 =	vld.idx.msk [tilespmem:v6+s3+$0x0], $0xffff  }
0x4b8: {  	v5 =	vld [tilespmem:s19+$0x1F20]  }
.Ltmp9:
0x4b9: {  	[tilespmem:s18+$0x9930] =	vst v0;
	v3 =	vld [tilespmem:s18+$0x5C40];
	(pc) =	sbr.rel @p1 .LBB2_16-.Ltmp9, $4  }
0x4ba: {  	v0 =	vadd.f32 v2, v1;
	v4 =	vld.idx.msk [tilespmem:v7+s3+$0x0], $0xffff  }
0x4bb: {  	v2 =	vld [tilespmem:s18+$0x1F50]  }
0x4bc: {  	[tilespmem:s17+$0x9960] =	vst v0;
	v0 =	vld [tilespmem:s17+$0x5C70]  }
0x4bd: {  	s20 =	sshra.s32 s21, $0x2;
	s21 =	sadd.s32 $0x200, s21;
	v6 =	vadd.f32 v9, v6;
	v1 =	vld.idx.msk [tilespmem:v8+s3+$0x0], $0xffff  }
0x4be: {  	v7 =	vld [tilespmem:s20+$0x1F00];
	_ =	sdelay $0x5  }
0x4bf: {  	v8 =	vld [tilespmem:s20+$0x5C00]  }
0x4c0: {  	v9 =	vld [tilespmem:s20+$0x1F10]  }
0x4c1: {  	v7 =	vld.idx.msk [tilespmem:v7+s3+$0x0], $0xffff;
	_ =	sdelay $0x4  }
0x4c2: {  	v7 =	vadd.f32 v8, v7  }
0x4c3: {  	v24 =	vld [tilespmem:s20+$0x5C10]  }
0x4c4: {  	v26 =	vld [tilespmem:s20+$0x1F20];
	[tilespmem:s20+$0x9900] =	vst v7  }
0x4c5: {  	v25 =	vld.idx.msk [tilespmem:v9+s3+$0x0], $0xffff;
	_ =	sdelay $0x2  }
0x4c6: {  	v27 =	vld [tilespmem:s19+$0x5C20]  }
0x4c7: {  	v28 =	vld [tilespmem:s19+$0x1F30]  }
0x4c8: {  	v29 =	vld [tilespmem:s20+$0x5C20];
	v7 =	vadd.f32 v24, v25  }
0x4c9: {  	v10 =	vld [tilespmem:s20+$0x1F30];
	[tilespmem:s19+$0x9910] =	vst v6  }
0x4ca: {  	v5 =	vld.idx.msk [tilespmem:v5+s3+$0x0], $0xffff;
	[tilespmem:s20+$0x9910] =	vst v7  }
0x4cb: {  	v9 =	vld.idx.msk [tilespmem:v26+s3+$0x0], $0xffff;
	_ =	sdelay $0x2  }
0x4cc: {  	v30 =	vld [tilespmem:s19+$0x5C30]  }
0x4cd: {  	v33 =	vld [tilespmem:s19+$0x1F40];
	v5 =	vadd.f32 v27, v5  }
0x4ce: {  	v34 =	vld [tilespmem:s20+$0x5C30];
	v31 =	vadd.f32 v29, v9  }
0x4cf: {  	v36 =	vld [tilespmem:s20+$0x1F40];
	[tilespmem:s19+$0x9920] =	vst v5  }
0x4d0: {  	v32 =	vld.idx.msk [tilespmem:v28+s3+$0x0], $0xffff;
	[tilespmem:s20+$0x9920] =	vst v31  }
0x4d1: {  	v35 =	vld.idx.msk [tilespmem:v10+s3+$0x0], $0xffff  }
0x4d2: {  	v37 =	vld [tilespmem:s19+$0x5C40]  }
0x4d3: {  	v39 =	vld [tilespmem:s19+$0x1F50]  }
0x4d4: {  	v40 =	vld [tilespmem:s20+$0x5C40]  }
0x4d5: {  	v41 =	vld [tilespmem:s20+$0x1F50];
	v5 =	vadd.f32 v30, v32  }
0x4d6: {  	v42 =	vld [tilespmem:s18+$0x5C50];
	v6 =	vadd.f32 v34, v35  }
0x4d7: {  	v43 =	vld [tilespmem:s18+$0x1F60];
	[tilespmem:s19+$0x9930] =	vst v5  }
0x4d8: {  	v38 =	vld.idx.msk [tilespmem:v33+s3+$0x0], $0xffff;
	[tilespmem:s20+$0x9930] =	vst v6  }
0x4d9: {  	v6 =	vld.idx.msk [tilespmem:v36+s3+$0x0], $0xffff  }
0x4da: {  	v44 =	vld [tilespmem:s19+$0x5C50]  }
0x4db: {  	v46 =	vld [tilespmem:s19+$0x1F60]  }
0x4dc: {  	v47 =	vld [tilespmem:s20+$0x5C50];
	v3 =	vadd.f32 v3, v4  }
0x4dd: {  	v48 =	vld [tilespmem:s20+$0x1F60];
	v5 =	vadd.f32 v37, v38  }
0x4de: {  	v49 =	vld [tilespmem:s18+$0x5C60];
	[tilespmem:s18+$0x9940] =	vst v3;
	v4 =	vadd.f32 v40, v6  }
0x4df: {  	v2 =	vld.idx.msk [tilespmem:v2+s3+$0x0], $0xffff;
	[tilespmem:s19+$0x9940] =	vst v5  }
0x4e0: {  	v45 =	vld.idx.msk [tilespmem:v39+s3+$0x0], $0xffff;
	[tilespmem:s20+$0x9940] =	vst v4  }
0x4e1: {  	v3 =	vld.idx.msk [tilespmem:v41+s3+$0x0], $0xffff  }
0x4e2: {  	v51 =	vld [tilespmem:s18+$0x1F70]  }
0x4e3: {  	v52 =	vld [tilespmem:s19+$0x5C60]  }
0x4e4: {  	v54 =	vld [tilespmem:s19+$0x1F70];
	v2 =	vadd.f32 v42, v2  }
0x4e5: {  	v55 =	vld [tilespmem:s20+$0x5C60];
	v5 =	vadd.f32 v44, v45  }
0x4e6: {  	v56 =	vld [tilespmem:s20+$0x1F70];
	[tilespmem:s18+$0x9950] =	vst v2;
	v3 =	vadd.f32 v47, v3  }
0x4e7: {  	v50 =	vld.idx.msk [tilespmem:v43+s3+$0x0], $0xffff;
	[tilespmem:s19+$0x9950] =	vst v5  }
0x4e8: {  	v53 =	vld.idx.msk [tilespmem:v46+s3+$0x0], $0xffff;
	[tilespmem:s20+$0x9950] =	vst v3  }
0x4e9: {  	v2 =	vld.idx.msk [tilespmem:v48+s3+$0x0], $0xffff;
	_ =	sdelay $0x2  }
0x4ea: {  	v57 =	vld [tilespmem:s18+$0x5C70];
	v6 =	vadd.f32 v49, v50  }
0x4eb: {  	v58 =	vld [tilespmem:s19+$0x5C70];
	v4 =	vadd.f32 v52, v53  }
0x4ec: {  	v59 =	vld [tilespmem:s20+$0x5C70];
	[tilespmem:s18+$0x9960] =	vst v6;
	v2 =	vadd.f32 v55, v2  }
0x4ed: {  	v6 =	vld.idx.msk [tilespmem:v51+s3+$0x0], $0xffff;
	[tilespmem:s19+$0x9960] =	vst v4  }
0x4ee: {  	v4 =	vld.idx.msk [tilespmem:v54+s3+$0x0], $0xffff;
	[tilespmem:s20+$0x9960] =	vst v2  }
0x4ef: {  	v60 =	vld.idx.msk [tilespmem:v56+s3+$0x0], $0xffff;
	_ =	sdelay $0x1  }
0x4f0: {  	v0 =	vadd.f32 v0, v1  }
0x4f1: {  	v61 =	vadd.f32 v57, v6  }
0x4f2: {  	[tilespmem:s17+$0x9970] =	vst v0;
	v62 =	vadd.f32 v58, v4  }
0x4f3: {  	[tilespmem:s18+$0x9970] =	vst v61;
	v63 =	vadd.f32 v59, v60  }
0x4f4: {  	[tilespmem:s19+$0x9970] =	vst v62  }
0x4f5: {  	s21 =	simm.s32 $0x0;
	[tilespmem:s20+$0x9970] =	vst v63  }
0x4f6: {  	[hbm4b:s30+s21] =	stream.linear.scatter [tilespmem:s11], [sflag:$0x6], $0x1E80, $0x38;
	[tilespmem:$0xC080] =	vst v63  }
0x4f7: {  	_ =	swait.ge [sflag:s12], $0x1E80  }
0x4f8: {  	[sflag:s12] =	ssyncset.done $0x0  }
0x4f9: {  	[sflag:s12] =	ssyncadd.s32 $0xFFFFE180  }
0x4fa: {  	_ =	swait.ge [sflag:s13], $0x1E80  }
0x4fb: {  	[sflag:s13] =	ssyncset.done $0x0  }
0x4fc: {  	[sflag:s13] =	ssyncadd.s32 $0xFFFFE180  }
0x4fd: {  	_ =	swait.ge [sflag:s14], $0x480  }
.Ltmp10:
0x4fe: {  	[sflag:s14] =	ssyncset.done $0x0;
	(pc) =	sbr.rel @p0 .LBB2_21-.Ltmp10, $4  }
0x4ff: {  	[sflag:s14] =	ssyncadd.s32 $0xFFFFFB80  }
0x500: {  	_ =	swait.ge [sflag:s15], $0x480  }
0x501: {  	[sflag:s15] =	ssyncset.done $0x0  }
0x502: {  	[sflag:s15] =	ssyncadd.s32 $0xFFFFFB80  }
0x503: {  	s17 =	simm.s32 $0x0  }
0x504: {  	v0 =	vld [tilespmem:s17+$0xB780];
	_ =	sdelay $0x5  }
0x505: {  	v1 =	vld [tilespmem:s17+$0xBC00]  }
0x506: {  	v2 =	vld [tilespmem:s17+$0xB790]  }
0x507: {  	v0 =	vld.idx.msk [tilespmem:v0+s3+$0x0], $0xffff;
	_ =	sdelay $0x4  }
0x508: {  	v0 =	vadd.f32 v1, v0;
	_ =	sdelay $0x1  }
0x509: {  	[tilespmem:s17+$0x7A80] =	vst v0;
	v0 =	vld [tilespmem:s17+$0xBC10]  }
0x50a: {  	v1 =	vld.idx.msk [tilespmem:v2+s3+$0x0], $0xffff  }
0x50b: {  	v2 =	vld [tilespmem:s17+$0xB7A0];
	_ =	sdelay $0x2  }
0x50c: {  	s18 =	simm.s32 $0x80  }
0x50d: {  	v0 =	vadd.f32 v0, v1;
	v1 =	vld [tilespmem:s18+$0xB780];
	_ =	sdelay $0x1  }
0x50e: {  	v3 =	vld [tilespmem:s17+$0xB7B0]  }
0x50f: {  	[tilespmem:s17+$0x7A90] =	vst v0;
	v0 =	vld [tilespmem:s17+$0xBC20]  }
0x510: {  	v2 =	vld.idx.msk [tilespmem:v2+s3+$0x0], $0xffff;
	_ =	sdelay $0x2  }
0x511: {  	v4 =	vld [tilespmem:s18+$0xBC00]  }
0x512: {  	v1 =	vld.idx.msk [tilespmem:v1+s3+$0x0], $0xffff  }
0x513: {  	v0 =	vadd.f32 v0, v2;
	v2 =	vld [tilespmem:s18+$0xB790]  }
0x514: {  	v5 =	vld [tilespmem:s17+$0xB7C0]  }
0x515: {  	[tilespmem:s17+$0x7AA0] =	vst v0;
	v0 =	vld [tilespmem:s17+$0xBC30]  }
0x516: {  	v3 =	vld.idx.msk [tilespmem:v3+s3+$0x0], $0xffff;
	_ =	sdelay $0x1  }
0x517: {  	v1 =	vadd.f32 v4, v1;
	_ =	sdelay $0x1  }
0x518: {  	[tilespmem:s18+$0x7A80] =	vst v1;
	v1 =	vld [tilespmem:s18+$0xBC10]  }
0x519: {  	v0 =	vadd.f32 v0, v3;
	v2 =	vld.idx.msk [tilespmem:v2+s3+$0x0], $0xffff  }
0x51a: {  	v3 =	vld [tilespmem:s18+$0xB7A0]  }
0x51b: {  	[tilespmem:s17+$0x7AB0] =	vst v0;
	v0 =	vld [tilespmem:s17+$0xBC40]  }
0x51c: {  	v4 =	vld.idx.msk [tilespmem:v5+s3+$0x0], $0xffff  }
0x51d: {  	v5 =	vld [tilespmem:s17+$0xB7D0];
	_ =	sdelay $0x1  }
0x51e: {  	s19 =	simm.s32 $0x100;
	v6 =	vld [tilespmem:s17+$0xB7E0];
	v1 =	vadd.f32 v1, v2  }
0x51f: {  	v2 =	vld [tilespmem:s19+$0xB780]  }
0x520: {  	[tilespmem:s18+$0x7A90] =	vst v1;
	v1 =	vld [tilespmem:s18+$0xBC20]  }
0x521: {  	v0 =	vadd.f32 v0, v4;
	v3 =	vld.idx.msk [tilespmem:v3+s3+$0x0], $0xffff  }
0x522: {  	v4 =	vld [tilespmem:s18+$0xB7B0]  }
0x523: {  	[tilespmem:s17+$0x7AC0] =	vst v0;
	v0 =	vld [tilespmem:s17+$0xBC50]  }
0x524: {  	v5 =	vld.idx.msk [tilespmem:v5+s3+$0x0], $0xffff  }
0x525: {  	v7 =	vld [tilespmem:s19+$0xBC00]  }
0x526: {  	v8 =	vld [tilespmem:s18+$0xB7C0]  }
0x527: {  	v1 =	vadd.f32 v1, v3;
	v2 =	vld.idx.msk [tilespmem:v2+s3+$0x0], $0xffff  }
0x528: {  	v3 =	vld [tilespmem:s19+$0xB790]  }
0x529: {  	[tilespmem:s18+$0x7AA0] =	vst v1;
	v1 =	vld [tilespmem:s18+$0xBC30];
	v0 =	vadd.f32 v0, v5  }
0x52a: {  	v4 =	vld.idx.msk [tilespmem:v4+s3+$0x0], $0xffff  }
0x52b: {  	[tilespmem:s17+$0x7AD0] =	vst v0;
	v0 =	vld [tilespmem:s17+$0xBC60]  }
0x52c: {  	v2 =	vadd.f32 v7, v2;
	v7 =	vld [tilespmem:s17+$0xB7F0]  }
0x52d: {  	v6 =	vld.idx.msk [tilespmem:v6+s3+$0x0], $0xffff  }
0x52e: {  	v9 =	vld [tilespmem:s19+$0xBC10]  }
0x52f: {  	v5 =	vld [tilespmem:s19+$0xB7A0];
	[tilespmem:s19+$0x7A80] =	vst v2  }
0x530: {  	v1 =	vadd.f32 v1, v4;
	v10 =	vld.idx.msk [tilespmem:v3+s3+$0x0], $0xffff  }
0x531: {  	v2 =	vld [tilespmem:s18+$0xB7D0]  }
0x532: {  	v3 =	vld [tilespmem:s18+$0xBC40];
	[tilespmem:s18+$0x7AB0] =	vst v1;
	v0 =	vadd.f32 v0, v6  }
0x533: {  	v4 =	vld.idx.msk [tilespmem:v8+s3+$0x0], $0xffff  }
0x534: {  	[tilespmem:s17+$0x7AE0] =	vst v0;
	v0 =	vld [tilespmem:s17+$0xBC70]  }
0x535: {  	s20 =	simm.s32 $0x180;
	s21 =	simm.s32 $0x800;
	v6 =	vadd.f32 v9, v10;
	v1 =	vld.idx.msk [tilespmem:v7+s3+$0x0], $0xffff  }
.LBB2_19:
0x536: {  	p1 =	sne.s32 s21, $0x1000;
	v7 =	vld [tilespmem:s20+$0xB780]  }
0x537: {  	[tilespmem:s19+$0x7A90] =	vst v6;
	v6 =	vld [tilespmem:s19+$0xBC20]  }
0x538: {  	v3 =	vadd.f32 v3, v4;
	v5 =	vld.idx.msk [tilespmem:v5+s3+$0x0], $0xffff  }
0x539: {  	v4 =	vld [tilespmem:s19+$0xB7B0]  }
0x53a: {  	[tilespmem:s18+$0x7AC0] =	vst v3;
	v3 =	vld [tilespmem:s18+$0xBC50]  }
0x53b: {  	v0 =	vadd.f32 v0, v1;
	v2 =	vld.idx.msk [tilespmem:v2+s3+$0x0], $0xffff  }
0x53c: {  	v1 =	vld [tilespmem:s18+$0xB7E0]  }
0x53d: {  	v8 =	vld [tilespmem:s20+$0xBC00];
	[tilespmem:s17+$0x7AF0] =	vst v0;
	s17 =	smov.u32 s18;
	s18 =	smov.u32 s19;
	s19 =	smov.u32 s20  }
0x53e: {  	v5 =	vadd.f32 v6, v5;
	v0 =	vld.idx.msk [tilespmem:v7+s3+$0x0], $0xffff  }
0x53f: {  	v6 =	vld [tilespmem:s19+$0xB790]  }
0x540: {  	[tilespmem:s18+$0x7AA0] =	vst v5;
	v5 =	vld [tilespmem:s18+$0xBC30]  }
0x541: {  	v2 =	vadd.f32 v3, v2;
	v4 =	vld.idx.msk [tilespmem:v4+s3+$0x0], $0xffff  }
0x542: {  	v7 =	vld [tilespmem:s18+$0xB7C0]  }
0x543: {  	[tilespmem:s17+$0x7AD0] =	vst v2;
	v2 =	vld [tilespmem:s17+$0xBC60]  }
0x544: {  	v0 =	vadd.f32 v8, v0;
	v1 =	vld.idx.msk [tilespmem:v1+s3+$0x0], $0xffff  }
0x545: {  	v8 =	vld [tilespmem:s17+$0xB7F0]  }
0x546: {  	[tilespmem:s19+$0x7A80] =	vst v0;
	v9 =	vld [tilespmem:s19+$0xBC10]  }
0x547: {  	v0 =	vadd.f32 v5, v4;
	v6 =	vld.idx.msk [tilespmem:v6+s3+$0x0], $0xffff  }
0x548: {  	v5 =	vld [tilespmem:s19+$0xB7A0]  }
.Ltmp11:
0x549: {  	[tilespmem:s18+$0x7AB0] =	vst v0;
	v3 =	vld [tilespmem:s18+$0xBC40];
	(pc) =	sbr.rel @p1 .LBB2_19-.Ltmp11, $4  }
0x54a: {  	v0 =	vadd.f32 v2, v1;
	v4 =	vld.idx.msk [tilespmem:v7+s3+$0x0], $0xffff  }
0x54b: {  	v2 =	vld [tilespmem:s18+$0xB7D0]  }
0x54c: {  	[tilespmem:s17+$0x7AE0] =	vst v0;
	v0 =	vld [tilespmem:s17+$0xBC70]  }
0x54d: {  	s20 =	sshra.s32 s21, $0x2;
	s21 =	sadd.s32 $0x200, s21;
	v6 =	vadd.f32 v9, v6;
	v1 =	vld.idx.msk [tilespmem:v8+s3+$0x0], $0xffff  }
.Ltmp12:
0x54e: {  	_ = 	snop;
	(pc) =	sbr.rel .LBB2_20-.Ltmp12, $1  }
0x54f: {  	_ =	sdelay $0x3  }
.LBB2_22:
0x550: {  	_ =	sfence.sel $0x180000  }
0x551: {  	[bflag:$0x0] =	sbarrier.arrive $0xFFFF  }
0x552: {  	_ =	strace $0x90000047  }
0x553: {  	s0 =	stileid.u32;
	[bflag:$0x2] =	sbarrier.arrive $0xFFFF  }
0x554: {  	p0 =	sne.s32 s0, $0x0;
	s0 =	rddreg [dreg:$0x4]  }
0x555: {  	s0 =	sadd.s32 @!p0 $0x100000, s0  }
0x556: {  	[sflag:s0] =	ssyncadd.tile.s32 @!p0 $0x1;
	_ =	shalt  }
.Lfunc_end2:
_tile_overlayer_lowered:
.L_overlay_start_2:
0x557: {  	(tag) =	ssettag $0x2  }
0x558: {  	s0 =	rddreg [dreg:$0x0];
	s2 =	stileid.u32  }
0x559: {  	s1 =	rddreg [dreg:$0x1];
	p0 =	sne.s32 s2, $0x0  }
0x55a: {  	s3 =	rddreg [dreg:$0x2];
	[bflag:$0x3] =	sbarrier.arrive $0xFFFF;
	s2 =	simm.s32 @!p0 $0x1C0A  }
0x55b: {  	[timem:s3], [sflag:s2] =	dma.local @!p0 [hbm:s0], s1  }
0x55c: {  	s0 =	simm.s32 @!p0 $0xA  }
0x55d: {  	_ =	swait.ge @!p0 [sflag:s0], s1  }
0x55e: {  	s1 =	ssub.s32 @!p0 $0x0, s1;
	[sflag:s0] =	ssyncset.done @!p0 $0x0  }
0x55f: {  	[sflag:s0] =	ssyncadd.s32 @!p0 s1  }
0x560: {  	[bflag:$0x3] =	sbarrier.arrive $0xFFFF  }
0x561: {  	_ =	shalt  }

</sc_bundles>
